<compile_context>
chip_gen: v7x
topology: tpu7x:2x2x1
jax: 0.10.2.dev20260603
libtpu: 0.0.44.dev20260713+nightly
codegen_flags: <defaults>
</compile_context>

<pallas_src>
import functools
import math

import jax
import jax.numpy as jnp
from jax import lax
from jax.experimental import pallas as pl
from jax.experimental.pallas import tpu as pltpu
from jax.experimental.pallas import tpu_sc as plsc

D_MODEL = 64
SCALE = math.sqrt(D_MODEL)
CHUNK = 128


def kernel(tokens, table):
    b, s = tokens.shape
    v, d = table.shape
    tok_phys = tokens.T.astype(jnp.int32)
    table_t = table.T

    info = plsc.get_sparse_core_info()
    num_workers = info.num_cores * info.num_subcores
    nchunks = b // CHUNK

    mesh = plsc.VectorSubcoreMesh(core_axis_name="c", subcore_axis_name="s")

    BLKW = 256
    nblk = v // BLKW
    tail = v - nblk * BLKW

    @functools.partial(
        pl.kernel,
        mesh=mesh,
        out_type=jax.ShapeDtypeStruct((v // 2, 2 * d), jnp.float32),
        scratch_types=[
            pltpu.VMEM((2, d, BLKW), jnp.float32),
            pltpu.VMEM((2, BLKW // 2, 2 * d), jnp.float32),
        ]
        + [pltpu.SemaphoreType.DMA] * 4,
        compiler_params=pltpu.CompilerParams(needs_layout_passes=False),
    )
    def relayout_kernel(tab_hbm, tail_hbm, out_hbm, in_b, out_b, *sems):
        isems = sems[:2]
        osems = sems[2:]
        wid = lax.axis_index("s") * info.num_cores + lax.axis_index("c")
        kmax = 2 * ((nblk // num_workers + 2) // 2)
        lane = jnp.arange(16, dtype=jnp.int32)

        def in_start(blk, p, w):
            pltpu.async_copy(
                tab_hbm.at[:, pl.ds(blk * BLKW, w)],
                in_b.at[p, :, pl.ds(0, w)],
                isems[p],
            )

        def in_wait(p, w):
            pltpu.make_async_copy(
                tab_hbm.at[:, pl.ds(0, w)], in_b.at[p, :, pl.ds(0, w)], isems[p]
            ).wait()

        def out_start(blk, p, w):
            pltpu.async_copy(
                out_b.at[p, pl.ds(0, w // 2)],
                out_hbm.at[pl.ds(blk * (BLKW // 2), w // 2)],
                osems[p],
            )

        def out_wait(p, w):
            pltpu.make_async_copy(
                out_b.at[p, pl.ds(0, w // 2)],
                out_hbm.at[pl.ds(0, w // 2)],
                osems[p],
            ).wait()

        def transpose_block(p, w):
            @plsc.parallel_loop(0, (w // 16) * 16, unroll=4)
            def _(t2):
                tb = t2 >> 4
                dd = t2 & 15
                rotv = (lane + dd) & 15
                tvec = tb * 16 + rotv
                rv = tvec >> 1
                cbase = ((tvec & 1) << 6) + lane
                for cb in range(d // 16):
                    vals = plsc.load_gather(in_b.at[p], [cb * 16 + lane, tvec])
                    plsc.store_scatter(out_b.at[p], [rv, cbase + cb * 16], vals)

        in_start(wid, 0, BLKW)
        in_start(wid + num_workers, 1, BLKW)

        def round_body(k2, carry):
            for p in range(2):
                k = k2 * 2 + p
                blk = wid + k * num_workers
                live = blk < nblk

                @pl.when(live & (k2 >= 1))
                def _():
                    out_wait(p, BLKW)

                @pl.when(live)
                def _():
                    in_wait(p, BLKW)
                    transpose_block(p, BLKW)

                @pl.when((blk + 2 * num_workers) < nblk)
                def _():
                    in_start(blk + 2 * num_workers, p, BLKW)

                @pl.when(live)
                def _():
                    out_start(blk, p, BLKW)

            return carry

        lax.fori_loop(0, kmax // 2, round_body, 0)
        out_wait(0, BLKW)
        out_wait(1, BLKW)

        if tail:

            @pl.when(wid == num_workers - 1)
            def _():
                tr = tail // 2
                stage = in_b.at[0, pl.ds(0, tr), pl.ds(0, 2 * d)]
                pltpu.sync_copy(tail_hbm, stage)
                pltpu.sync_copy(stage, out_hbm.at[pl.ds(nblk * (BLKW // 2), tr)])

    @functools.partial(
        pl.kernel,
        mesh=mesh,
        out_type=jax.ShapeDtypeStruct((s, d, b), jnp.float32),
        scratch_types=[
            pltpu.VMEM((s, CHUNK), jnp.int32),
            pltpu.VMEM((s, CHUNK), jnp.int32),
            pltpu.VMEM((2, CHUNK, 2 * d), jnp.float32),
            pltpu.VMEM((2, d, CHUNK), jnp.float32),
        ]
        + [pltpu.SemaphoreType.DMA] * 4,
        compiler_params=pltpu.CompilerParams(needs_layout_passes=False),
    )
    def emb_kernel(tok_hbm, table_hbm, out_hbm, idx_full, idx_half, rows, out_t, *sems):
        gsems = sems[:2]
        osems = sems[2:]
        wid = lax.axis_index("s") * info.num_cores + lax.axis_index("c")
        col0 = wid * CHUNK
        lane = jnp.arange(16, dtype=jnp.int32)

        pltpu.sync_copy(tok_hbm.at[:, pl.ds(col0, CHUNK)], idx_full)

        @plsc.parallel_loop(0, (s * CHUNK) // 16, unroll=4)
        def _(g):
            vals = idx_full[g >> 3, pl.ds((g & 7) * 16, 16)] >> 1
            idx_half[g >> 3, pl.ds((g & 7) * 16, 16)] = vals

        def gather_start(k, p):
            pltpu.async_copy(table_hbm.at[idx_half.at[k]], rows.at[p], gsems[p])

        def gather_wait(k, p):
            pltpu.make_async_copy(
                table_hbm.at[idx_half.at[k]], rows.at[p], gsems[p]
            ).wait()

        def write_start(k, p):
            pltpu.async_copy(
                out_t.at[p], out_hbm.at[k, :, pl.ds(col0, CHUNK)], osems[p]
            )

        def write_wait(k, p):
            pltpu.make_async_copy(
                out_t.at[p], out_hbm.at[k, :, pl.ds(col0, CHUNK)], osems[p]
            ).wait()

        def transpose_scale(k, p):
            @plsc.parallel_loop(0, (CHUNK // 16) * 16, unroll=4)
            def _(t):
                rb = t >> 4
                dd = t & 15
                idxv = idx_full[k, pl.ds(rb * 16, 16)]
                off = (idxv & 1) << 6
                ridx = rb * 16 + lane
                rotv = (lane + dd) & 15
                colbase = off + rotv
                for cb in range(d // 16):
                    crot = cb * 16 + rotv
                    vals = plsc.load_gather(rows.at[p], [ridx, colbase + cb * 16])
                    plsc.store_scatter(out_t.at[p], [crot, ridx], vals * SCALE)

        gather_start(0, 0)
        gather_start(1, 1)

        def round_body(k2, carry2):
            for p in range(2):
                k = k2 * 2 + p
                gather_wait(k, p)

                @pl.when(k >= 2)
                def _():
                    write_wait(k - 2, p)

                transpose_scale(k, p)
                write_start(k, p)

                @pl.when(k + 2 < s)
                def _():
                    gather_start(k + 2, p)

            return carry2

        lax.fori_loop(0, s // 2, round_body, 0)
        write_wait(s - 2, 0)
        write_wait(s - 1, 1)

    tail_rows = table[v - tail :, :].reshape(tail // 2, 2 * d)
    table2 = relayout_kernel(table_t, tail_rows)
    out_phys = emb_kernel(tok_phys, table2)
    return jnp.transpose(out_phys, (2, 0, 1))

# --- scband reference (transcript-rebuilt; emitter-appended) ---
"""Pipeline reference for scband-token-embedding-317827580684 (READ-ONLY COPY).

The authoritative reference and input builder live on the scoring server;
editing this copy changes nothing except your own understanding.
"""

import jax, jax.numpy as jnp
import numpy as np
import math

VOCAB = 1000000
D_MODEL = 64

def setup_inputs(seed: int = 0) -> dict:
    key = jax.random.key(seed)
    k_tok, k_tab = jax.random.split(key)
    tokens = jax.random.randint(k_tok, (4096, 200), 0, VOCAB, dtype=jnp.int64 if jax.config.jax_enable_x64 else jnp.int32)
    table = jax.random.normal(k_tab, (VOCAB, D_MODEL), dtype=jnp.float32)
    return {"tokens": tokens, "table": table}

def reference(tokens, table):
    # TokenEmbedding.forward: embedding lookup scaled by sqrt(d_model)
    emb = jnp.take(table, tokens, axis=0)
    return emb * math.sqrt(D_MODEL)

if __name__ == "__main__":
    import jax
    _d = setup_inputs()
    print(jax.jit(kernel)(*tuple(_d.values())))

</pallas_src>

<mosaic_0001>
#map = affine_map<(d0, d1) -> (0, 0)>
module attributes {stable_mosaic.version = 14 : i64} {
  func.func @relayout_kernel(%arg0: i32, %arg1: i32, %arg2: memref<64x1000000xf32, #tpu.memory_space<hbm>>, %arg3: memref<32x128xf32, #tpu.memory_space<hbm>>, %arg4: memref<500000x128xf32, #tpu.memory_space<hbm>>, %arg5: memref<2x64x256xf32, #tpu.memory_space<vmem>>, %arg6: memref<2x128x128xf32, #tpu.memory_space<vmem>>, %arg7: memref<!tpu.dma_semaphore, #tpu.memory_space<semaphore_mem>>, %arg8: memref<!tpu.dma_semaphore, #tpu.memory_space<semaphore_mem>>, %arg9: memref<!tpu.dma_semaphore, #tpu.memory_space<semaphore_mem>>, %arg10: memref<!tpu.dma_semaphore, #tpu.memory_space<semaphore_mem>>) attributes {dimension_semantics = [#tpu.dimension_semantics<core_parallel>, #tpu.dimension_semantics<subcore_parallel>], iteration_bounds = array<i64: 2, 16>, scalar_prefetch = 0 : i64, scratch_operands = 6 : i64, tpu.core_type = #tpu.core_type<sc_vector_subcore>, window_params = [{transform_indices = #map}, {transform_indices = #map}, {transform_indices = #map}]} {
    %mul3A = arith.constant 2 : i32
    %mul3A_0 = arith.muli %arg1, %mul3A : i32
    %add3A = arith.addi %mul3A_0, %arg0 : i32
    %iota3A = tpu.iota {dimensions = array<i32: 0>} : vector<16xi32>
    %mul3A_1 = arith.constant 256 : i32
    %mul3A_2 = arith.muli %add3A, %mul3A_1 : i32
    %dma_start3A = arith.constant 0 : i32
    %dma_start3A_3 = arith.constant 0 : i32
    %dma_start3A_4 = arith.constant 0 : i32
    %dma_start3A_5 = tpu.memref_slice %arg5[%dma_start3A, %dma_start3A_3, %dma_start3A_4] : memref<2x64x256xf32, #tpu.memory_space<vmem>> -> memref<1x64x256xf32, #tpu.memory_space<vmem>>
    %dma_start3A_6 = tpu.memref_squeeze %dma_start3A_5 : memref<1x64x256xf32, #tpu.memory_space<vmem>> -> memref<64x256xf32, #tpu.memory_space<vmem>>
    %dma_start3A_7 = arith.constant 0 : i32
    %dma_start3A_8 = tpu.memref_slice %arg2[%dma_start3A_7, %mul3A_2] : memref<64x1000000xf32, #tpu.memory_space<hbm>> -> memref<64x256xf32, #tpu.memory_space<hbm>>
    %dma_start3A_9 = arith.constant 0 : i32
    %dma_start3A_10 = arith.constant 0 : i32
    %dma_start3A_11 = tpu.memref_slice %arg5[%dma_start3A, %dma_start3A_9, %dma_start3A_10] : memref<2x64x256xf32, #tpu.memory_space<vmem>> -> memref<1x64x256xf32, #tpu.memory_space<vmem>>
    %dma_start3A_12 = tpu.memref_squeeze %dma_start3A_11 : memref<1x64x256xf32, #tpu.memory_space<vmem>> -> memref<64x256xf32, #tpu.memory_space<vmem>>
    %dma_start3A_13 = arith.constant 0 : i32
    %dma_start3A_14 = tpu.memref_slice %arg2[%dma_start3A_13, %mul3A_2] : memref<64x1000000xf32, #tpu.memory_space<hbm>> -> memref<64x256xf32, #tpu.memory_space<hbm>>
    tpu.enqueue_dma source(%dma_start3A_14 : memref<64x256xf32, #tpu.memory_space<hbm>>) target(%dma_start3A_12 : memref<64x256xf32, #tpu.memory_space<vmem>>) target_semaphore(%arg7 : memref<!tpu.dma_semaphore, #tpu.memory_space<semaphore_mem>>)
    %add3A_15 = arith.constant 32 : i32
    %add3A_16 = arith.addi %add3A, %add3A_15 : i32
    %mul3A_17 = arith.constant 256 : i32
    %mul3A_18 = arith.muli %add3A_16, %mul3A_17 : i32
    %dma_start3A_19 = arith.constant 1 : i32
    %dma_start3A_20 = arith.constant 0 : i32
    %dma_start3A_21 = arith.constant 0 : i32
    %dma_start3A_22 = tpu.memref_slice %arg5[%dma_start3A_19, %dma_start3A_20, %dma_start3A_21] : memref<2x64x256xf32, #tpu.memory_space<vmem>> -> memref<1x64x256xf32, #tpu.memory_space<vmem>>
    %dma_start3A_23 = tpu.memref_squeeze %dma_start3A_22 : memref<1x64x256xf32, #tpu.memory_space<vmem>> -> memref<64x256xf32, #tpu.memory_space<vmem>>
    %dma_start3A_24 = arith.constant 0 : i32
    %dma_start3A_25 = tpu.memref_slice %arg2[%dma_start3A_24, %mul3A_18] : memref<64x1000000xf32, #tpu.memory_space<hbm>> -> memref<64x256xf32, #tpu.memory_space<hbm>>
    %dma_start3A_26 = arith.constant 0 : i32
    %dma_start3A_27 = arith.constant 0 : i32
    %dma_start3A_28 = tpu.memref_slice %arg5[%dma_start3A_19, %dma_start3A_26, %dma_start3A_27] : memref<2x64x256xf32, #tpu.memory_space<vmem>> -> memref<1x64x256xf32, #tpu.memory_space<vmem>>
    %dma_start3A_29 = tpu.memref_squeeze %dma_start3A_28 : memref<1x64x256xf32, #tpu.memory_space<vmem>> -> memref<64x256xf32, #tpu.memory_space<vmem>>
    %dma_start3A_30 = arith.constant 0 : i32
    %dma_start3A_31 = tpu.memref_slice %arg2[%dma_start3A_30, %mul3A_18] : memref<64x1000000xf32, #tpu.memory_space<hbm>> -> memref<64x256xf32, #tpu.memory_space<hbm>>
    tpu.enqueue_dma source(%dma_start3A_31 : memref<64x256xf32, #tpu.memory_space<hbm>>) target(%dma_start3A_29 : memref<64x256xf32, #tpu.memory_space<vmem>>) target_semaphore(%arg8 : memref<!tpu.dma_semaphore, #tpu.memory_space<semaphore_mem>>)
    %scan3A = arith.constant 0 : i32
    %scan3A_32 = arith.constant 0 : i32
    %scan3A_33 = arith.constant 62 : i32
    %scan3A_34 = arith.addi %scan3A_32, %scan3A_33 : i32
    %scan3A_35 = arith.constant 1 : i32
    scf.for %scan3A_68 = %scan3A_32 to %scan3A_34 step %scan3A_35  : i32 {
      %mul3A_69 = arith.constant 2 : i32
      %mul3A_70 = arith.muli %scan3A_68, %mul3A_69 : i32
      %add3A_71 = arith.constant 0 : i32
      %add3A_72 = arith.addi %mul3A_70, %add3A_71 : i32
      %mul3A_73 = arith.constant 32 : i32
      %mul3A_74 = arith.muli %add3A_72, %mul3A_73 : i32
      %add3A_75 = arith.addi %add3A, %mul3A_74 : i32
      %lt3A = arith.constant 3906 : i32
      %lt3A_76 = arith.cmpi slt, %add3A_75, %lt3A : i32
      %ge3A = arith.constant 1 : i32
      %ge3A_77 = arith.cmpi sge, %scan3A_68, %ge3A : i32
      %and3A = arith.andi %lt3A_76, %ge3A_77 : i1
      %convert_element_type3A_78 = arith.extui %and3A : i1 to i32
      %cond3A_79 = arith.constant 0 : i32
      %cond3A_80 = arith.cmpi ne, %convert_element_type3A_78, %cond3A_79 : i32
      scf.if %cond3A_80 {
        %dma_wait3A_122 = arith.constant 0 : i32
        %dma_wait3A_123 = arith.constant 0 : i32
        %dma_wait3A_124 = arith.constant 0 : i32
        %dma_wait3A_125 = tpu.memref_slice %arg6[%dma_wait3A_122, %dma_wait3A_123, %dma_wait3A_124] : memref<2x128x128xf32, #tpu.memory_space<vmem>> -> memref<1x128x128xf32, #tpu.memory_space<vmem>>
        %dma_wait3A_126 = tpu.memref_squeeze %dma_wait3A_125 : memref<1x128x128xf32, #tpu.memory_space<vmem>> -> memref<128x128xf32, #tpu.memory_space<vmem>>
        %dma_wait3A_127 = arith.constant 0 : i32
        %dma_wait3A_128 = arith.constant 0 : i32
        %dma_wait3A_129 = tpu.memref_slice %arg4[%dma_wait3A_127, %dma_wait3A_128] : memref<500000x128xf32, #tpu.memory_space<hbm>> -> memref<128x128xf32, #tpu.memory_space<hbm>>
        %dma_wait3A_130 = arith.constant 0 : i32
        %dma_wait3A_131 = arith.constant 0 : i32
        %dma_wait3A_132 = tpu.memref_slice %arg4[%dma_wait3A_130, %dma_wait3A_131] : memref<500000x128xf32, #tpu.memory_space<hbm>> -> memref<128x128xf32, #tpu.memory_space<hbm>>
        %dma_wait3A_133 = arith.constant 0 : i32
        %dma_wait3A_134 = arith.constant 0 : i32
        %dma_wait3A_135 = tpu.memref_slice %arg6[%dma_wait3A_122, %dma_wait3A_133, %dma_wait3A_134] : memref<2x128x128xf32, #tpu.memory_space<vmem>> -> memref<1x128x128xf32, #tpu.memory_space<vmem>>
        %dma_wait3A_136 = tpu.memref_squeeze %dma_wait3A_135 : memref<1x128x128xf32, #tpu.memory_space<vmem>> -> memref<128x128xf32, #tpu.memory_space<vmem>>
        tpu.wait_dma2 semaphore(%arg9 : memref<!tpu.dma_semaphore, #tpu.memory_space<semaphore_mem>>) src(%dma_wait3A_136 : memref<128x128xf32, #tpu.memory_space<vmem>>) dst(%dma_wait3A_132 : memref<128x128xf32, #tpu.memory_space<hbm>>)
      } else {
      }
      %convert_element_type3A_81 = arith.extui %lt3A_76 : i1 to i32
      %cond3A_82 = arith.constant 0 : i32
      %cond3A_83 = arith.cmpi ne, %convert_element_type3A_81, %cond3A_82 : i32
      scf.if %cond3A_83 {
        %dma_wait3A_122 = arith.constant 0 : i32
        %dma_wait3A_123 = arith.constant 0 : i32
        %dma_wait3A_124 = arith.constant 0 : i32
        %dma_wait3A_125 = tpu.memref_slice %arg5[%dma_wait3A_122, %dma_wait3A_123, %dma_wait3A_124] : memref<2x64x256xf32, #tpu.memory_space<vmem>> -> memref<1x64x256xf32, #tpu.memory_space<vmem>>
        %dma_wait3A_126 = tpu.memref_squeeze %dma_wait3A_125 : memref<1x64x256xf32, #tpu.memory_space<vmem>> -> memref<64x256xf32, #tpu.memory_space<vmem>>
        %dma_wait3A_127 = arith.constant 0 : i32
        %dma_wait3A_128 = arith.constant 0 : i32
        %dma_wait3A_129 = tpu.memref_slice %arg2[%dma_wait3A_127, %dma_wait3A_128] : memref<64x1000000xf32, #tpu.memory_space<hbm>> -> memref<64x256xf32, #tpu.memory_space<hbm>>
        %dma_wait3A_130 = arith.constant 0 : i32
        %dma_wait3A_131 = arith.constant 0 : i32
        %dma_wait3A_132 = tpu.memref_slice %arg5[%dma_wait3A_122, %dma_wait3A_130, %dma_wait3A_131] : memref<2x64x256xf32, #tpu.memory_space<vmem>> -> memref<1x64x256xf32, #tpu.memory_space<vmem>>
        %dma_wait3A_133 = tpu.memref_squeeze %dma_wait3A_132 : memref<1x64x256xf32, #tpu.memory_space<vmem>> -> memref<64x256xf32, #tpu.memory_space<vmem>>
        %dma_wait3A_134 = arith.constant 0 : i32
        %dma_wait3A_135 = arith.constant 0 : i32
        %dma_wait3A_136 = tpu.memref_slice %arg2[%dma_wait3A_134, %dma_wait3A_135] : memref<64x1000000xf32, #tpu.memory_space<hbm>> -> memref<64x256xf32, #tpu.memory_space<hbm>>
        tpu.wait_dma2 semaphore(%arg7 : memref<!tpu.dma_semaphore, #tpu.memory_space<semaphore_mem>>) src(%dma_wait3A_136 : memref<64x256xf32, #tpu.memory_space<hbm>>) dst(%dma_wait3A_133 : memref<64x256xf32, #tpu.memory_space<vmem>>)
        %parallel_loop3A = arith.constant 0 : i32
        %parallel_loop3A_137 = arith.constant 256 : i32
        %parallel_loop3A_138 = arith.constant 1 : i32
        scf.for %parallel_loop3A_139 = %parallel_loop3A to %parallel_loop3A_137 step %parallel_loop3A_138  : i32 {
          %parallel_loop3A_140 = arith.constant 4 : i32
          %parallel_loop3A_141 = arith.shrsi %parallel_loop3A_139, %parallel_loop3A_140 : i32
          %parallel_loop3A_142 = arith.constant 15 : i32
          %parallel_loop3A_143 = arith.andi %parallel_loop3A_139, %parallel_loop3A_142 : i32
          %parallel_loop3A_144 = vector.broadcast %parallel_loop3A_143 : i32 to vector<16xi32>
          %parallel_loop3A_145 = arith.addi %iota3A, %parallel_loop3A_144 : vector<16xi32>
          %parallel_loop3A_146 = arith.constant 15 : i32
          %parallel_loop3A_147 = vector.broadcast %parallel_loop3A_146 : i32 to vector<16xi32>
          %parallel_loop3A_148 = arith.andi %parallel_loop3A_145, %parallel_loop3A_147 : vector<16xi32>
          %parallel_loop3A_149 = arith.constant 16 : i32
          %parallel_loop3A_150 = arith.muli %parallel_loop3A_141, %parallel_loop3A_149 : i32
          %parallel_loop3A_151 = vector.broadcast %parallel_loop3A_150 : i32 to vector<16xi32>
          %parallel_loop3A_152 = arith.addi %parallel_loop3A_151, %parallel_loop3A_148 : vector<16xi32>
          %parallel_loop3A_153 = arith.constant 1 : i32
          %parallel_loop3A_154 = vector.broadcast %parallel_loop3A_153 : i32 to vector<16xi32>
          %parallel_loop3A_155 = arith.shrsi %parallel_loop3A_152, %parallel_loop3A_154 : vector<16xi32>
          %parallel_loop3A_156 = arith.constant 1 : i32
          %parallel_loop3A_157 = vector.broadcast %parallel_loop3A_156 : i32 to vector<16xi32>
          %parallel_loop3A_158 = arith.andi %parallel_loop3A_152, %parallel_loop3A_157 : vector<16xi32>
          %parallel_loop3A_159 = arith.constant 6 : i32
          %parallel_loop3A_160 = vector.broadcast %parallel_loop3A_159 : i32 to vector<16xi32>
          %parallel_loop3A_161 = arith.shli %parallel_loop3A_158, %parallel_loop3A_160 : vector<16xi32>
          %parallel_loop3A_162 = arith.addi %parallel_loop3A_161, %iota3A : vector<16xi32>
          %parallel_loop3A_163 = arith.constant 0 : i32
          %parallel_loop3A_164 = vector.broadcast %parallel_loop3A_163 : i32 to vector<16xi32>
          %parallel_loop3A_165 = arith.addi %parallel_loop3A_164, %iota3A : vector<16xi32>
          %parallel_loop3A_166 = arith.constant 0 : i32
          %parallel_loop3A_167 = arith.constant 0 : i32
          %parallel_loop3A_168 = arith.constant 0 : i32
          %parallel_loop3A_169 = tpu.memref_slice %arg5[%parallel_loop3A_166, %parallel_loop3A_167, %parallel_loop3A_168] : memref<2x64x256xf32, #tpu.memory_space<vmem>> -> memref<1x64x256xf32, #tpu.memory_space<vmem>>
          %parallel_loop3A_170 = tpu.memref_squeeze %parallel_loop3A_169 : memref<1x64x256xf32, #tpu.memory_space<vmem>> -> memref<64x256xf32, #tpu.memory_space<vmem>>
          %parallel_loop3A_171 = tpu.vector_load_idx %parallel_loop3A_170[%parallel_loop3A_165, %parallel_loop3A_152] : memref<64x256xf32, #tpu.memory_space<vmem>>[vector<16xi32>, vector<16xi32>], vector<16xf32>,
          %parallel_loop3A_172 = arith.constant 0 : i32
          %parallel_loop3A_173 = vector.broadcast %parallel_loop3A_172 : i32 to vector<16xi32>
          %parallel_loop3A_174 = arith.addi %parallel_loop3A_162, %parallel_loop3A_173 : vector<16xi32>
          %parallel_loop3A_175 = arith.constant 0 : i32
          %parallel_loop3A_176 = arith.constant 0 : i32
          %parallel_loop3A_177 = arith.constant 0 : i32
          %parallel_loop3A_178 = tpu.memref_slice %arg6[%parallel_loop3A_175, %parallel_loop3A_176, %parallel_loop3A_177] : memref<2x128x128xf32, #tpu.memory_space<vmem>> -> memref<1x128x128xf32, #tpu.memory_space<vmem>>
          %parallel_loop3A_179 = tpu.memref_squeeze %parallel_loop3A_178 : memref<1x128x128xf32, #tpu.memory_space<vmem>> -> memref<128x128xf32, #tpu.memory_space<vmem>>
          tpu.vector_store_idx %parallel_loop3A_179[%parallel_loop3A_155, %parallel_loop3A_174], %parallel_loop3A_171 : memref<128x128xf32, #tpu.memory_space<vmem>>[vector<16xi32>, vector<16xi32>], vector<16xf32>,
          %parallel_loop3A_180 = arith.constant 16 : i32
          %parallel_loop3A_181 = vector.broadcast %parallel_loop3A_180 : i32 to vector<16xi32>
          %parallel_loop3A_182 = arith.addi %parallel_loop3A_181, %iota3A : vector<16xi32>
          %parallel_loop3A_183 = arith.constant 0 : i32
          %parallel_loop3A_184 = arith.constant 0 : i32
          %parallel_loop3A_185 = arith.constant 0 : i32
          %parallel_loop3A_186 = tpu.memref_slice %arg5[%parallel_loop3A_183, %parallel_loop3A_184, %parallel_loop3A_185] : memref<2x64x256xf32, #tpu.memory_space<vmem>> -> memref<1x64x256xf32, #tpu.memory_space<vmem>>
          %parallel_loop3A_187 = tpu.memref_squeeze %parallel_loop3A_186 : memref<1x64x256xf32, #tpu.memory_space<vmem>> -> memref<64x256xf32, #tpu.memory_space<vmem>>
          %parallel_loop3A_188 = tpu.vector_load_idx %parallel_loop3A_187[%parallel_loop3A_182, %parallel_loop3A_152] : memref<64x256xf32, #tpu.memory_space<vmem>>[vector<16xi32>, vector<16xi32>], vector<16xf32>,
          %parallel_loop3A_189 = arith.constant 16 : i32
          %parallel_loop3A_190 = vector.broadcast %parallel_loop3A_189 : i32 to vector<16xi32>
          %parallel_loop3A_191 = arith.addi %parallel_loop3A_162, %parallel_loop3A_190 : vector<16xi32>
          %parallel_loop3A_192 = arith.constant 0 : i32
          %parallel_loop3A_193 = arith.constant 0 : i32
          %parallel_loop3A_194 = arith.constant 0 : i32
          %parallel_loop3A_195 = tpu.memref_slice %arg6[%parallel_loop3A_192, %parallel_loop3A_193, %parallel_loop3A_194] : memref<2x128x128xf32, #tpu.memory_space<vmem>> -> memref<1x128x128xf32, #tpu.memory_space<vmem>>
          %parallel_loop3A_196 = tpu.memref_squeeze %parallel_loop3A_195 : memref<1x128x128xf32, #tpu.memory_space<vmem>> -> memref<128x128xf32, #tpu.memory_space<vmem>>
          tpu.vector_store_idx %parallel_loop3A_196[%parallel_loop3A_155, %parallel_loop3A_191], %parallel_loop3A_188 : memref<128x128xf32, #tpu.memory_space<vmem>>[vector<16xi32>, vector<16xi32>], vector<16xf32>,
          %parallel_loop3A_197 = arith.constant 32 : i32
          %parallel_loop3A_198 = vector.broadcast %parallel_loop3A_197 : i32 to vector<16xi32>
          %parallel_loop3A_199 = arith.addi %parallel_loop3A_198, %iota3A : vector<16xi32>
          %parallel_loop3A_200 = arith.constant 0 : i32
          %parallel_loop3A_201 = arith.constant 0 : i32
          %parallel_loop3A_202 = arith.constant 0 : i32
          %parallel_loop3A_203 = tpu.memref_slice %arg5[%parallel_loop3A_200, %parallel_loop3A_201, %parallel_loop3A_202] : memref<2x64x256xf32, #tpu.memory_space<vmem>> -> memref<1x64x256xf32, #tpu.memory_space<vmem>>
          %parallel_loop3A_204 = tpu.memref_squeeze %parallel_loop3A_203 : memref<1x64x256xf32, #tpu.memory_space<vmem>> -> memref<64x256xf32, #tpu.memory_space<vmem>>
          %parallel_loop3A_205 = tpu.vector_load_idx %parallel_loop3A_204[%parallel_loop3A_199, %parallel_loop3A_152] : memref<64x256xf32, #tpu.memory_space<vmem>>[vector<16xi32>, vector<16xi32>], vector<16xf32>,
          %parallel_loop3A_206 = arith.constant 32 : i32
          %parallel_loop3A_207 = vector.broadcast %parallel_loop3A_206 : i32 to vector<16xi32>
          %parallel_loop3A_208 = arith.addi %parallel_loop3A_162, %parallel_loop3A_207 : vector<16xi32>
          %parallel_loop3A_209 = arith.constant 0 : i32
          %parallel_loop3A_210 = arith.constant 0 : i32
          %parallel_loop3A_211 = arith.constant 0 : i32
          %parallel_loop3A_212 = tpu.memref_slice %arg6[%parallel_loop3A_209, %parallel_loop3A_210, %parallel_loop3A_211] : memref<2x128x128xf32, #tpu.memory_space<vmem>> -> memref<1x128x128xf32, #tpu.memory_space<vmem>>
          %parallel_loop3A_213 = tpu.memref_squeeze %parallel_loop3A_212 : memref<1x128x128xf32, #tpu.memory_space<vmem>> -> memref<128x128xf32, #tpu.memory_space<vmem>>
          tpu.vector_store_idx %parallel_loop3A_213[%parallel_loop3A_155, %parallel_loop3A_208], %parallel_loop3A_205 : memref<128x128xf32, #tpu.memory_space<vmem>>[vector<16xi32>, vector<16xi32>], vector<16xf32>,
          %parallel_loop3A_214 = arith.constant 48 : i32
          %parallel_loop3A_215 = vector.broadcast %parallel_loop3A_214 : i32 to vector<16xi32>
          %parallel_loop3A_216 = arith.addi %parallel_loop3A_215, %iota3A : vector<16xi32>
          %parallel_loop3A_217 = arith.constant 0 : i32
          %parallel_loop3A_218 = arith.constant 0 : i32
          %parallel_loop3A_219 = arith.constant 0 : i32
          %parallel_loop3A_220 = tpu.memref_slice %arg5[%parallel_loop3A_217, %parallel_loop3A_218, %parallel_loop3A_219] : memref<2x64x256xf32, #tpu.memory_space<vmem>> -> memref<1x64x256xf32, #tpu.memory_space<vmem>>
          %parallel_loop3A_221 = tpu.memref_squeeze %parallel_loop3A_220 : memref<1x64x256xf32, #tpu.memory_space<vmem>> -> memref<64x256xf32, #tpu.memory_space<vmem>>
          %parallel_loop3A_222 = tpu.vector_load_idx %parallel_loop3A_221[%parallel_loop3A_216, %parallel_loop3A_152] : memref<64x256xf32, #tpu.memory_space<vmem>>[vector<16xi32>, vector<16xi32>], vector<16xf32>,
          %parallel_loop3A_223 = arith.constant 48 : i32
          %parallel_loop3A_224 = vector.broadcast %parallel_loop3A_223 : i32 to vector<16xi32>
          %parallel_loop3A_225 = arith.addi %parallel_loop3A_162, %parallel_loop3A_224 : vector<16xi32>
          %parallel_loop3A_226 = arith.constant 0 : i32
          %parallel_loop3A_227 = arith.constant 0 : i32
          %parallel_loop3A_228 = arith.constant 0 : i32
          %parallel_loop3A_229 = tpu.memref_slice %arg6[%parallel_loop3A_226, %parallel_loop3A_227, %parallel_loop3A_228] : memref<2x128x128xf32, #tpu.memory_space<vmem>> -> memref<1x128x128xf32, #tpu.memory_space<vmem>>
          %parallel_loop3A_230 = tpu.memref_squeeze %parallel_loop3A_229 : memref<1x128x128xf32, #tpu.memory_space<vmem>> -> memref<128x128xf32, #tpu.memory_space<vmem>>
          tpu.vector_store_idx %parallel_loop3A_230[%parallel_loop3A_155, %parallel_loop3A_225], %parallel_loop3A_222 : memref<128x128xf32, #tpu.memory_space<vmem>>[vector<16xi32>, vector<16xi32>], vector<16xf32>,
        } {sc.loop_unroll_factor = 4 : i64, sc.parallel_access}
      } else {
      }
      %add3A_84 = arith.constant 64 : i32
      %add3A_85 = arith.addi %add3A_75, %add3A_84 : i32
      %lt3A_86 = arith.constant 3906 : i32
      %lt3A_87 = arith.cmpi slt, %add3A_85, %lt3A_86 : i32
      %convert_element_type3A_88 = arith.extui %lt3A_87 : i1 to i32
      %cond3A_89 = arith.constant 0 : i32
      %cond3A_90 = arith.cmpi ne, %convert_element_type3A_88, %cond3A_89 : i32
      scf.if %cond3A_90 {
        %add3A_122 = arith.constant 64 : i32
        %add3A_123 = arith.addi %add3A_75, %add3A_122 : i32
        %mul3A_124 = arith.constant 256 : i32
        %mul3A_125 = arith.muli %add3A_123, %mul3A_124 : i32
        %dma_start3A_126 = arith.constant 0 : i32
        %dma_start3A_127 = arith.constant 0 : i32
        %dma_start3A_128 = arith.constant 0 : i32
        %dma_start3A_129 = tpu.memref_slice %arg5[%dma_start3A_126, %dma_start3A_127, %dma_start3A_128] : memref<2x64x256xf32, #tpu.memory_space<vmem>> -> memref<1x64x256xf32, #tpu.memory_space<vmem>>
        %dma_start3A_130 = tpu.memref_squeeze %dma_start3A_129 : memref<1x64x256xf32, #tpu.memory_space<vmem>> -> memref<64x256xf32, #tpu.memory_space<vmem>>
        %dma_start3A_131 = arith.constant 0 : i32
        %dma_start3A_132 = tpu.memref_slice %arg2[%dma_start3A_131, %mul3A_125] : memref<64x1000000xf32, #tpu.memory_space<hbm>> -> memref<64x256xf32, #tpu.memory_space<hbm>>
        %dma_start3A_133 = arith.constant 0 : i32
        %dma_start3A_134 = arith.constant 0 : i32
        %dma_start3A_135 = tpu.memref_slice %arg5[%dma_start3A_126, %dma_start3A_133, %dma_start3A_134] : memref<2x64x256xf32, #tpu.memory_space<vmem>> -> memref<1x64x256xf32, #tpu.memory_space<vmem>>
        %dma_start3A_136 = tpu.memref_squeeze %dma_start3A_135 : memref<1x64x256xf32, #tpu.memory_space<vmem>> -> memref<64x256xf32, #tpu.memory_space<vmem>>
        %dma_start3A_137 = arith.constant 0 : i32
        %dma_start3A_138 = tpu.memref_slice %arg2[%dma_start3A_137, %mul3A_125] : memref<64x1000000xf32, #tpu.memory_space<hbm>> -> memref<64x256xf32, #tpu.memory_space<hbm>>
        tpu.enqueue_dma source(%dma_start3A_138 : memref<64x256xf32, #tpu.memory_space<hbm>>) target(%dma_start3A_136 : memref<64x256xf32, #tpu.memory_space<vmem>>) target_semaphore(%arg7 : memref<!tpu.dma_semaphore, #tpu.memory_space<semaphore_mem>>)
      } else {
      }
      %convert_element_type3A_91 = arith.extui %lt3A_76 : i1 to i32
      %cond3A_92 = arith.constant 0 : i32
      %cond3A_93 = arith.cmpi ne, %convert_element_type3A_91, %cond3A_92 : i32
      scf.if %cond3A_93 {
        %mul3A_122 = arith.constant 128 : i32
        %mul3A_123 = arith.muli %add3A_75, %mul3A_122 : i32
        %dma_start3A_124 = arith.constant 0 : i32
        %dma_start3A_125 = arith.constant 0 : i32
        %dma_start3A_126 = arith.constant 0 : i32
        %dma_start3A_127 = tpu.memref_slice %arg6[%dma_start3A_124, %dma_start3A_125, %dma_start3A_126] : memref<2x128x128xf32, #tpu.memory_space<vmem>> -> memref<1x128x128xf32, #tpu.memory_space<vmem>>
        %dma_start3A_128 = tpu.memref_squeeze %dma_start3A_127 : memref<1x128x128xf32, #tpu.memory_space<vmem>> -> memref<128x128xf32, #tpu.memory_space<vmem>>
        %dma_start3A_129 = arith.constant 0 : i32
        %dma_start3A_130 = tpu.memref_slice %arg4[%mul3A_123, %dma_start3A_129] : memref<500000x128xf32, #tpu.memory_space<hbm>> -> memref<128x128xf32, #tpu.memory_space<hbm>>
        %dma_start3A_131 = arith.constant 0 : i32
        %dma_start3A_132 = tpu.memref_slice %arg4[%mul3A_123, %dma_start3A_131] : memref<500000x128xf32, #tpu.memory_space<hbm>> -> memref<128x128xf32, #tpu.memory_space<hbm>>
        %dma_start3A_133 = arith.constant 0 : i32
        %dma_start3A_134 = arith.constant 0 : i32
        %dma_start3A_135 = tpu.memref_slice %arg6[%dma_start3A_124, %dma_start3A_133, %dma_start3A_134] : memref<2x128x128xf32, #tpu.memory_space<vmem>> -> memref<1x128x128xf32, #tpu.memory_space<vmem>>
        %dma_start3A_136 = tpu.memref_squeeze %dma_start3A_135 : memref<1x128x128xf32, #tpu.memory_space<vmem>> -> memref<128x128xf32, #tpu.memory_space<vmem>>
        tpu.enqueue_dma source(%dma_start3A_136 : memref<128x128xf32, #tpu.memory_space<vmem>>) target(%dma_start3A_132 : memref<128x128xf32, #tpu.memory_space<hbm>>) target_semaphore(%arg9 : memref<!tpu.dma_semaphore, #tpu.memory_space<semaphore_mem>>)
      } else {
      }
      %mul3A_94 = arith.constant 2 : i32
      %mul3A_95 = arith.muli %scan3A_68, %mul3A_94 : i32
      %add3A_96 = arith.constant 1 : i32
      %add3A_97 = arith.addi %mul3A_95, %add3A_96 : i32
      %mul3A_98 = arith.constant 32 : i32
      %mul3A_99 = arith.muli %add3A_97, %mul3A_98 : i32
      %add3A_100 = arith.addi %add3A, %mul3A_99 : i32
      %lt3A_101 = arith.constant 3906 : i32
      %lt3A_102 = arith.cmpi slt, %add3A_100, %lt3A_101 : i32
      %ge3A_103 = arith.constant 1 : i32
      %ge3A_104 = arith.cmpi sge, %scan3A_68, %ge3A_103 : i32
      %and3A_105 = arith.andi %lt3A_102, %ge3A_104 : i1
      %convert_element_type3A_106 = arith.extui %and3A_105 : i1 to i32
      %cond3A_107 = arith.constant 0 : i32
      %cond3A_108 = arith.cmpi ne, %convert_element_type3A_106, %cond3A_107 : i32
      scf.if %cond3A_108 {
        %dma_wait3A_122 = arith.constant 1 : i32
        %dma_wait3A_123 = arith.constant 0 : i32
        %dma_wait3A_124 = arith.constant 0 : i32
        %dma_wait3A_125 = tpu.memref_slice %arg6[%dma_wait3A_122, %dma_wait3A_123, %dma_wait3A_124] : memref<2x128x128xf32, #tpu.memory_space<vmem>> -> memref<1x128x128xf32, #tpu.memory_space<vmem>>
        %dma_wait3A_126 = tpu.memref_squeeze %dma_wait3A_125 : memref<1x128x128xf32, #tpu.memory_space<vmem>> -> memref<128x128xf32, #tpu.memory_space<vmem>>
        %dma_wait3A_127 = arith.constant 0 : i32
        %dma_wait3A_128 = arith.constant 0 : i32
        %dma_wait3A_129 = tpu.memref_slice %arg4[%dma_wait3A_127, %dma_wait3A_128] : memref<500000x128xf32, #tpu.memory_space<hbm>> -> memref<128x128xf32, #tpu.memory_space<hbm>>
        %dma_wait3A_130 = arith.constant 0 : i32
        %dma_wait3A_131 = arith.constant 0 : i32
        %dma_wait3A_132 = tpu.memref_slice %arg4[%dma_wait3A_130, %dma_wait3A_131] : memref<500000x128xf32, #tpu.memory_space<hbm>> -> memref<128x128xf32, #tpu.memory_space<hbm>>
        %dma_wait3A_133 = arith.constant 0 : i32
        %dma_wait3A_134 = arith.constant 0 : i32
        %dma_wait3A_135 = tpu.memref_slice %arg6[%dma_wait3A_122, %dma_wait3A_133, %dma_wait3A_134] : memref<2x128x128xf32, #tpu.memory_space<vmem>> -> memref<1x128x128xf32, #tpu.memory_space<vmem>>
        %dma_wait3A_136 = tpu.memref_squeeze %dma_wait3A_135 : memref<1x128x128xf32, #tpu.memory_space<vmem>> -> memref<128x128xf32, #tpu.memory_space<vmem>>
        tpu.wait_dma2 semaphore(%arg10 : memref<!tpu.dma_semaphore, #tpu.memory_space<semaphore_mem>>) src(%dma_wait3A_136 : memref<128x128xf32, #tpu.memory_space<vmem>>) dst(%dma_wait3A_132 : memref<128x128xf32, #tpu.memory_space<hbm>>)
      } else {
      }
      %convert_element_type3A_109 = arith.extui %lt3A_102 : i1 to i32
      %cond3A_110 = arith.constant 0 : i32
      %cond3A_111 = arith.cmpi ne, %convert_element_type3A_109, %cond3A_110 : i32
      scf.if %cond3A_111 {
        %dma_wait3A_122 = arith.constant 1 : i32
        %dma_wait3A_123 = arith.constant 0 : i32
        %dma_wait3A_124 = arith.constant 0 : i32
        %dma_wait3A_125 = tpu.memref_slice %arg5[%dma_wait3A_122, %dma_wait3A_123, %dma_wait3A_124] : memref<2x64x256xf32, #tpu.memory_space<vmem>> -> memref<1x64x256xf32, #tpu.memory_space<vmem>>
        %dma_wait3A_126 = tpu.memref_squeeze %dma_wait3A_125 : memref<1x64x256xf32, #tpu.memory_space<vmem>> -> memref<64x256xf32, #tpu.memory_space<vmem>>
        %dma_wait3A_127 = arith.constant 0 : i32
        %dma_wait3A_128 = arith.constant 0 : i32
        %dma_wait3A_129 = tpu.memref_slice %arg2[%dma_wait3A_127, %dma_wait3A_128] : memref<64x1000000xf32, #tpu.memory_space<hbm>> -> memref<64x256xf32, #tpu.memory_space<hbm>>
        %dma_wait3A_130 = arith.constant 0 : i32
        %dma_wait3A_131 = arith.constant 0 : i32
        %dma_wait3A_132 = tpu.memref_slice %arg5[%dma_wait3A_122, %dma_wait3A_130, %dma_wait3A_131] : memref<2x64x256xf32, #tpu.memory_space<vmem>> -> memref<1x64x256xf32, #tpu.memory_space<vmem>>
        %dma_wait3A_133 = tpu.memref_squeeze %dma_wait3A_132 : memref<1x64x256xf32, #tpu.memory_space<vmem>> -> memref<64x256xf32, #tpu.memory_space<vmem>>
        %dma_wait3A_134 = arith.constant 0 : i32
        %dma_wait3A_135 = arith.constant 0 : i32
        %dma_wait3A_136 = tpu.memref_slice %arg2[%dma_wait3A_134, %dma_wait3A_135] : memref<64x1000000xf32, #tpu.memory_space<hbm>> -> memref<64x256xf32, #tpu.memory_space<hbm>>
        tpu.wait_dma2 semaphore(%arg8 : memref<!tpu.dma_semaphore, #tpu.memory_space<semaphore_mem>>) src(%dma_wait3A_136 : memref<64x256xf32, #tpu.memory_space<hbm>>) dst(%dma_wait3A_133 : memref<64x256xf32, #tpu.memory_space<vmem>>)
        %parallel_loop3A = arith.constant 0 : i32
        %parallel_loop3A_137 = arith.constant 256 : i32
        %parallel_loop3A_138 = arith.constant 1 : i32
        scf.for %parallel_loop3A_139 = %parallel_loop3A to %parallel_loop3A_137 step %parallel_loop3A_138  : i32 {
          %parallel_loop3A_140 = arith.constant 4 : i32
          %parallel_loop3A_141 = arith.shrsi %parallel_loop3A_139, %parallel_loop3A_140 : i32
          %parallel_loop3A_142 = arith.constant 15 : i32
          %parallel_loop3A_143 = arith.andi %parallel_loop3A_139, %parallel_loop3A_142 : i32
          %parallel_loop3A_144 = vector.broadcast %parallel_loop3A_143 : i32 to vector<16xi32>
          %parallel_loop3A_145 = arith.addi %iota3A, %parallel_loop3A_144 : vector<16xi32>
          %parallel_loop3A_146 = arith.constant 15 : i32
          %parallel_loop3A_147 = vector.broadcast %parallel_loop3A_146 : i32 to vector<16xi32>
          %parallel_loop3A_148 = arith.andi %parallel_loop3A_145, %parallel_loop3A_147 : vector<16xi32>
          %parallel_loop3A_149 = arith.constant 16 : i32
          %parallel_loop3A_150 = arith.muli %parallel_loop3A_141, %parallel_loop3A_149 : i32
          %parallel_loop3A_151 = vector.broadcast %parallel_loop3A_150 : i32 to vector<16xi32>
          %parallel_loop3A_152 = arith.addi %parallel_loop3A_151, %parallel_loop3A_148 : vector<16xi32>
          %parallel_loop3A_153 = arith.constant 1 : i32
          %parallel_loop3A_154 = vector.broadcast %parallel_loop3A_153 : i32 to vector<16xi32>
          %parallel_loop3A_155 = arith.shrsi %parallel_loop3A_152, %parallel_loop3A_154 : vector<16xi32>
          %parallel_loop3A_156 = arith.constant 1 : i32
          %parallel_loop3A_157 = vector.broadcast %parallel_loop3A_156 : i32 to vector<16xi32>
          %parallel_loop3A_158 = arith.andi %parallel_loop3A_152, %parallel_loop3A_157 : vector<16xi32>
          %parallel_loop3A_159 = arith.constant 6 : i32
          %parallel_loop3A_160 = vector.broadcast %parallel_loop3A_159 : i32 to vector<16xi32>
          %parallel_loop3A_161 = arith.shli %parallel_loop3A_158, %parallel_loop3A_160 : vector<16xi32>
          %parallel_loop3A_162 = arith.addi %parallel_loop3A_161, %iota3A : vector<16xi32>
          %parallel_loop3A_163 = arith.constant 0 : i32
          %parallel_loop3A_164 = vector.broadcast %parallel_loop3A_163 : i32 to vector<16xi32>
          %parallel_loop3A_165 = arith.addi %parallel_loop3A_164, %iota3A : vector<16xi32>
          %parallel_loop3A_166 = arith.constant 1 : i32
          %parallel_loop3A_167 = arith.constant 0 : i32
          %parallel_loop3A_168 = arith.constant 0 : i32
          %parallel_loop3A_169 = tpu.memref_slice %arg5[%parallel_loop3A_166, %parallel_loop3A_167, %parallel_loop3A_168] : memref<2x64x256xf32, #tpu.memory_space<vmem>> -> memref<1x64x256xf32, #tpu.memory_space<vmem>>
          %parallel_loop3A_170 = tpu.memref_squeeze %parallel_loop3A_169 : memref<1x64x256xf32, #tpu.memory_space<vmem>> -> memref<64x256xf32, #tpu.memory_space<vmem>>
          %parallel_loop3A_171 = tpu.vector_load_idx %parallel_loop3A_170[%parallel_loop3A_165, %parallel_loop3A_152] : memref<64x256xf32, #tpu.memory_space<vmem>>[vector<16xi32>, vector<16xi32>], vector<16xf32>,
          %parallel_loop3A_172 = arith.constant 0 : i32
          %parallel_loop3A_173 = vector.broadcast %parallel_loop3A_172 : i32 to vector<16xi32>
          %parallel_loop3A_174 = arith.addi %parallel_loop3A_162, %parallel_loop3A_173 : vector<16xi32>
          %parallel_loop3A_175 = arith.constant 1 : i32
          %parallel_loop3A_176 = arith.constant 0 : i32
          %parallel_loop3A_177 = arith.constant 0 : i32
          %parallel_loop3A_178 = tpu.memref_slice %arg6[%parallel_loop3A_175, %parallel_loop3A_176, %parallel_loop3A_177] : memref<2x128x128xf32, #tpu.memory_space<vmem>> -> memref<1x128x128xf32, #tpu.memory_space<vmem>>
          %parallel_loop3A_179 = tpu.memref_squeeze %parallel_loop3A_178 : memref<1x128x128xf32, #tpu.memory_space<vmem>> -> memref<128x128xf32, #tpu.memory_space<vmem>>
          tpu.vector_store_idx %parallel_loop3A_179[%parallel_loop3A_155, %parallel_loop3A_174], %parallel_loop3A_171 : memref<128x128xf32, #tpu.memory_space<vmem>>[vector<16xi32>, vector<16xi32>], vector<16xf32>,
          %parallel_loop3A_180 = arith.constant 16 : i32
          %parallel_loop3A_181 = vector.broadcast %parallel_loop3A_180 : i32 to vector<16xi32>
          %parallel_loop3A_182 = arith.addi %parallel_loop3A_181, %iota3A : vector<16xi32>
          %parallel_loop3A_183 = arith.constant 1 : i32
          %parallel_loop3A_184 = arith.constant 0 : i32
          %parallel_loop3A_185 = arith.constant 0 : i32
          %parallel_loop3A_186 = tpu.memref_slice %arg5[%parallel_loop3A_183, %parallel_loop3A_184, %parallel_loop3A_185] : memref<2x64x256xf32, #tpu.memory_space<vmem>> -> memref<1x64x256xf32, #tpu.memory_space<vmem>>
          %parallel_loop3A_187 = tpu.memref_squeeze %parallel_loop3A_186 : memref<1x64x256xf32, #tpu.memory_space<vmem>> -> memref<64x256xf32, #tpu.memory_space<vmem>>
          %parallel_loop3A_188 = tpu.vector_load_idx %parallel_loop3A_187[%parallel_loop3A_182, %parallel_loop3A_152] : memref<64x256xf32, #tpu.memory_space<vmem>>[vector<16xi32>, vector<16xi32>], vector<16xf32>,
          %parallel_loop3A_189 = arith.constant 16 : i32
          %parallel_loop3A_190 = vector.broadcast %parallel_loop3A_189 : i32 to vector<16xi32>
          %parallel_loop3A_191 = arith.addi %parallel_loop3A_162, %parallel_loop3A_190 : vector<16xi32>
          %parallel_loop3A_192 = arith.constant 1 : i32
          %parallel_loop3A_193 = arith.constant 0 : i32
          %parallel_loop3A_194 = arith.constant 0 : i32
          %parallel_loop3A_195 = tpu.memref_slice %arg6[%parallel_loop3A_192, %parallel_loop3A_193, %parallel_loop3A_194] : memref<2x128x128xf32, #tpu.memory_space<vmem>> -> memref<1x128x128xf32, #tpu.memory_space<vmem>>
          %parallel_loop3A_196 = tpu.memref_squeeze %parallel_loop3A_195 : memref<1x128x128xf32, #tpu.memory_space<vmem>> -> memref<128x128xf32, #tpu.memory_space<vmem>>
          tpu.vector_store_idx %parallel_loop3A_196[%parallel_loop3A_155, %parallel_loop3A_191], %parallel_loop3A_188 : memref<128x128xf32, #tpu.memory_space<vmem>>[vector<16xi32>, vector<16xi32>], vector<16xf32>,
          %parallel_loop3A_197 = arith.constant 32 : i32
          %parallel_loop3A_198 = vector.broadcast %parallel_loop3A_197 : i32 to vector<16xi32>
          %parallel_loop3A_199 = arith.addi %parallel_loop3A_198, %iota3A : vector<16xi32>
          %parallel_loop3A_200 = arith.constant 1 : i32
          %parallel_loop3A_201 = arith.constant 0 : i32
          %parallel_loop3A_202 = arith.constant 0 : i32
          %parallel_loop3A_203 = tpu.memref_slice %arg5[%parallel_loop3A_200, %parallel_loop3A_201, %parallel_loop3A_202] : memref<2x64x256xf32, #tpu.memory_space<vmem>> -> memref<1x64x256xf32, #tpu.memory_space<vmem>>
          %parallel_loop3A_204 = tpu.memref_squeeze %parallel_loop3A_203 : memref<1x64x256xf32, #tpu.memory_space<vmem>> -> memref<64x256xf32, #tpu.memory_space<vmem>>
          %parallel_loop3A_205 = tpu.vector_load_idx %parallel_loop3A_204[%parallel_loop3A_199, %parallel_loop3A_152] : memref<64x256xf32, #tpu.memory_space<vmem>>[vector<16xi32>, vector<16xi32>], vector<16xf32>,
          %parallel_loop3A_206 = arith.constant 32 : i32
          %parallel_loop3A_207 = vector.broadcast %parallel_loop3A_206 : i32 to vector<16xi32>
          %parallel_loop3A_208 = arith.addi %parallel_loop3A_162, %parallel_loop3A_207 : vector<16xi32>
          %parallel_loop3A_209 = arith.constant 1 : i32
          %parallel_loop3A_210 = arith.constant 0 : i32
          %parallel_loop3A_211 = arith.constant 0 : i32
          %parallel_loop3A_212 = tpu.memref_slice %arg6[%parallel_loop3A_209, %parallel_loop3A_210, %parallel_loop3A_211] : memref<2x128x128xf32, #tpu.memory_space<vmem>> -> memref<1x128x128xf32, #tpu.memory_space<vmem>>
          %parallel_loop3A_213 = tpu.memref_squeeze %parallel_loop3A_212 : memref<1x128x128xf32, #tpu.memory_space<vmem>> -> memref<128x128xf32, #tpu.memory_space<vmem>>
          tpu.vector_store_idx %parallel_loop3A_213[%parallel_loop3A_155, %parallel_loop3A_208], %parallel_loop3A_205 : memref<128x128xf32, #tpu.memory_space<vmem>>[vector<16xi32>, vector<16xi32>], vector<16xf32>,
          %parallel_loop3A_214 = arith.constant 48 : i32
          %parallel_loop3A_215 = vector.broadcast %parallel_loop3A_214 : i32 to vector<16xi32>
          %parallel_loop3A_216 = arith.addi %parallel_loop3A_215, %iota3A : vector<16xi32>
          %parallel_loop3A_217 = arith.constant 1 : i32
          %parallel_loop3A_218 = arith.constant 0 : i32
          %parallel_loop3A_219 = arith.constant 0 : i32
          %parallel_loop3A_220 = tpu.memref_slice %arg5[%parallel_loop3A_217, %parallel_loop3A_218, %parallel_loop3A_219] : memref<2x64x256xf32, #tpu.memory_space<vmem>> -> memref<1x64x256xf32, #tpu.memory_space<vmem>>
          %parallel_loop3A_221 = tpu.memref_squeeze %parallel_loop3A_220 : memref<1x64x256xf32, #tpu.memory_space<vmem>> -> memref<64x256xf32, #tpu.memory_space<vmem>>
          %parallel_loop3A_222 = tpu.vector_load_idx %parallel_loop3A_221[%parallel_loop3A_216, %parallel_loop3A_152] : memref<64x256xf32, #tpu.memory_space<vmem>>[vector<16xi32>, vector<16xi32>], vector<16xf32>,
          %parallel_loop3A_223 = arith.constant 48 : i32
          %parallel_loop3A_224 = vector.broadcast %parallel_loop3A_223 : i32 to vector<16xi32>
          %parallel_loop3A_225 = arith.addi %parallel_loop3A_162, %parallel_loop3A_224 : vector<16xi32>
          %parallel_loop3A_226 = arith.constant 1 : i32
          %parallel_loop3A_227 = arith.constant 0 : i32
          %parallel_loop3A_228 = arith.constant 0 : i32
          %parallel_loop3A_229 = tpu.memref_slice %arg6[%parallel_loop3A_226, %parallel_loop3A_227, %parallel_loop3A_228] : memref<2x128x128xf32, #tpu.memory_space<vmem>> -> memref<1x128x128xf32, #tpu.memory_space<vmem>>
          %parallel_loop3A_230 = tpu.memref_squeeze %parallel_loop3A_229 : memref<1x128x128xf32, #tpu.memory_space<vmem>> -> memref<128x128xf32, #tpu.memory_space<vmem>>
          tpu.vector_store_idx %parallel_loop3A_230[%parallel_loop3A_155, %parallel_loop3A_225], %parallel_loop3A_222 : memref<128x128xf32, #tpu.memory_space<vmem>>[vector<16xi32>, vector<16xi32>], vector<16xf32>,
        } {sc.loop_unroll_factor = 4 : i64, sc.parallel_access}
      } else {
      }
      %add3A_112 = arith.constant 64 : i32
      %add3A_113 = arith.addi %add3A_100, %add3A_112 : i32
      %lt3A_114 = arith.constant 3906 : i32
      %lt3A_115 = arith.cmpi slt, %add3A_113, %lt3A_114 : i32
      %convert_element_type3A_116 = arith.extui %lt3A_115 : i1 to i32
      %cond3A_117 = arith.constant 0 : i32
      %cond3A_118 = arith.cmpi ne, %convert_element_type3A_116, %cond3A_117 : i32
      scf.if %cond3A_118 {
        %add3A_122 = arith.constant 64 : i32
        %add3A_123 = arith.addi %add3A_100, %add3A_122 : i32
        %mul3A_124 = arith.constant 256 : i32
        %mul3A_125 = arith.muli %add3A_123, %mul3A_124 : i32
        %dma_start3A_126 = arith.constant 1 : i32
        %dma_start3A_127 = arith.constant 0 : i32
        %dma_start3A_128 = arith.constant 0 : i32
        %dma_start3A_129 = tpu.memref_slice %arg5[%dma_start3A_126, %dma_start3A_127, %dma_start3A_128] : memref<2x64x256xf32, #tpu.memory_space<vmem>> -> memref<1x64x256xf32, #tpu.memory_space<vmem>>
        %dma_start3A_130 = tpu.memref_squeeze %dma_start3A_129 : memref<1x64x256xf32, #tpu.memory_space<vmem>> -> memref<64x256xf32, #tpu.memory_space<vmem>>
        %dma_start3A_131 = arith.constant 0 : i32
        %dma_start3A_132 = tpu.memref_slice %arg2[%dma_start3A_131, %mul3A_125] : memref<64x1000000xf32, #tpu.memory_space<hbm>> -> memref<64x256xf32, #tpu.memory_space<hbm>>
        %dma_start3A_133 = arith.constant 0 : i32
        %dma_start3A_134 = arith.constant 0 : i32
        %dma_start3A_135 = tpu.memref_slice %arg5[%dma_start3A_126, %dma_start3A_133, %dma_start3A_134] : memref<2x64x256xf32, #tpu.memory_space<vmem>> -> memref<1x64x256xf32, #tpu.memory_space<vmem>>
        %dma_start3A_136 = tpu.memref_squeeze %dma_start3A_135 : memref<1x64x256xf32, #tpu.memory_space<vmem>> -> memref<64x256xf32, #tpu.memory_space<vmem>>
        %dma_start3A_137 = arith.constant 0 : i32
        %dma_start3A_138 = tpu.memref_slice %arg2[%dma_start3A_137, %mul3A_125] : memref<64x1000000xf32, #tpu.memory_space<hbm>> -> memref<64x256xf32, #tpu.memory_space<hbm>>
        tpu.enqueue_dma source(%dma_start3A_138 : memref<64x256xf32, #tpu.memory_space<hbm>>) target(%dma_start3A_136 : memref<64x256xf32, #tpu.memory_space<vmem>>) target_semaphore(%arg8 : memref<!tpu.dma_semaphore, #tpu.memory_space<semaphore_mem>>)
      } else {
      }
      %convert_element_type3A_119 = arith.extui %lt3A_102 : i1 to i32
      %cond3A_120 = arith.constant 0 : i32
      %cond3A_121 = arith.cmpi ne, %convert_element_type3A_119, %cond3A_120 : i32
      scf.if %cond3A_121 {
        %mul3A_122 = arith.constant 128 : i32
        %mul3A_123 = arith.muli %add3A_100, %mul3A_122 : i32
        %dma_start3A_124 = arith.constant 1 : i32
        %dma_start3A_125 = arith.constant 0 : i32
        %dma_start3A_126 = arith.constant 0 : i32
        %dma_start3A_127 = tpu.memref_slice %arg6[%dma_start3A_124, %dma_start3A_125, %dma_start3A_126] : memref<2x128x128xf32, #tpu.memory_space<vmem>> -> memref<1x128x128xf32, #tpu.memory_space<vmem>>
        %dma_start3A_128 = tpu.memref_squeeze %dma_start3A_127 : memref<1x128x128xf32, #tpu.memory_space<vmem>> -> memref<128x128xf32, #tpu.memory_space<vmem>>
        %dma_start3A_129 = arith.constant 0 : i32
        %dma_start3A_130 = tpu.memref_slice %arg4[%mul3A_123, %dma_start3A_129] : memref<500000x128xf32, #tpu.memory_space<hbm>> -> memref<128x128xf32, #tpu.memory_space<hbm>>
        %dma_start3A_131 = arith.constant 0 : i32
        %dma_start3A_132 = tpu.memref_slice %arg4[%mul3A_123, %dma_start3A_131] : memref<500000x128xf32, #tpu.memory_space<hbm>> -> memref<128x128xf32, #tpu.memory_space<hbm>>
        %dma_start3A_133 = arith.constant 0 : i32
        %dma_start3A_134 = arith.constant 0 : i32
        %dma_start3A_135 = tpu.memref_slice %arg6[%dma_start3A_124, %dma_start3A_133, %dma_start3A_134] : memref<2x128x128xf32, #tpu.memory_space<vmem>> -> memref<1x128x128xf32, #tpu.memory_space<vmem>>
        %dma_start3A_136 = tpu.memref_squeeze %dma_start3A_135 : memref<1x128x128xf32, #tpu.memory_space<vmem>> -> memref<128x128xf32, #tpu.memory_space<vmem>>
        tpu.enqueue_dma source(%dma_start3A_136 : memref<128x128xf32, #tpu.memory_space<vmem>>) target(%dma_start3A_132 : memref<128x128xf32, #tpu.memory_space<hbm>>) target_semaphore(%arg10 : memref<!tpu.dma_semaphore, #tpu.memory_space<semaphore_mem>>)
      } else {
      }
    }
    %scan3A_36 = arith.constant 62 : i32
    %dma_wait3A = arith.constant 0 : i32
    %dma_wait3A_37 = arith.constant 0 : i32
    %dma_wait3A_38 = arith.constant 0 : i32
    %dma_wait3A_39 = tpu.memref_slice %arg6[%dma_wait3A, %dma_wait3A_37, %dma_wait3A_38] : memref<2x128x128xf32, #tpu.memory_space<vmem>> -> memref<1x128x128xf32, #tpu.memory_space<vmem>>
    %dma_wait3A_40 = tpu.memref_squeeze %dma_wait3A_39 : memref<1x128x128xf32, #tpu.memory_space<vmem>> -> memref<128x128xf32, #tpu.memory_space<vmem>>
    %dma_wait3A_41 = arith.constant 0 : i32
    %dma_wait3A_42 = arith.constant 0 : i32
    %dma_wait3A_43 = tpu.memref_slice %arg4[%dma_wait3A_41, %dma_wait3A_42] : memref<500000x128xf32, #tpu.memory_space<hbm>> -> memref<128x128xf32, #tpu.memory_space<hbm>>
    %dma_wait3A_44 = arith.constant 0 : i32
    %dma_wait3A_45 = arith.constant 0 : i32
    %dma_wait3A_46 = tpu.memref_slice %arg4[%dma_wait3A_44, %dma_wait3A_45] : memref<500000x128xf32, #tpu.memory_space<hbm>> -> memref<128x128xf32, #tpu.memory_space<hbm>>
    %dma_wait3A_47 = arith.constant 0 : i32
    %dma_wait3A_48 = arith.constant 0 : i32
    %dma_wait3A_49 = tpu.memref_slice %arg6[%dma_wait3A, %dma_wait3A_47, %dma_wait3A_48] : memref<2x128x128xf32, #tpu.memory_space<vmem>> -> memref<1x128x128xf32, #tpu.memory_space<vmem>>
    %dma_wait3A_50 = tpu.memref_squeeze %dma_wait3A_49 : memref<1x128x128xf32, #tpu.memory_space<vmem>> -> memref<128x128xf32, #tpu.memory_space<vmem>>
    tpu.wait_dma2 semaphore(%arg9 : memref<!tpu.dma_semaphore, #tpu.memory_space<semaphore_mem>>) src(%dma_wait3A_50 : memref<128x128xf32, #tpu.memory_space<vmem>>) dst(%dma_wait3A_46 : memref<128x128xf32, #tpu.memory_space<hbm>>)
    %dma_wait3A_51 = arith.constant 1 : i32
    %dma_wait3A_52 = arith.constant 0 : i32
    %dma_wait3A_53 = arith.constant 0 : i32
    %dma_wait3A_54 = tpu.memref_slice %arg6[%dma_wait3A_51, %dma_wait3A_52, %dma_wait3A_53] : memref<2x128x128xf32, #tpu.memory_space<vmem>> -> memref<1x128x128xf32, #tpu.memory_space<vmem>>
    %dma_wait3A_55 = tpu.memref_squeeze %dma_wait3A_54 : memref<1x128x128xf32, #tpu.memory_space<vmem>> -> memref<128x128xf32, #tpu.memory_space<vmem>>
    %dma_wait3A_56 = arith.constant 0 : i32
    %dma_wait3A_57 = arith.constant 0 : i32
    %dma_wait3A_58 = tpu.memref_slice %arg4[%dma_wait3A_56, %dma_wait3A_57] : memref<500000x128xf32, #tpu.memory_space<hbm>> -> memref<128x128xf32, #tpu.memory_space<hbm>>
    %dma_wait3A_59 = arith.constant 0 : i32
    %dma_wait3A_60 = arith.constant 0 : i32
    %dma_wait3A_61 = tpu.memref_slice %arg4[%dma_wait3A_59, %dma_wait3A_60] : memref<500000x128xf32, #tpu.memory_space<hbm>> -> memref<128x128xf32, #tpu.memory_space<hbm>>
    %dma_wait3A_62 = arith.constant 0 : i32
    %dma_wait3A_63 = arith.constant 0 : i32
    %dma_wait3A_64 = tpu.memref_slice %arg6[%dma_wait3A_51, %dma_wait3A_62, %dma_wait3A_63] : memref<2x128x128xf32, #tpu.memory_space<vmem>> -> memref<1x128x128xf32, #tpu.memory_space<vmem>>
    %dma_wait3A_65 = tpu.memref_squeeze %dma_wait3A_64 : memref<1x128x128xf32, #tpu.memory_space<vmem>> -> memref<128x128xf32, #tpu.memory_space<vmem>>
    tpu.wait_dma2 semaphore(%arg10 : memref<!tpu.dma_semaphore, #tpu.memory_space<semaphore_mem>>) src(%dma_wait3A_65 : memref<128x128xf32, #tpu.memory_space<vmem>>) dst(%dma_wait3A_61 : memref<128x128xf32, #tpu.memory_space<hbm>>)
    %eq3A = arith.constant 31 : i32
    %eq3A_66 = arith.cmpi eq, %add3A, %eq3A : i32
    %convert_element_type3A = arith.extui %eq3A_66 : i1 to i32
    %cond3A = arith.constant 0 : i32
    %cond3A_67 = arith.cmpi ne, %convert_element_type3A, %cond3A : i32
    scf.if %cond3A_67 {
      %run_scoped3A = arith.constant 0 : i32
      "tpu.region"() ({
        %run_scoped3A_69 = tpu.sem_alloc : memref<!tpu.dma_semaphore, #tpu.memory_space<semaphore_mem>>
        %dma_start3A_70 = arith.constant 0 : i32
        %dma_start3A_71 = arith.constant 0 : i32
        %dma_start3A_72 = tpu.memref_slice %arg5[%run_scoped3A, %dma_start3A_70, %dma_start3A_71] : memref<2x64x256xf32, #tpu.memory_space<vmem>> -> memref<1x32x128xf32, #tpu.memory_space<vmem>>
        %dma_start3A_73 = tpu.memref_squeeze %dma_start3A_72 : memref<1x32x128xf32, #tpu.memory_space<vmem>> -> memref<32x128xf32, #tpu.memory_space<vmem>>
        %dma_start3A_74 = arith.constant 0 : i32
        %dma_start3A_75 = arith.constant 0 : i32
        %dma_start3A_76 = tpu.memref_slice %arg5[%run_scoped3A, %dma_start3A_74, %dma_start3A_75] : memref<2x64x256xf32, #tpu.memory_space<vmem>> -> memref<1x32x128xf32, #tpu.memory_space<vmem>>
        %dma_start3A_77 = tpu.memref_squeeze %dma_start3A_76 : memref<1x32x128xf32, #tpu.memory_space<vmem>> -> memref<32x128xf32, #tpu.memory_space<vmem>>
        tpu.enqueue_dma source(%arg3 : memref<32x128xf32, #tpu.memory_space<hbm>>) target(%dma_start3A_77 : memref<32x128xf32, #tpu.memory_space<vmem>>) target_semaphore(%run_scoped3A_69 : memref<!tpu.dma_semaphore, #tpu.memory_space<semaphore_mem>>)
        %dma_wait3A_78 = arith.constant 0 : i32
        %dma_wait3A_79 = arith.constant 0 : i32
        %dma_wait3A_80 = tpu.memref_slice %arg5[%run_scoped3A, %dma_wait3A_78, %dma_wait3A_79] : memref<2x64x256xf32, #tpu.memory_space<vmem>> -> memref<1x32x128xf32, #tpu.memory_space<vmem>>
        %dma_wait3A_81 = tpu.memref_squeeze %dma_wait3A_80 : memref<1x32x128xf32, #tpu.memory_space<vmem>> -> memref<32x128xf32, #tpu.memory_space<vmem>>
        %dma_wait3A_82 = arith.constant 0 : i32
        %dma_wait3A_83 = arith.constant 0 : i32
        %dma_wait3A_84 = tpu.memref_slice %arg5[%run_scoped3A, %dma_wait3A_82, %dma_wait3A_83] : memref<2x64x256xf32, #tpu.memory_space<vmem>> -> memref<1x32x128xf32, #tpu.memory_space<vmem>>
        %dma_wait3A_85 = tpu.memref_squeeze %dma_wait3A_84 : memref<1x32x128xf32, #tpu.memory_space<vmem>> -> memref<32x128xf32, #tpu.memory_space<vmem>>
        tpu.wait_dma2 semaphore(%run_scoped3A_69 : memref<!tpu.dma_semaphore, #tpu.memory_space<semaphore_mem>>) src(%arg3 : memref<32x128xf32, #tpu.memory_space<hbm>>) dst(%dma_wait3A_85 : memref<32x128xf32, #tpu.memory_space<vmem>>)
        tpu.yield
      }) : () -> ()
      %run_scoped3A_68 = arith.constant 0 : i32
      "tpu.region"() ({
        %run_scoped3A_69 = tpu.sem_alloc : memref<!tpu.dma_semaphore, #tpu.memory_space<semaphore_mem>>
        %dma_start3A_70 = arith.constant 0 : i32
        %dma_start3A_71 = arith.constant 0 : i32
        %dma_start3A_72 = tpu.memref_slice %arg5[%run_scoped3A_68, %dma_start3A_70, %dma_start3A_71] : memref<2x64x256xf32, #tpu.memory_space<vmem>> -> memref<1x32x128xf32, #tpu.memory_space<vmem>>
        %dma_start3A_73 = tpu.memref_squeeze %dma_start3A_72 : memref<1x32x128xf32, #tpu.memory_space<vmem>> -> memref<32x128xf32, #tpu.memory_space<vmem>>
        %dma_start3A_74 = arith.constant 499968 : i32
        %dma_start3A_75 = arith.constant 0 : i32
        %dma_start3A_76 = tpu.memref_slice %arg4[%dma_start3A_74, %dma_start3A_75] : memref<500000x128xf32, #tpu.memory_space<hbm>> -> memref<32x128xf32, #tpu.memory_space<hbm>>
        %dma_start3A_77 = arith.constant 499968 : i32
        %dma_start3A_78 = arith.constant 0 : i32
        %dma_start3A_79 = tpu.memref_slice %arg4[%dma_start3A_77, %dma_start3A_78] : memref<500000x128xf32, #tpu.memory_space<hbm>> -> memref<32x128xf32, #tpu.memory_space<hbm>>
        %dma_start3A_80 = arith.constant 0 : i32
        %dma_start3A_81 = arith.constant 0 : i32
        %dma_start3A_82 = tpu.memref_slice %arg5[%run_scoped3A_68, %dma_start3A_80, %dma_start3A_81] : memref<2x64x256xf32, #tpu.memory_space<vmem>> -> memref<1x32x128xf32, #tpu.memory_space<vmem>>
        %dma_start3A_83 = tpu.memref_squeeze %dma_start3A_82 : memref<1x32x128xf32, #tpu.memory_space<vmem>> -> memref<32x128xf32, #tpu.memory_space<vmem>>
        tpu.enqueue_dma source(%dma_start3A_83 : memref<32x128xf32, #tpu.memory_space<vmem>>) target(%dma_start3A_79 : memref<32x128xf32, #tpu.memory_space<hbm>>) target_semaphore(%run_scoped3A_69 : memref<!tpu.dma_semaphore, #tpu.memory_space<semaphore_mem>>)
        %dma_wait3A_84 = arith.constant 0 : i32
        %dma_wait3A_85 = arith.constant 0 : i32
        %dma_wait3A_86 = tpu.memref_slice %arg5[%run_scoped3A_68, %dma_wait3A_84, %dma_wait3A_85] : memref<2x64x256xf32, #tpu.memory_space<vmem>> -> memref<1x32x128xf32, #tpu.memory_space<vmem>>
        %dma_wait3A_87 = tpu.memref_squeeze %dma_wait3A_86 : memref<1x32x128xf32, #tpu.memory_space<vmem>> -> memref<32x128xf32, #tpu.memory_space<vmem>>
        %dma_wait3A_88 = arith.constant 499968 : i32
        %dma_wait3A_89 = arith.constant 0 : i32
        %dma_wait3A_90 = tpu.memref_slice %arg4[%dma_wait3A_88, %dma_wait3A_89] : memref<500000x128xf32, #tpu.memory_space<hbm>> -> memref<32x128xf32, #tpu.memory_space<hbm>>
        %dma_wait3A_91 = arith.constant 499968 : i32
        %dma_wait3A_92 = arith.constant 0 : i32
        %dma_wait3A_93 = tpu.memref_slice %arg4[%dma_wait3A_91, %dma_wait3A_92] : memref<500000x128xf32, #tpu.memory_space<hbm>> -> memref<32x128xf32, #tpu.memory_space<hbm>>
        %dma_wait3A_94 = arith.constant 0 : i32
        %dma_wait3A_95 = arith.constant 0 : i32
        %dma_wait3A_96 = tpu.memref_slice %arg5[%run_scoped3A_68, %dma_wait3A_94, %dma_wait3A_95] : memref<2x64x256xf32, #tpu.memory_space<vmem>> -> memref<1x32x128xf32, #tpu.memory_space<vmem>>
        %dma_wait3A_97 = tpu.memref_squeeze %dma_wait3A_96 : memref<1x32x128xf32, #tpu.memory_space<vmem>> -> memref<32x128xf32, #tpu.memory_space<vmem>>
        tpu.wait_dma2 semaphore(%run_scoped3A_69 : memref<!tpu.dma_semaphore, #tpu.memory_space<semaphore_mem>>) src(%dma_wait3A_97 : memref<32x128xf32, #tpu.memory_space<vmem>>) dst(%dma_wait3A_93 : memref<32x128xf32, #tpu.memory_space<hbm>>)
        tpu.yield
      }) : () -> ()
    } else {
    }
    return
  }
}

#map = affine_map<(d0, d1) -> (0, 0)>
#map1 = affine_map<(d0, d1) -> (0, 0, 0)>
module attributes {stable_mosaic.version = 14 : i64} {
  func.func @emb_kernel(%arg0: i32, %arg1: i32, %arg2: memref<200x4096xi32, #tpu.memory_space<hbm>>, %arg3: memref<500000x128xf32, #tpu.memory_space<hbm>>, %arg4: memref<200x64x4096xf32, #tpu.memory_space<hbm>>, %arg5: memref<200x128xi32, #tpu.memory_space<vmem>>, %arg6: memref<200x128xi32, #tpu.memory_space<vmem>>, %arg7: memref<2x128x128xf32, #tpu.memory_space<vmem>>, %arg8: memref<2x64x128xf32, #tpu.memory_space<vmem>>, %arg9: memref<!tpu.dma_semaphore, #tpu.memory_space<semaphore_mem>>, %arg10: memref<!tpu.dma_semaphore, #tpu.memory_space<semaphore_mem>>, %arg11: memref<!tpu.dma_semaphore, #tpu.memory_space<semaphore_mem>>, %arg12: memref<!tpu.dma_semaphore, #tpu.memory_space<semaphore_mem>>) attributes {dimension_semantics = [#tpu.dimension_semantics<core_parallel>, #tpu.dimension_semantics<subcore_parallel>], iteration_bounds = array<i64: 2, 16>, scalar_prefetch = 0 : i64, scratch_operands = 8 : i64, tpu.core_type = #tpu.core_type<sc_vector_subcore>, window_params = [{transform_indices = #map}, {transform_indices = #map}, {transform_indices = #map1}]} {
    %mul3A = arith.constant 2 : i32
    %mul3A_0 = arith.muli %arg1, %mul3A : i32
    %add3A = arith.addi %mul3A_0, %arg0 : i32
    %mul3A_1 = arith.constant 128 : i32
    %mul3A_2 = arith.muli %add3A, %mul3A_1 : i32
    %iota3A = tpu.iota {dimensions = array<i32: 0>} : vector<16xi32>
    "tpu.region"() ({
      %run_scoped3A = tpu.sem_alloc : memref<!tpu.dma_semaphore, #tpu.memory_space<semaphore_mem>>
      %dma_start3A_64 = arith.constant 0 : i32
      %dma_start3A_65 = tpu.memref_slice %arg2[%dma_start3A_64, %mul3A_2] : memref<200x4096xi32, #tpu.memory_space<hbm>> -> memref<200x128xi32, #tpu.memory_space<hbm>>
      %dma_start3A_66 = arith.constant 0 : i32
      %dma_start3A_67 = tpu.memref_slice %arg2[%dma_start3A_66, %mul3A_2] : memref<200x4096xi32, #tpu.memory_space<hbm>> -> memref<200x128xi32, #tpu.memory_space<hbm>>
      tpu.enqueue_dma source(%dma_start3A_67 : memref<200x128xi32, #tpu.memory_space<hbm>>) target(%arg5 : memref<200x128xi32, #tpu.memory_space<vmem>>) target_semaphore(%run_scoped3A : memref<!tpu.dma_semaphore, #tpu.memory_space<semaphore_mem>>)
      %dma_wait3A_68 = arith.constant 0 : i32
      %dma_wait3A_69 = tpu.memref_slice %arg2[%dma_wait3A_68, %mul3A_2] : memref<200x4096xi32, #tpu.memory_space<hbm>> -> memref<200x128xi32, #tpu.memory_space<hbm>>
      %dma_wait3A_70 = arith.constant 0 : i32
      %dma_wait3A_71 = tpu.memref_slice %arg2[%dma_wait3A_70, %mul3A_2] : memref<200x4096xi32, #tpu.memory_space<hbm>> -> memref<200x128xi32, #tpu.memory_space<hbm>>
      tpu.wait_dma2 semaphore(%run_scoped3A : memref<!tpu.dma_semaphore, #tpu.memory_space<semaphore_mem>>) src(%dma_wait3A_71 : memref<200x128xi32, #tpu.memory_space<hbm>>) dst(%arg5 : memref<200x128xi32, #tpu.memory_space<vmem>>)
      tpu.yield
    }) : () -> ()
    %parallel_loop3A = arith.constant 0 : i32
    %parallel_loop3A_3 = arith.constant 1600 : i32
    %parallel_loop3A_4 = arith.constant 1 : i32
    scf.for %parallel_loop3A_64 = %parallel_loop3A to %parallel_loop3A_3 step %parallel_loop3A_4  : i32 {
      %parallel_loop3A_65 = arith.constant 3 : i32
      %parallel_loop3A_66 = arith.shrsi %parallel_loop3A_64, %parallel_loop3A_65 : i32
      %parallel_loop3A_67 = arith.constant 7 : i32
      %parallel_loop3A_68 = arith.andi %parallel_loop3A_64, %parallel_loop3A_67 : i32
      %parallel_loop3A_69 = arith.constant 16 : i32
      %parallel_loop3A_70 = arith.muli %parallel_loop3A_68, %parallel_loop3A_69 : i32
      %parallel_loop3A_71 = arith.index_cast %parallel_loop3A_66 : i32 to index
      %parallel_loop3A_72 = arith.index_cast %parallel_loop3A_70 : i32 to index
      %parallel_loop3A_73 = tpu.vector_load %arg5[%parallel_loop3A_71, %parallel_loop3A_72] {strides = array<i32>} : memref<200x128xi32, #tpu.memory_space<vmem>>, vector<16xi32>,
      %parallel_loop3A_74 = arith.constant 1 : i32
      %parallel_loop3A_75 = vector.broadcast %parallel_loop3A_74 : i32 to vector<16xi32>
      %parallel_loop3A_76 = arith.shrsi %parallel_loop3A_73, %parallel_loop3A_75 : vector<16xi32>
      %parallel_loop3A_77 = arith.constant 3 : i32
      %parallel_loop3A_78 = arith.shrsi %parallel_loop3A_64, %parallel_loop3A_77 : i32
      %parallel_loop3A_79 = arith.constant 7 : i32
      %parallel_loop3A_80 = arith.andi %parallel_loop3A_64, %parallel_loop3A_79 : i32
      %parallel_loop3A_81 = arith.constant 16 : i32
      %parallel_loop3A_82 = arith.muli %parallel_loop3A_80, %parallel_loop3A_81 : i32
      %parallel_loop3A_83 = arith.index_cast %parallel_loop3A_78 : i32 to index
      %parallel_loop3A_84 = arith.index_cast %parallel_loop3A_82 : i32 to index
      %parallel_loop3A_85 = tpu.vector_load %arg6[%parallel_loop3A_83, %parallel_loop3A_84] {strides = array<i32>} : memref<200x128xi32, #tpu.memory_space<vmem>>, vector<16xi32>,
      tpu.vector_store %arg6[%parallel_loop3A_83, %parallel_loop3A_84], %parallel_loop3A_76 {strides = array<i32>} : memref<200x128xi32, #tpu.memory_space<vmem>>, vector<16xi32>,
    } {sc.loop_unroll_factor = 4 : i64, sc.parallel_access}
    %dma_start3A = arith.constant 0 : i32
    %dma_start3A_5 = arith.constant 0 : i32
    %dma_start3A_6 = arith.constant 0 : i32
    %dma_start3A_7 = arith.constant 0 : i32
    %dma_start3A_8 = tpu.memref_slice %arg7[%dma_start3A_5, %dma_start3A_6, %dma_start3A_7] : memref<2x128x128xf32, #tpu.memory_space<vmem>> -> memref<1x128x128xf32, #tpu.memory_space<vmem>>
    %dma_start3A_9 = tpu.memref_squeeze %dma_start3A_8 : memref<1x128x128xf32, #tpu.memory_space<vmem>> -> memref<128x128xf32, #tpu.memory_space<vmem>>
    %dma_start3A_10 = arith.constant 0 : i32
    %dma_start3A_11 = tpu.memref_slice %arg6[%dma_start3A, %dma_start3A_10] : memref<200x128xi32, #tpu.memory_space<vmem>> -> memref<1x128xi32, #tpu.memory_space<vmem>>
    %dma_start3A_12 = tpu.memref_squeeze %dma_start3A_11 : memref<1x128xi32, #tpu.memory_space<vmem>> -> memref<128xi32, #tpu.memory_space<vmem>>
    %dma_start3A_13 = arith.constant 0 : i32
    %dma_start3A_14 = arith.constant 0 : i32
    %dma_start3A_15 = tpu.memref_slice %arg3[%dma_start3A_13, %dma_start3A_14] : memref<500000x128xf32, #tpu.memory_space<hbm>> -> memref<500000x128xf32, #tpu.memory_space<hbm>>
    tpu.enqueue_indirect_dma source(%dma_start3A_15 : memref<500000x128xf32, #tpu.memory_space<hbm>>) target(%dma_start3A_9 : memref<128x128xf32, #tpu.memory_space<vmem>>) offsets(%dma_start3A_12 : memref<128xi32, #tpu.memory_space<vmem>>) semaphore(%arg9 : memref<!tpu.dma_semaphore, #tpu.memory_space<semaphore_mem>>)
    %dma_start3A_16 = arith.constant 1 : i32
    %dma_start3A_17 = arith.constant 1 : i32
    %dma_start3A_18 = arith.constant 0 : i32
    %dma_start3A_19 = arith.constant 0 : i32
    %dma_start3A_20 = tpu.memref_slice %arg7[%dma_start3A_17, %dma_start3A_18, %dma_start3A_19] : memref<2x128x128xf32, #tpu.memory_space<vmem>> -> memref<1x128x128xf32, #tpu.memory_space<vmem>>
    %dma_start3A_21 = tpu.memref_squeeze %dma_start3A_20 : memref<1x128x128xf32, #tpu.memory_space<vmem>> -> memref<128x128xf32, #tpu.memory_space<vmem>>
    %dma_start3A_22 = arith.constant 0 : i32
    %dma_start3A_23 = tpu.memref_slice %arg6[%dma_start3A_16, %dma_start3A_22] : memref<200x128xi32, #tpu.memory_space<vmem>> -> memref<1x128xi32, #tpu.memory_space<vmem>>
    %dma_start3A_24 = tpu.memref_squeeze %dma_start3A_23 : memref<1x128xi32, #tpu.memory_space<vmem>> -> memref<128xi32, #tpu.memory_space<vmem>>
    %dma_start3A_25 = arith.constant 0 : i32
    %dma_start3A_26 = arith.constant 0 : i32
    %dma_start3A_27 = tpu.memref_slice %arg3[%dma_start3A_25, %dma_start3A_26] : memref<500000x128xf32, #tpu.memory_space<hbm>> -> memref<500000x128xf32, #tpu.memory_space<hbm>>
    tpu.enqueue_indirect_dma source(%dma_start3A_27 : memref<500000x128xf32, #tpu.memory_space<hbm>>) target(%dma_start3A_21 : memref<128x128xf32, #tpu.memory_space<vmem>>) offsets(%dma_start3A_24 : memref<128xi32, #tpu.memory_space<vmem>>) semaphore(%arg10 : memref<!tpu.dma_semaphore, #tpu.memory_space<semaphore_mem>>)
    %scan3A = arith.constant 0 : i32
    %scan3A_28 = arith.constant 0 : i32
    %scan3A_29 = arith.constant 100 : i32
    %scan3A_30 = arith.addi %scan3A_28, %scan3A_29 : i32
    %scan3A_31 = arith.constant 1 : i32
    scf.for %scan3A_64 = %scan3A_28 to %scan3A_30 step %scan3A_31  : i32 {
      %mul3A_65 = arith.constant 2 : i32
      %mul3A_66 = arith.muli %scan3A_64, %mul3A_65 : i32
      %add3A_67 = arith.constant 0 : i32
      %add3A_68 = arith.addi %mul3A_66, %add3A_67 : i32
      %dma_wait3A_69 = arith.constant 0 : i32
      %dma_wait3A_70 = arith.constant 0 : i32
      %dma_wait3A_71 = arith.constant 0 : i32
      %dma_wait3A_72 = tpu.memref_slice %arg7[%dma_wait3A_69, %dma_wait3A_70, %dma_wait3A_71] : memref<2x128x128xf32, #tpu.memory_space<vmem>> -> memref<1x128x128xf32, #tpu.memory_space<vmem>>
      %dma_wait3A_73 = tpu.memref_squeeze %dma_wait3A_72 : memref<1x128x128xf32, #tpu.memory_space<vmem>> -> memref<128x128xf32, #tpu.memory_space<vmem>>
      %dma_wait3A_74 = arith.constant 0 : i32
      %dma_wait3A_75 = tpu.memref_slice %arg6[%add3A_68, %dma_wait3A_74] : memref<200x128xi32, #tpu.memory_space<vmem>> -> memref<1x128xi32, #tpu.memory_space<vmem>>
      %dma_wait3A_76 = tpu.memref_squeeze %dma_wait3A_75 : memref<1x128xi32, #tpu.memory_space<vmem>> -> memref<128xi32, #tpu.memory_space<vmem>>
      %dma_wait3A_77 = arith.constant 0 : i32
      %dma_wait3A_78 = arith.constant 0 : i32
      %dma_wait3A_79 = tpu.memref_slice %arg3[%dma_wait3A_77, %dma_wait3A_78] : memref<500000x128xf32, #tpu.memory_space<hbm>> -> memref<500000x128xf32, #tpu.memory_space<hbm>>
      tpu.wait_indirect_dma semaphore(%arg9 : memref<!tpu.dma_semaphore, #tpu.memory_space<semaphore_mem>>) src(%dma_wait3A_79 : memref<500000x128xf32, #tpu.memory_space<hbm>>) dst(%dma_wait3A_73 : memref<128x128xf32, #tpu.memory_space<vmem>>)
      %ge3A = arith.constant 2 : i32
      %ge3A_80 = arith.cmpi sge, %add3A_68, %ge3A : i32
      %convert_element_type3A = arith.extui %ge3A_80 : i1 to i32
      %cond3A = arith.constant 0 : i32
      %cond3A_81 = arith.cmpi ne, %convert_element_type3A, %cond3A : i32
      scf.if %cond3A_81 {
        %sub3A = arith.constant 2 : i32
        %sub3A_151 = arith.subi %add3A_68, %sub3A : i32
        %dma_wait3A_152 = arith.constant 0 : i32
        %dma_wait3A_153 = arith.constant 0 : i32
        %dma_wait3A_154 = arith.constant 0 : i32
        %dma_wait3A_155 = tpu.memref_slice %arg8[%dma_wait3A_152, %dma_wait3A_153, %dma_wait3A_154] : memref<2x64x128xf32, #tpu.memory_space<vmem>> -> memref<1x64x128xf32, #tpu.memory_space<vmem>>
        %dma_wait3A_156 = tpu.memref_squeeze %dma_wait3A_155 : memref<1x64x128xf32, #tpu.memory_space<vmem>> -> memref<64x128xf32, #tpu.memory_space<vmem>>
        %dma_wait3A_157 = arith.constant 0 : i32
        %dma_wait3A_158 = tpu.memref_slice %arg4[%sub3A_151, %dma_wait3A_157, %mul3A_2] : memref<200x64x4096xf32, #tpu.memory_space<hbm>> -> memref<1x64x128xf32, #tpu.memory_space<hbm>>
        %dma_wait3A_159 = tpu.memref_squeeze %dma_wait3A_158 : memref<1x64x128xf32, #tpu.memory_space<hbm>> -> memref<64x128xf32, #tpu.memory_space<hbm>>
        %dma_wait3A_160 = arith.constant 0 : i32
        %dma_wait3A_161 = tpu.memref_slice %arg4[%sub3A_151, %dma_wait3A_160, %mul3A_2] : memref<200x64x4096xf32, #tpu.memory_space<hbm>> -> memref<1x64x128xf32, #tpu.memory_space<hbm>>
        %dma_wait3A_162 = tpu.memref_squeeze %dma_wait3A_161 : memref<1x64x128xf32, #tpu.memory_space<hbm>> -> memref<64x128xf32, #tpu.memory_space<hbm>>
        %dma_wait3A_163 = arith.constant 0 : i32
        %dma_wait3A_164 = arith.constant 0 : i32
        %dma_wait3A_165 = tpu.memref_slice %arg8[%dma_wait3A_152, %dma_wait3A_163, %dma_wait3A_164] : memref<2x64x128xf32, #tpu.memory_space<vmem>> -> memref<1x64x128xf32, #tpu.memory_space<vmem>>
        %dma_wait3A_166 = tpu.memref_squeeze %dma_wait3A_165 : memref<1x64x128xf32, #tpu.memory_space<vmem>> -> memref<64x128xf32, #tpu.memory_space<vmem>>
        tpu.wait_dma2 semaphore(%arg11 : memref<!tpu.dma_semaphore, #tpu.memory_space<semaphore_mem>>) src(%dma_wait3A_166 : memref<64x128xf32, #tpu.memory_space<vmem>>) dst(%dma_wait3A_162 : memref<64x128xf32, #tpu.memory_space<hbm>>)
      } else {
      }
      %parallel_loop3A_82 = arith.constant 0 : i32
      %parallel_loop3A_83 = arith.constant 128 : i32
      %parallel_loop3A_84 = arith.constant 1 : i32
      scf.for %parallel_loop3A_151 = %parallel_loop3A_82 to %parallel_loop3A_83 step %parallel_loop3A_84  : i32 {
        %parallel_loop3A_152 = arith.constant 4 : i32
        %parallel_loop3A_153 = arith.shrsi %parallel_loop3A_151, %parallel_loop3A_152 : i32
        %parallel_loop3A_154 = arith.constant 15 : i32
        %parallel_loop3A_155 = arith.andi %parallel_loop3A_151, %parallel_loop3A_154 : i32
        %parallel_loop3A_156 = arith.constant 16 : i32
        %parallel_loop3A_157 = arith.muli %parallel_loop3A_153, %parallel_loop3A_156 : i32
        %parallel_loop3A_158 = arith.index_cast %add3A_68 : i32 to index
        %parallel_loop3A_159 = arith.index_cast %parallel_loop3A_157 : i32 to index
        %parallel_loop3A_160 = tpu.vector_load %arg5[%parallel_loop3A_158, %parallel_loop3A_159] {strides = array<i32>} : memref<200x128xi32, #tpu.memory_space<vmem>>, vector<16xi32>,
        %parallel_loop3A_161 = arith.constant 1 : i32
        %parallel_loop3A_162 = vector.broadcast %parallel_loop3A_161 : i32 to vector<16xi32>
        %parallel_loop3A_163 = arith.andi %parallel_loop3A_160, %parallel_loop3A_162 : vector<16xi32>
        %parallel_loop3A_164 = arith.constant 6 : i32
        %parallel_loop3A_165 = vector.broadcast %parallel_loop3A_164 : i32 to vector<16xi32>
        %parallel_loop3A_166 = arith.shli %parallel_loop3A_163, %parallel_loop3A_165 : vector<16xi32>
        %parallel_loop3A_167 = arith.constant 16 : i32
        %parallel_loop3A_168 = arith.muli %parallel_loop3A_153, %parallel_loop3A_167 : i32
        %parallel_loop3A_169 = vector.broadcast %parallel_loop3A_168 : i32 to vector<16xi32>
        %parallel_loop3A_170 = arith.addi %parallel_loop3A_169, %iota3A : vector<16xi32>
        %parallel_loop3A_171 = vector.broadcast %parallel_loop3A_155 : i32 to vector<16xi32>
        %parallel_loop3A_172 = arith.addi %iota3A, %parallel_loop3A_171 : vector<16xi32>
        %parallel_loop3A_173 = arith.constant 15 : i32
        %parallel_loop3A_174 = vector.broadcast %parallel_loop3A_173 : i32 to vector<16xi32>
        %parallel_loop3A_175 = arith.andi %parallel_loop3A_172, %parallel_loop3A_174 : vector<16xi32>
        %parallel_loop3A_176 = arith.addi %parallel_loop3A_166, %parallel_loop3A_175 : vector<16xi32>
        %parallel_loop3A_177 = arith.constant 0 : i32
        %parallel_loop3A_178 = vector.broadcast %parallel_loop3A_177 : i32 to vector<16xi32>
        %parallel_loop3A_179 = arith.addi %parallel_loop3A_178, %parallel_loop3A_175 : vector<16xi32>
        %parallel_loop3A_180 = arith.constant 0 : i32
        %parallel_loop3A_181 = vector.broadcast %parallel_loop3A_180 : i32 to vector<16xi32>
        %parallel_loop3A_182 = arith.addi %parallel_loop3A_176, %parallel_loop3A_181 : vector<16xi32>
        %parallel_loop3A_183 = arith.constant 0 : i32
        %parallel_loop3A_184 = arith.constant 0 : i32
        %parallel_loop3A_185 = arith.constant 0 : i32
        %parallel_loop3A_186 = tpu.memref_slice %arg7[%parallel_loop3A_183, %parallel_loop3A_184, %parallel_loop3A_185] : memref<2x128x128xf32, #tpu.memory_space<vmem>> -> memref<1x128x128xf32, #tpu.memory_space<vmem>>
        %parallel_loop3A_187 = tpu.memref_squeeze %parallel_loop3A_186 : memref<1x128x128xf32, #tpu.memory_space<vmem>> -> memref<128x128xf32, #tpu.memory_space<vmem>>
        %parallel_loop3A_188 = tpu.vector_load_idx %parallel_loop3A_187[%parallel_loop3A_170, %parallel_loop3A_182] : memref<128x128xf32, #tpu.memory_space<vmem>>[vector<16xi32>, vector<16xi32>], vector<16xf32>,
        %parallel_loop3A_189 = arith.constant 8.000000e+00 : f32
        %parallel_loop3A_190 = vector.broadcast %parallel_loop3A_189 : f32 to vector<16xf32>
        %parallel_loop3A_191 = arith.mulf %parallel_loop3A_188, %parallel_loop3A_190 : vector<16xf32>
        %parallel_loop3A_192 = arith.constant 0 : i32
        %parallel_loop3A_193 = arith.constant 0 : i32
        %parallel_loop3A_194 = arith.constant 0 : i32
        %parallel_loop3A_195 = tpu.memref_slice %arg8[%parallel_loop3A_192, %parallel_loop3A_193, %parallel_loop3A_194] : memref<2x64x128xf32, #tpu.memory_space<vmem>> -> memref<1x64x128xf32, #tpu.memory_space<vmem>>
        %parallel_loop3A_196 = tpu.memref_squeeze %parallel_loop3A_195 : memref<1x64x128xf32, #tpu.memory_space<vmem>> -> memref<64x128xf32, #tpu.memory_space<vmem>>
        tpu.vector_store_idx %parallel_loop3A_196[%parallel_loop3A_179, %parallel_loop3A_170], %parallel_loop3A_191 : memref<64x128xf32, #tpu.memory_space<vmem>>[vector<16xi32>, vector<16xi32>], vector<16xf32>,
        %parallel_loop3A_197 = arith.constant 16 : i32
        %parallel_loop3A_198 = vector.broadcast %parallel_loop3A_197 : i32 to vector<16xi32>
        %parallel_loop3A_199 = arith.addi %parallel_loop3A_198, %parallel_loop3A_175 : vector<16xi32>
        %parallel_loop3A_200 = arith.constant 16 : i32
        %parallel_loop3A_201 = vector.broadcast %parallel_loop3A_200 : i32 to vector<16xi32>
        %parallel_loop3A_202 = arith.addi %parallel_loop3A_176, %parallel_loop3A_201 : vector<16xi32>
        %parallel_loop3A_203 = arith.constant 0 : i32
        %parallel_loop3A_204 = arith.constant 0 : i32
        %parallel_loop3A_205 = arith.constant 0 : i32
        %parallel_loop3A_206 = tpu.memref_slice %arg7[%parallel_loop3A_203, %parallel_loop3A_204, %parallel_loop3A_205] : memref<2x128x128xf32, #tpu.memory_space<vmem>> -> memref<1x128x128xf32, #tpu.memory_space<vmem>>
        %parallel_loop3A_207 = tpu.memref_squeeze %parallel_loop3A_206 : memref<1x128x128xf32, #tpu.memory_space<vmem>> -> memref<128x128xf32, #tpu.memory_space<vmem>>
        %parallel_loop3A_208 = tpu.vector_load_idx %parallel_loop3A_207[%parallel_loop3A_170, %parallel_loop3A_202] : memref<128x128xf32, #tpu.memory_space<vmem>>[vector<16xi32>, vector<16xi32>], vector<16xf32>,
        %parallel_loop3A_209 = arith.constant 8.000000e+00 : f32
        %parallel_loop3A_210 = vector.broadcast %parallel_loop3A_209 : f32 to vector<16xf32>
        %parallel_loop3A_211 = arith.mulf %parallel_loop3A_208, %parallel_loop3A_210 : vector<16xf32>
        %parallel_loop3A_212 = arith.constant 0 : i32
        %parallel_loop3A_213 = arith.constant 0 : i32
        %parallel_loop3A_214 = arith.constant 0 : i32
        %parallel_loop3A_215 = tpu.memref_slice %arg8[%parallel_loop3A_212, %parallel_loop3A_213, %parallel_loop3A_214] : memref<2x64x128xf32, #tpu.memory_space<vmem>> -> memref<1x64x128xf32, #tpu.memory_space<vmem>>
        %parallel_loop3A_216 = tpu.memref_squeeze %parallel_loop3A_215 : memref<1x64x128xf32, #tpu.memory_space<vmem>> -> memref<64x128xf32, #tpu.memory_space<vmem>>
        tpu.vector_store_idx %parallel_loop3A_216[%parallel_loop3A_199, %parallel_loop3A_170], %parallel_loop3A_211 : memref<64x128xf32, #tpu.memory_space<vmem>>[vector<16xi32>, vector<16xi32>], vector<16xf32>,
        %parallel_loop3A_217 = arith.constant 32 : i32
        %parallel_loop3A_218 = vector.broadcast %parallel_loop3A_217 : i32 to vector<16xi32>
        %parallel_loop3A_219 = arith.addi %parallel_loop3A_218, %parallel_loop3A_175 : vector<16xi32>
        %parallel_loop3A_220 = arith.constant 32 : i32
        %parallel_loop3A_221 = vector.broadcast %parallel_loop3A_220 : i32 to vector<16xi32>
        %parallel_loop3A_222 = arith.addi %parallel_loop3A_176, %parallel_loop3A_221 : vector<16xi32>
        %parallel_loop3A_223 = arith.constant 0 : i32
        %parallel_loop3A_224 = arith.constant 0 : i32
        %parallel_loop3A_225 = arith.constant 0 : i32
        %parallel_loop3A_226 = tpu.memref_slice %arg7[%parallel_loop3A_223, %parallel_loop3A_224, %parallel_loop3A_225] : memref<2x128x128xf32, #tpu.memory_space<vmem>> -> memref<1x128x128xf32, #tpu.memory_space<vmem>>
        %parallel_loop3A_227 = tpu.memref_squeeze %parallel_loop3A_226 : memref<1x128x128xf32, #tpu.memory_space<vmem>> -> memref<128x128xf32, #tpu.memory_space<vmem>>
        %parallel_loop3A_228 = tpu.vector_load_idx %parallel_loop3A_227[%parallel_loop3A_170, %parallel_loop3A_222] : memref<128x128xf32, #tpu.memory_space<vmem>>[vector<16xi32>, vector<16xi32>], vector<16xf32>,
        %parallel_loop3A_229 = arith.constant 8.000000e+00 : f32
        %parallel_loop3A_230 = vector.broadcast %parallel_loop3A_229 : f32 to vector<16xf32>
        %parallel_loop3A_231 = arith.mulf %parallel_loop3A_228, %parallel_loop3A_230 : vector<16xf32>
        %parallel_loop3A_232 = arith.constant 0 : i32
        %parallel_loop3A_233 = arith.constant 0 : i32
        %parallel_loop3A_234 = arith.constant 0 : i32
        %parallel_loop3A_235 = tpu.memref_slice %arg8[%parallel_loop3A_232, %parallel_loop3A_233, %parallel_loop3A_234] : memref<2x64x128xf32, #tpu.memory_space<vmem>> -> memref<1x64x128xf32, #tpu.memory_space<vmem>>
        %parallel_loop3A_236 = tpu.memref_squeeze %parallel_loop3A_235 : memref<1x64x128xf32, #tpu.memory_space<vmem>> -> memref<64x128xf32, #tpu.memory_space<vmem>>
        tpu.vector_store_idx %parallel_loop3A_236[%parallel_loop3A_219, %parallel_loop3A_170], %parallel_loop3A_231 : memref<64x128xf32, #tpu.memory_space<vmem>>[vector<16xi32>, vector<16xi32>], vector<16xf32>,
        %parallel_loop3A_237 = arith.constant 48 : i32
        %parallel_loop3A_238 = vector.broadcast %parallel_loop3A_237 : i32 to vector<16xi32>
        %parallel_loop3A_239 = arith.addi %parallel_loop3A_238, %parallel_loop3A_175 : vector<16xi32>
        %parallel_loop3A_240 = arith.constant 48 : i32
        %parallel_loop3A_241 = vector.broadcast %parallel_loop3A_240 : i32 to vector<16xi32>
        %parallel_loop3A_242 = arith.addi %parallel_loop3A_176, %parallel_loop3A_241 : vector<16xi32>
        %parallel_loop3A_243 = arith.constant 0 : i32
        %parallel_loop3A_244 = arith.constant 0 : i32
        %parallel_loop3A_245 = arith.constant 0 : i32
        %parallel_loop3A_246 = tpu.memref_slice %arg7[%parallel_loop3A_243, %parallel_loop3A_244, %parallel_loop3A_245] : memref<2x128x128xf32, #tpu.memory_space<vmem>> -> memref<1x128x128xf32, #tpu.memory_space<vmem>>
        %parallel_loop3A_247 = tpu.memref_squeeze %parallel_loop3A_246 : memref<1x128x128xf32, #tpu.memory_space<vmem>> -> memref<128x128xf32, #tpu.memory_space<vmem>>
        %parallel_loop3A_248 = tpu.vector_load_idx %parallel_loop3A_247[%parallel_loop3A_170, %parallel_loop3A_242] : memref<128x128xf32, #tpu.memory_space<vmem>>[vector<16xi32>, vector<16xi32>], vector<16xf32>,
        %parallel_loop3A_249 = arith.constant 8.000000e+00 : f32
        %parallel_loop3A_250 = vector.broadcast %parallel_loop3A_249 : f32 to vector<16xf32>
        %parallel_loop3A_251 = arith.mulf %parallel_loop3A_248, %parallel_loop3A_250 : vector<16xf32>
        %parallel_loop3A_252 = arith.constant 0 : i32
        %parallel_loop3A_253 = arith.constant 0 : i32
        %parallel_loop3A_254 = arith.constant 0 : i32
        %parallel_loop3A_255 = tpu.memref_slice %arg8[%parallel_loop3A_252, %parallel_loop3A_253, %parallel_loop3A_254] : memref<2x64x128xf32, #tpu.memory_space<vmem>> -> memref<1x64x128xf32, #tpu.memory_space<vmem>>
        %parallel_loop3A_256 = tpu.memref_squeeze %parallel_loop3A_255 : memref<1x64x128xf32, #tpu.memory_space<vmem>> -> memref<64x128xf32, #tpu.memory_space<vmem>>
        tpu.vector_store_idx %parallel_loop3A_256[%parallel_loop3A_239, %parallel_loop3A_170], %parallel_loop3A_251 : memref<64x128xf32, #tpu.memory_space<vmem>>[vector<16xi32>, vector<16xi32>], vector<16xf32>,
      } {sc.loop_unroll_factor = 4 : i64, sc.parallel_access}
      %dma_start3A_85 = arith.constant 0 : i32
      %dma_start3A_86 = arith.constant 0 : i32
      %dma_start3A_87 = arith.constant 0 : i32
      %dma_start3A_88 = tpu.memref_slice %arg8[%dma_start3A_85, %dma_start3A_86, %dma_start3A_87] : memref<2x64x128xf32, #tpu.memory_space<vmem>> -> memref<1x64x128xf32, #tpu.memory_space<vmem>>
      %dma_start3A_89 = tpu.memref_squeeze %dma_start3A_88 : memref<1x64x128xf32, #tpu.memory_space<vmem>> -> memref<64x128xf32, #tpu.memory_space<vmem>>
      %dma_start3A_90 = arith.constant 0 : i32
      %dma_start3A_91 = tpu.memref_slice %arg4[%add3A_68, %dma_start3A_90, %mul3A_2] : memref<200x64x4096xf32, #tpu.memory_space<hbm>> -> memref<1x64x128xf32, #tpu.memory_space<hbm>>
      %dma_start3A_92 = tpu.memref_squeeze %dma_start3A_91 : memref<1x64x128xf32, #tpu.memory_space<hbm>> -> memref<64x128xf32, #tpu.memory_space<hbm>>
      %dma_start3A_93 = arith.constant 0 : i32
      %dma_start3A_94 = tpu.memref_slice %arg4[%add3A_68, %dma_start3A_93, %mul3A_2] : memref<200x64x4096xf32, #tpu.memory_space<hbm>> -> memref<1x64x128xf32, #tpu.memory_space<hbm>>
      %dma_start3A_95 = tpu.memref_squeeze %dma_start3A_94 : memref<1x64x128xf32, #tpu.memory_space<hbm>> -> memref<64x128xf32, #tpu.memory_space<hbm>>
      %dma_start3A_96 = arith.constant 0 : i32
      %dma_start3A_97 = arith.constant 0 : i32
      %dma_start3A_98 = tpu.memref_slice %arg8[%dma_start3A_85, %dma_start3A_96, %dma_start3A_97] : memref<2x64x128xf32, #tpu.memory_space<vmem>> -> memref<1x64x128xf32, #tpu.memory_space<vmem>>
      %dma_start3A_99 = tpu.memref_squeeze %dma_start3A_98 : memref<1x64x128xf32, #tpu.memory_space<vmem>> -> memref<64x128xf32, #tpu.memory_space<vmem>>
      tpu.enqueue_dma source(%dma_start3A_99 : memref<64x128xf32, #tpu.memory_space<vmem>>) target(%dma_start3A_95 : memref<64x128xf32, #tpu.memory_space<hbm>>) target_semaphore(%arg11 : memref<!tpu.dma_semaphore, #tpu.memory_space<semaphore_mem>>)
      %add3A_100 = arith.constant 2 : i32
      %add3A_101 = arith.addi %add3A_68, %add3A_100 : i32
      %lt3A = arith.constant 200 : i32
      %lt3A_102 = arith.cmpi slt, %add3A_101, %lt3A : i32
      %convert_element_type3A_103 = arith.extui %lt3A_102 : i1 to i32
      %cond3A_104 = arith.constant 0 : i32
      %cond3A_105 = arith.cmpi ne, %convert_element_type3A_103, %cond3A_104 : i32
      scf.if %cond3A_105 {
        %add3A_151 = arith.constant 2 : i32
        %add3A_152 = arith.addi %add3A_68, %add3A_151 : i32
        %dma_start3A_153 = arith.constant 0 : i32
        %dma_start3A_154 = arith.constant 0 : i32
        %dma_start3A_155 = arith.constant 0 : i32
        %dma_start3A_156 = tpu.memref_slice %arg7[%dma_start3A_153, %dma_start3A_154, %dma_start3A_155] : memref<2x128x128xf32, #tpu.memory_space<vmem>> -> memref<1x128x128xf32, #tpu.memory_space<vmem>>
        %dma_start3A_157 = tpu.memref_squeeze %dma_start3A_156 : memref<1x128x128xf32, #tpu.memory_space<vmem>> -> memref<128x128xf32, #tpu.memory_space<vmem>>
        %dma_start3A_158 = arith.constant 0 : i32
        %dma_start3A_159 = tpu.memref_slice %arg6[%add3A_152, %dma_start3A_158] : memref<200x128xi32, #tpu.memory_space<vmem>> -> memref<1x128xi32, #tpu.memory_space<vmem>>
        %dma_start3A_160 = tpu.memref_squeeze %dma_start3A_159 : memref<1x128xi32, #tpu.memory_space<vmem>> -> memref<128xi32, #tpu.memory_space<vmem>>
        %dma_start3A_161 = arith.constant 0 : i32
        %dma_start3A_162 = arith.constant 0 : i32
        %dma_start3A_163 = tpu.memref_slice %arg3[%dma_start3A_161, %dma_start3A_162] : memref<500000x128xf32, #tpu.memory_space<hbm>> -> memref<500000x128xf32, #tpu.memory_space<hbm>>
        tpu.enqueue_indirect_dma source(%dma_start3A_163 : memref<500000x128xf32, #tpu.memory_space<hbm>>) target(%dma_start3A_157 : memref<128x128xf32, #tpu.memory_space<vmem>>) offsets(%dma_start3A_160 : memref<128xi32, #tpu.memory_space<vmem>>) semaphore(%arg9 : memref<!tpu.dma_semaphore, #tpu.memory_space<semaphore_mem>>)
      } else {
      }
      %mul3A_106 = arith.constant 2 : i32
      %mul3A_107 = arith.muli %scan3A_64, %mul3A_106 : i32
      %add3A_108 = arith.constant 1 : i32
      %add3A_109 = arith.addi %mul3A_107, %add3A_108 : i32
      %dma_wait3A_110 = arith.constant 1 : i32
      %dma_wait3A_111 = arith.constant 0 : i32
      %dma_wait3A_112 = arith.constant 0 : i32
      %dma_wait3A_113 = tpu.memref_slice %arg7[%dma_wait3A_110, %dma_wait3A_111, %dma_wait3A_112] : memref<2x128x128xf32, #tpu.memory_space<vmem>> -> memref<1x128x128xf32, #tpu.memory_space<vmem>>
      %dma_wait3A_114 = tpu.memref_squeeze %dma_wait3A_113 : memref<1x128x128xf32, #tpu.memory_space<vmem>> -> memref<128x128xf32, #tpu.memory_space<vmem>>
      %dma_wait3A_115 = arith.constant 0 : i32
      %dma_wait3A_116 = tpu.memref_slice %arg6[%add3A_109, %dma_wait3A_115] : memref<200x128xi32, #tpu.memory_space<vmem>> -> memref<1x128xi32, #tpu.memory_space<vmem>>
      %dma_wait3A_117 = tpu.memref_squeeze %dma_wait3A_116 : memref<1x128xi32, #tpu.memory_space<vmem>> -> memref<128xi32, #tpu.memory_space<vmem>>
      %dma_wait3A_118 = arith.constant 0 : i32
      %dma_wait3A_119 = arith.constant 0 : i32
      %dma_wait3A_120 = tpu.memref_slice %arg3[%dma_wait3A_118, %dma_wait3A_119] : memref<500000x128xf32, #tpu.memory_space<hbm>> -> memref<500000x128xf32, #tpu.memory_space<hbm>>
      tpu.wait_indirect_dma semaphore(%arg10 : memref<!tpu.dma_semaphore, #tpu.memory_space<semaphore_mem>>) src(%dma_wait3A_120 : memref<500000x128xf32, #tpu.memory_space<hbm>>) dst(%dma_wait3A_114 : memref<128x128xf32, #tpu.memory_space<vmem>>)
      %ge3A_121 = arith.constant 2 : i32
      %ge3A_122 = arith.cmpi sge, %add3A_109, %ge3A_121 : i32
      %convert_element_type3A_123 = arith.extui %ge3A_122 : i1 to i32
      %cond3A_124 = arith.constant 0 : i32
      %cond3A_125 = arith.cmpi ne, %convert_element_type3A_123, %cond3A_124 : i32
      scf.if %cond3A_125 {
        %sub3A = arith.constant 2 : i32
        %sub3A_151 = arith.subi %add3A_109, %sub3A : i32
        %dma_wait3A_152 = arith.constant 1 : i32
        %dma_wait3A_153 = arith.constant 0 : i32
        %dma_wait3A_154 = arith.constant 0 : i32
        %dma_wait3A_155 = tpu.memref_slice %arg8[%dma_wait3A_152, %dma_wait3A_153, %dma_wait3A_154] : memref<2x64x128xf32, #tpu.memory_space<vmem>> -> memref<1x64x128xf32, #tpu.memory_space<vmem>>
        %dma_wait3A_156 = tpu.memref_squeeze %dma_wait3A_155 : memref<1x64x128xf32, #tpu.memory_space<vmem>> -> memref<64x128xf32, #tpu.memory_space<vmem>>
        %dma_wait3A_157 = arith.constant 0 : i32
        %dma_wait3A_158 = tpu.memref_slice %arg4[%sub3A_151, %dma_wait3A_157, %mul3A_2] : memref<200x64x4096xf32, #tpu.memory_space<hbm>> -> memref<1x64x128xf32, #tpu.memory_space<hbm>>
        %dma_wait3A_159 = tpu.memref_squeeze %dma_wait3A_158 : memref<1x64x128xf32, #tpu.memory_space<hbm>> -> memref<64x128xf32, #tpu.memory_space<hbm>>
        %dma_wait3A_160 = arith.constant 0 : i32
        %dma_wait3A_161 = tpu.memref_slice %arg4[%sub3A_151, %dma_wait3A_160, %mul3A_2] : memref<200x64x4096xf32, #tpu.memory_space<hbm>> -> memref<1x64x128xf32, #tpu.memory_space<hbm>>
        %dma_wait3A_162 = tpu.memref_squeeze %dma_wait3A_161 : memref<1x64x128xf32, #tpu.memory_space<hbm>> -> memref<64x128xf32, #tpu.memory_space<hbm>>
        %dma_wait3A_163 = arith.constant 0 : i32
        %dma_wait3A_164 = arith.constant 0 : i32
        %dma_wait3A_165 = tpu.memref_slice %arg8[%dma_wait3A_152, %dma_wait3A_163, %dma_wait3A_164] : memref<2x64x128xf32, #tpu.memory_space<vmem>> -> memref<1x64x128xf32, #tpu.memory_space<vmem>>
        %dma_wait3A_166 = tpu.memref_squeeze %dma_wait3A_165 : memref<1x64x128xf32, #tpu.memory_space<vmem>> -> memref<64x128xf32, #tpu.memory_space<vmem>>
        tpu.wait_dma2 semaphore(%arg12 : memref<!tpu.dma_semaphore, #tpu.memory_space<semaphore_mem>>) src(%dma_wait3A_166 : memref<64x128xf32, #tpu.memory_space<vmem>>) dst(%dma_wait3A_162 : memref<64x128xf32, #tpu.memory_space<hbm>>)
      } else {
      }
      %parallel_loop3A_126 = arith.constant 0 : i32
      %parallel_loop3A_127 = arith.constant 128 : i32
      %parallel_loop3A_128 = arith.constant 1 : i32
      scf.for %parallel_loop3A_151 = %parallel_loop3A_126 to %parallel_loop3A_127 step %parallel_loop3A_128  : i32 {
        %parallel_loop3A_152 = arith.constant 4 : i32
        %parallel_loop3A_153 = arith.shrsi %parallel_loop3A_151, %parallel_loop3A_152 : i32
        %parallel_loop3A_154 = arith.constant 15 : i32
        %parallel_loop3A_155 = arith.andi %parallel_loop3A_151, %parallel_loop3A_154 : i32
        %parallel_loop3A_156 = arith.constant 16 : i32
        %parallel_loop3A_157 = arith.muli %parallel_loop3A_153, %parallel_loop3A_156 : i32
        %parallel_loop3A_158 = arith.index_cast %add3A_109 : i32 to index
        %parallel_loop3A_159 = arith.index_cast %parallel_loop3A_157 : i32 to index
        %parallel_loop3A_160 = tpu.vector_load %arg5[%parallel_loop3A_158, %parallel_loop3A_159] {strides = array<i32>} : memref<200x128xi32, #tpu.memory_space<vmem>>, vector<16xi32>,
        %parallel_loop3A_161 = arith.constant 1 : i32
        %parallel_loop3A_162 = vector.broadcast %parallel_loop3A_161 : i32 to vector<16xi32>
        %parallel_loop3A_163 = arith.andi %parallel_loop3A_160, %parallel_loop3A_162 : vector<16xi32>
        %parallel_loop3A_164 = arith.constant 6 : i32
        %parallel_loop3A_165 = vector.broadcast %parallel_loop3A_164 : i32 to vector<16xi32>
        %parallel_loop3A_166 = arith.shli %parallel_loop3A_163, %parallel_loop3A_165 : vector<16xi32>
        %parallel_loop3A_167 = arith.constant 16 : i32
        %parallel_loop3A_168 = arith.muli %parallel_loop3A_153, %parallel_loop3A_167 : i32
        %parallel_loop3A_169 = vector.broadcast %parallel_loop3A_168 : i32 to vector<16xi32>
        %parallel_loop3A_170 = arith.addi %parallel_loop3A_169, %iota3A : vector<16xi32>
        %parallel_loop3A_171 = vector.broadcast %parallel_loop3A_155 : i32 to vector<16xi32>
        %parallel_loop3A_172 = arith.addi %iota3A, %parallel_loop3A_171 : vector<16xi32>
        %parallel_loop3A_173 = arith.constant 15 : i32
        %parallel_loop3A_174 = vector.broadcast %parallel_loop3A_173 : i32 to vector<16xi32>
        %parallel_loop3A_175 = arith.andi %parallel_loop3A_172, %parallel_loop3A_174 : vector<16xi32>
        %parallel_loop3A_176 = arith.addi %parallel_loop3A_166, %parallel_loop3A_175 : vector<16xi32>
        %parallel_loop3A_177 = arith.constant 0 : i32
        %parallel_loop3A_178 = vector.broadcast %parallel_loop3A_177 : i32 to vector<16xi32>
        %parallel_loop3A_179 = arith.addi %parallel_loop3A_178, %parallel_loop3A_175 : vector<16xi32>
        %parallel_loop3A_180 = arith.constant 0 : i32
        %parallel_loop3A_181 = vector.broadcast %parallel_loop3A_180 : i32 to vector<16xi32>
        %parallel_loop3A_182 = arith.addi %parallel_loop3A_176, %parallel_loop3A_181 : vector<16xi32>
        %parallel_loop3A_183 = arith.constant 1 : i32
        %parallel_loop3A_184 = arith.constant 0 : i32
        %parallel_loop3A_185 = arith.constant 0 : i32
        %parallel_loop3A_186 = tpu.memref_slice %arg7[%parallel_loop3A_183, %parallel_loop3A_184, %parallel_loop3A_185] : memref<2x128x128xf32, #tpu.memory_space<vmem>> -> memref<1x128x128xf32, #tpu.memory_space<vmem>>
        %parallel_loop3A_187 = tpu.memref_squeeze %parallel_loop3A_186 : memref<1x128x128xf32, #tpu.memory_space<vmem>> -> memref<128x128xf32, #tpu.memory_space<vmem>>
        %parallel_loop3A_188 = tpu.vector_load_idx %parallel_loop3A_187[%parallel_loop3A_170, %parallel_loop3A_182] : memref<128x128xf32, #tpu.memory_space<vmem>>[vector<16xi32>, vector<16xi32>], vector<16xf32>,
        %parallel_loop3A_189 = arith.constant 8.000000e+00 : f32
        %parallel_loop3A_190 = vector.broadcast %parallel_loop3A_189 : f32 to vector<16xf32>
        %parallel_loop3A_191 = arith.mulf %parallel_loop3A_188, %parallel_loop3A_190 : vector<16xf32>
        %parallel_loop3A_192 = arith.constant 1 : i32
        %parallel_loop3A_193 = arith.constant 0 : i32
        %parallel_loop3A_194 = arith.constant 0 : i32
        %parallel_loop3A_195 = tpu.memref_slice %arg8[%parallel_loop3A_192, %parallel_loop3A_193, %parallel_loop3A_194] : memref<2x64x128xf32, #tpu.memory_space<vmem>> -> memref<1x64x128xf32, #tpu.memory_space<vmem>>
        %parallel_loop3A_196 = tpu.memref_squeeze %parallel_loop3A_195 : memref<1x64x128xf32, #tpu.memory_space<vmem>> -> memref<64x128xf32, #tpu.memory_space<vmem>>
        tpu.vector_store_idx %parallel_loop3A_196[%parallel_loop3A_179, %parallel_loop3A_170], %parallel_loop3A_191 : memref<64x128xf32, #tpu.memory_space<vmem>>[vector<16xi32>, vector<16xi32>], vector<16xf32>,
        %parallel_loop3A_197 = arith.constant 16 : i32
        %parallel_loop3A_198 = vector.broadcast %parallel_loop3A_197 : i32 to vector<16xi32>
        %parallel_loop3A_199 = arith.addi %parallel_loop3A_198, %parallel_loop3A_175 : vector<16xi32>
        %parallel_loop3A_200 = arith.constant 16 : i32
        %parallel_loop3A_201 = vector.broadcast %parallel_loop3A_200 : i32 to vector<16xi32>
        %parallel_loop3A_202 = arith.addi %parallel_loop3A_176, %parallel_loop3A_201 : vector<16xi32>
        %parallel_loop3A_203 = arith.constant 1 : i32
        %parallel_loop3A_204 = arith.constant 0 : i32
        %parallel_loop3A_205 = arith.constant 0 : i32
        %parallel_loop3A_206 = tpu.memref_slice %arg7[%parallel_loop3A_203, %parallel_loop3A_204, %parallel_loop3A_205] : memref<2x128x128xf32, #tpu.memory_space<vmem>> -> memref<1x128x128xf32, #tpu.memory_space<vmem>>
        %parallel_loop3A_207 = tpu.memref_squeeze %parallel_loop3A_206 : memref<1x128x128xf32, #tpu.memory_space<vmem>> -> memref<128x128xf32, #tpu.memory_space<vmem>>
        %parallel_loop3A_208 = tpu.vector_load_idx %parallel_loop3A_207[%parallel_loop3A_170, %parallel_loop3A_202] : memref<128x128xf32, #tpu.memory_space<vmem>>[vector<16xi32>, vector<16xi32>], vector<16xf32>,
        %parallel_loop3A_209 = arith.constant 8.000000e+00 : f32
        %parallel_loop3A_210 = vector.broadcast %parallel_loop3A_209 : f32 to vector<16xf32>
        %parallel_loop3A_211 = arith.mulf %parallel_loop3A_208, %parallel_loop3A_210 : vector<16xf32>
        %parallel_loop3A_212 = arith.constant 1 : i32
        %parallel_loop3A_213 = arith.constant 0 : i32
        %parallel_loop3A_214 = arith.constant 0 : i32
        %parallel_loop3A_215 = tpu.memref_slice %arg8[%parallel_loop3A_212, %parallel_loop3A_213, %parallel_loop3A_214] : memref<2x64x128xf32, #tpu.memory_space<vmem>> -> memref<1x64x128xf32, #tpu.memory_space<vmem>>
        %parallel_loop3A_216 = tpu.memref_squeeze %parallel_loop3A_215 : memref<1x64x128xf32, #tpu.memory_space<vmem>> -> memref<64x128xf32, #tpu.memory_space<vmem>>
        tpu.vector_store_idx %parallel_loop3A_216[%parallel_loop3A_199, %parallel_loop3A_170], %parallel_loop3A_211 : memref<64x128xf32, #tpu.memory_space<vmem>>[vector<16xi32>, vector<16xi32>], vector<16xf32>,
        %parallel_loop3A_217 = arith.constant 32 : i32
        %parallel_loop3A_218 = vector.broadcast %parallel_loop3A_217 : i32 to vector<16xi32>
        %parallel_loop3A_219 = arith.addi %parallel_loop3A_218, %parallel_loop3A_175 : vector<16xi32>
        %parallel_loop3A_220 = arith.constant 32 : i32
        %parallel_loop3A_221 = vector.broadcast %parallel_loop3A_220 : i32 to vector<16xi32>
        %parallel_loop3A_222 = arith.addi %parallel_loop3A_176, %parallel_loop3A_221 : vector<16xi32>
        %parallel_loop3A_223 = arith.constant 1 : i32
        %parallel_loop3A_224 = arith.constant 0 : i32
        %parallel_loop3A_225 = arith.constant 0 : i32
        %parallel_loop3A_226 = tpu.memref_slice %arg7[%parallel_loop3A_223, %parallel_loop3A_224, %parallel_loop3A_225] : memref<2x128x128xf32, #tpu.memory_space<vmem>> -> memref<1x128x128xf32, #tpu.memory_space<vmem>>
        %parallel_loop3A_227 = tpu.memref_squeeze %parallel_loop3A_226 : memref<1x128x128xf32, #tpu.memory_space<vmem>> -> memref<128x128xf32, #tpu.memory_space<vmem>>
        %parallel_loop3A_228 = tpu.vector_load_idx %parallel_loop3A_227[%parallel_loop3A_170, %parallel_loop3A_222] : memref<128x128xf32, #tpu.memory_space<vmem>>[vector<16xi32>, vector<16xi32>], vector<16xf32>,
        %parallel_loop3A_229 = arith.constant 8.000000e+00 : f32
        %parallel_loop3A_230 = vector.broadcast %parallel_loop3A_229 : f32 to vector<16xf32>
        %parallel_loop3A_231 = arith.mulf %parallel_loop3A_228, %parallel_loop3A_230 : vector<16xf32>
        %parallel_loop3A_232 = arith.constant 1 : i32
        %parallel_loop3A_233 = arith.constant 0 : i32
        %parallel_loop3A_234 = arith.constant 0 : i32
        %parallel_loop3A_235 = tpu.memref_slice %arg8[%parallel_loop3A_232, %parallel_loop3A_233, %parallel_loop3A_234] : memref<2x64x128xf32, #tpu.memory_space<vmem>> -> memref<1x64x128xf32, #tpu.memory_space<vmem>>
        %parallel_loop3A_236 = tpu.memref_squeeze %parallel_loop3A_235 : memref<1x64x128xf32, #tpu.memory_space<vmem>> -> memref<64x128xf32, #tpu.memory_space<vmem>>
        tpu.vector_store_idx %parallel_loop3A_236[%parallel_loop3A_219, %parallel_loop3A_170], %parallel_loop3A_231 : memref<64x128xf32, #tpu.memory_space<vmem>>[vector<16xi32>, vector<16xi32>], vector<16xf32>,
        %parallel_loop3A_237 = arith.constant 48 : i32
        %parallel_loop3A_238 = vector.broadcast %parallel_loop3A_237 : i32 to vector<16xi32>
        %parallel_loop3A_239 = arith.addi %parallel_loop3A_238, %parallel_loop3A_175 : vector<16xi32>
        %parallel_loop3A_240 = arith.constant 48 : i32
        %parallel_loop3A_241 = vector.broadcast %parallel_loop3A_240 : i32 to vector<16xi32>
        %parallel_loop3A_242 = arith.addi %parallel_loop3A_176, %parallel_loop3A_241 : vector<16xi32>
        %parallel_loop3A_243 = arith.constant 1 : i32
        %parallel_loop3A_244 = arith.constant 0 : i32
        %parallel_loop3A_245 = arith.constant 0 : i32
        %parallel_loop3A_246 = tpu.memref_slice %arg7[%parallel_loop3A_243, %parallel_loop3A_244, %parallel_loop3A_245] : memref<2x128x128xf32, #tpu.memory_space<vmem>> -> memref<1x128x128xf32, #tpu.memory_space<vmem>>
        %parallel_loop3A_247 = tpu.memref_squeeze %parallel_loop3A_246 : memref<1x128x128xf32, #tpu.memory_space<vmem>> -> memref<128x128xf32, #tpu.memory_space<vmem>>
        %parallel_loop3A_248 = tpu.vector_load_idx %parallel_loop3A_247[%parallel_loop3A_170, %parallel_loop3A_242] : memref<128x128xf32, #tpu.memory_space<vmem>>[vector<16xi32>, vector<16xi32>], vector<16xf32>,
        %parallel_loop3A_249 = arith.constant 8.000000e+00 : f32
        %parallel_loop3A_250 = vector.broadcast %parallel_loop3A_249 : f32 to vector<16xf32>
        %parallel_loop3A_251 = arith.mulf %parallel_loop3A_248, %parallel_loop3A_250 : vector<16xf32>
        %parallel_loop3A_252 = arith.constant 1 : i32
        %parallel_loop3A_253 = arith.constant 0 : i32
        %parallel_loop3A_254 = arith.constant 0 : i32
        %parallel_loop3A_255 = tpu.memref_slice %arg8[%parallel_loop3A_252, %parallel_loop3A_253, %parallel_loop3A_254] : memref<2x64x128xf32, #tpu.memory_space<vmem>> -> memref<1x64x128xf32, #tpu.memory_space<vmem>>
        %parallel_loop3A_256 = tpu.memref_squeeze %parallel_loop3A_255 : memref<1x64x128xf32, #tpu.memory_space<vmem>> -> memref<64x128xf32, #tpu.memory_space<vmem>>
        tpu.vector_store_idx %parallel_loop3A_256[%parallel_loop3A_239, %parallel_loop3A_170], %parallel_loop3A_251 : memref<64x128xf32, #tpu.memory_space<vmem>>[vector<16xi32>, vector<16xi32>], vector<16xf32>,
      } {sc.loop_unroll_factor = 4 : i64, sc.parallel_access}
      %dma_start3A_129 = arith.constant 1 : i32
      %dma_start3A_130 = arith.constant 0 : i32
      %dma_start3A_131 = arith.constant 0 : i32
      %dma_start3A_132 = tpu.memref_slice %arg8[%dma_start3A_129, %dma_start3A_130, %dma_start3A_131] : memref<2x64x128xf32, #tpu.memory_space<vmem>> -> memref<1x64x128xf32, #tpu.memory_space<vmem>>
      %dma_start3A_133 = tpu.memref_squeeze %dma_start3A_132 : memref<1x64x128xf32, #tpu.memory_space<vmem>> -> memref<64x128xf32, #tpu.memory_space<vmem>>
      %dma_start3A_134 = arith.constant 0 : i32
      %dma_start3A_135 = tpu.memref_slice %arg4[%add3A_109, %dma_start3A_134, %mul3A_2] : memref<200x64x4096xf32, #tpu.memory_space<hbm>> -> memref<1x64x128xf32, #tpu.memory_space<hbm>>
      %dma_start3A_136 = tpu.memref_squeeze %dma_start3A_135 : memref<1x64x128xf32, #tpu.memory_space<hbm>> -> memref<64x128xf32, #tpu.memory_space<hbm>>
      %dma_start3A_137 = arith.constant 0 : i32
      %dma_start3A_138 = tpu.memref_slice %arg4[%add3A_109, %dma_start3A_137, %mul3A_2] : memref<200x64x4096xf32, #tpu.memory_space<hbm>> -> memref<1x64x128xf32, #tpu.memory_space<hbm>>
      %dma_start3A_139 = tpu.memref_squeeze %dma_start3A_138 : memref<1x64x128xf32, #tpu.memory_space<hbm>> -> memref<64x128xf32, #tpu.memory_space<hbm>>
      %dma_start3A_140 = arith.constant 0 : i32
      %dma_start3A_141 = arith.constant 0 : i32
      %dma_start3A_142 = tpu.memref_slice %arg8[%dma_start3A_129, %dma_start3A_140, %dma_start3A_141] : memref<2x64x128xf32, #tpu.memory_space<vmem>> -> memref<1x64x128xf32, #tpu.memory_space<vmem>>
      %dma_start3A_143 = tpu.memref_squeeze %dma_start3A_142 : memref<1x64x128xf32, #tpu.memory_space<vmem>> -> memref<64x128xf32, #tpu.memory_space<vmem>>
      tpu.enqueue_dma source(%dma_start3A_143 : memref<64x128xf32, #tpu.memory_space<vmem>>) target(%dma_start3A_139 : memref<64x128xf32, #tpu.memory_space<hbm>>) target_semaphore(%arg12 : memref<!tpu.dma_semaphore, #tpu.memory_space<semaphore_mem>>)
      %add3A_144 = arith.constant 2 : i32
      %add3A_145 = arith.addi %add3A_109, %add3A_144 : i32
      %lt3A_146 = arith.constant 200 : i32
      %lt3A_147 = arith.cmpi slt, %add3A_145, %lt3A_146 : i32
      %convert_element_type3A_148 = arith.extui %lt3A_147 : i1 to i32
      %cond3A_149 = arith.constant 0 : i32
      %cond3A_150 = arith.cmpi ne, %convert_element_type3A_148, %cond3A_149 : i32
      scf.if %cond3A_150 {
        %add3A_151 = arith.constant 2 : i32
        %add3A_152 = arith.addi %add3A_109, %add3A_151 : i32
        %dma_start3A_153 = arith.constant 1 : i32
        %dma_start3A_154 = arith.constant 0 : i32
        %dma_start3A_155 = arith.constant 0 : i32
        %dma_start3A_156 = tpu.memref_slice %arg7[%dma_start3A_153, %dma_start3A_154, %dma_start3A_155] : memref<2x128x128xf32, #tpu.memory_space<vmem>> -> memref<1x128x128xf32, #tpu.memory_space<vmem>>
        %dma_start3A_157 = tpu.memref_squeeze %dma_start3A_156 : memref<1x128x128xf32, #tpu.memory_space<vmem>> -> memref<128x128xf32, #tpu.memory_space<vmem>>
        %dma_start3A_158 = arith.constant 0 : i32
        %dma_start3A_159 = tpu.memref_slice %arg6[%add3A_152, %dma_start3A_158] : memref<200x128xi32, #tpu.memory_space<vmem>> -> memref<1x128xi32, #tpu.memory_space<vmem>>
        %dma_start3A_160 = tpu.memref_squeeze %dma_start3A_159 : memref<1x128xi32, #tpu.memory_space<vmem>> -> memref<128xi32, #tpu.memory_space<vmem>>
        %dma_start3A_161 = arith.constant 0 : i32
        %dma_start3A_162 = arith.constant 0 : i32
        %dma_start3A_163 = tpu.memref_slice %arg3[%dma_start3A_161, %dma_start3A_162] : memref<500000x128xf32, #tpu.memory_space<hbm>> -> memref<500000x128xf32, #tpu.memory_space<hbm>>
        tpu.enqueue_indirect_dma source(%dma_start3A_163 : memref<500000x128xf32, #tpu.memory_space<hbm>>) target(%dma_start3A_157 : memref<128x128xf32, #tpu.memory_space<vmem>>) offsets(%dma_start3A_160 : memref<128xi32, #tpu.memory_space<vmem>>) semaphore(%arg10 : memref<!tpu.dma_semaphore, #tpu.memory_space<semaphore_mem>>)
      } else {
      }
    }
    %scan3A_32 = arith.constant 100 : i32
    %dma_wait3A = arith.constant 0 : i32
    %dma_wait3A_33 = arith.constant 198 : i32
    %dma_wait3A_34 = arith.constant 0 : i32
    %dma_wait3A_35 = arith.constant 0 : i32
    %dma_wait3A_36 = tpu.memref_slice %arg8[%dma_wait3A, %dma_wait3A_34, %dma_wait3A_35] : memref<2x64x128xf32, #tpu.memory_space<vmem>> -> memref<1x64x128xf32, #tpu.memory_space<vmem>>
    %dma_wait3A_37 = tpu.memref_squeeze %dma_wait3A_36 : memref<1x64x128xf32, #tpu.memory_space<vmem>> -> memref<64x128xf32, #tpu.memory_space<vmem>>
    %dma_wait3A_38 = arith.constant 0 : i32
    %dma_wait3A_39 = tpu.memref_slice %arg4[%dma_wait3A_33, %dma_wait3A_38, %mul3A_2] : memref<200x64x4096xf32, #tpu.memory_space<hbm>> -> memref<1x64x128xf32, #tpu.memory_space<hbm>>
    %dma_wait3A_40 = tpu.memref_squeeze %dma_wait3A_39 : memref<1x64x128xf32, #tpu.memory_space<hbm>> -> memref<64x128xf32, #tpu.memory_space<hbm>>
    %dma_wait3A_41 = arith.constant 0 : i32
    %dma_wait3A_42 = tpu.memref_slice %arg4[%dma_wait3A_33, %dma_wait3A_41, %mul3A_2] : memref<200x64x4096xf32, #tpu.memory_space<hbm>> -> memref<1x64x128xf32, #tpu.memory_space<hbm>>
    %dma_wait3A_43 = tpu.memref_squeeze %dma_wait3A_42 : memref<1x64x128xf32, #tpu.memory_space<hbm>> -> memref<64x128xf32, #tpu.memory_space<hbm>>
    %dma_wait3A_44 = arith.constant 0 : i32
    %dma_wait3A_45 = arith.constant 0 : i32
    %dma_wait3A_46 = tpu.memref_slice %arg8[%dma_wait3A, %dma_wait3A_44, %dma_wait3A_45] : memref<2x64x128xf32, #tpu.memory_space<vmem>> -> memref<1x64x128xf32, #tpu.memory_space<vmem>>
    %dma_wait3A_47 = tpu.memref_squeeze %dma_wait3A_46 : memref<1x64x128xf32, #tpu.memory_space<vmem>> -> memref<64x128xf32, #tpu.memory_space<vmem>>
    tpu.wait_dma2 semaphore(%arg11 : memref<!tpu.dma_semaphore, #tpu.memory_space<semaphore_mem>>) src(%dma_wait3A_47 : memref<64x128xf32, #tpu.memory_space<vmem>>) dst(%dma_wait3A_43 : memref<64x128xf32, #tpu.memory_space<hbm>>)
    %dma_wait3A_48 = arith.constant 1 : i32
    %dma_wait3A_49 = arith.constant 199 : i32
    %dma_wait3A_50 = arith.constant 0 : i32
    %dma_wait3A_51 = arith.constant 0 : i32
    %dma_wait3A_52 = tpu.memref_slice %arg8[%dma_wait3A_48, %dma_wait3A_50, %dma_wait3A_51] : memref<2x64x128xf32, #tpu.memory_space<vmem>> -> memref<1x64x128xf32, #tpu.memory_space<vmem>>
    %dma_wait3A_53 = tpu.memref_squeeze %dma_wait3A_52 : memref<1x64x128xf32, #tpu.memory_space<vmem>> -> memref<64x128xf32, #tpu.memory_space<vmem>>
    %dma_wait3A_54 = arith.constant 0 : i32
    %dma_wait3A_55 = tpu.memref_slice %arg4[%dma_wait3A_49, %dma_wait3A_54, %mul3A_2] : memref<200x64x4096xf32, #tpu.memory_space<hbm>> -> memref<1x64x128xf32, #tpu.memory_space<hbm>>
    %dma_wait3A_56 = tpu.memref_squeeze %dma_wait3A_55 : memref<1x64x128xf32, #tpu.memory_space<hbm>> -> memref<64x128xf32, #tpu.memory_space<hbm>>
    %dma_wait3A_57 = arith.constant 0 : i32
    %dma_wait3A_58 = tpu.memref_slice %arg4[%dma_wait3A_49, %dma_wait3A_57, %mul3A_2] : memref<200x64x4096xf32, #tpu.memory_space<hbm>> -> memref<1x64x128xf32, #tpu.memory_space<hbm>>
    %dma_wait3A_59 = tpu.memref_squeeze %dma_wait3A_58 : memref<1x64x128xf32, #tpu.memory_space<hbm>> -> memref<64x128xf32, #tpu.memory_space<hbm>>
    %dma_wait3A_60 = arith.constant 0 : i32
    %dma_wait3A_61 = arith.constant 0 : i32
    %dma_wait3A_62 = tpu.memref_slice %arg8[%dma_wait3A_48, %dma_wait3A_60, %dma_wait3A_61] : memref<2x64x128xf32, #tpu.memory_space<vmem>> -> memref<1x64x128xf32, #tpu.memory_space<vmem>>
    %dma_wait3A_63 = tpu.memref_squeeze %dma_wait3A_62 : memref<1x64x128xf32, #tpu.memory_space<vmem>> -> memref<64x128xf32, #tpu.memory_space<vmem>>
    tpu.wait_dma2 semaphore(%arg12 : memref<!tpu.dma_semaphore, #tpu.memory_space<semaphore_mem>>) src(%dma_wait3A_63 : memref<64x128xf32, #tpu.memory_space<vmem>>) dst(%dma_wait3A_59 : memref<64x128xf32, #tpu.memory_space<hbm>>)
    return
  }
}

</mosaic_0001>

<sc_bundles>
// kernel: kernel.4.cloned.1.call-start
scs
__scs_entry_jumppad:
0x0: {  	(pc) =	sbr.rel $0x88, $3  }
0x1: {  	(tag) =	ssettag $0x0;
	lr =	simm.s32 $0x1  }
0x2: {  	[smem:$0x3F9F] =	sst lr;
	_ =	strace $0xD0000000  }
0x3: {  	_ = 	snop  }
0x4: {  	_ = 	snop  }
0x5: {  	_ = 	snop  }
0x6: {  	_ = 	snop  }
0x7: {  	_ = 	snop  }
__scs_overlays_trampoline_lowered:
0x8: {  	[smem:$0x3FAE] =	sst s0  }
0x9: {  	[smem:$0x3FAF] =	sst s1  }
0xa: {  	[smem:$0x3FB0] =	sst s2  }
0xb: {  	[smem:$0x3FB1] =	sst s3  }
0xc: {  	[smem:$0x3FB2] =	sst s4  }
0xd: {  	[smem:$0x3FB3] =	sst s5  }
0xe: {  	[smem:$0x3FB4] =	sst s6  }
0xf: {  	[smem:$0x3FB5] =	sst s7  }
0x10: {  	[smem:$0x3FB6] =	sst s8  }
0x11: {  	[smem:$0x3FB7] =	sst s9;
	s0 =	simm.s32 @!p0 $0x0  }
0x12: {  	s1 =	sld [smem:$0x3F9D];
	s0 =	simm.s32 @p0 $0x1  }
0x13: {  	[smem:$0x3FB8] =	sst s0;
	s0 =	simm.s32 @!p1 $0x0  }
0x14: {  	s2 =	sld [smem:$0x3F9C];
	s0 =	simm.s32 @p1 $0x1  }
0x15: {  	[smem:$0x3FB9] =	sst s0;
	s0 =	simm.s32 @!p2 $0x0  }
0x16: {  	s3 =	sld [smem:$0x3FDB];
	s0 =	simm.s32 @p2 $0x1  }
0x17: {  	s4 =	simm.s32 $0x1BF5;
	[smem:$0x3FBB] =	sst s0  }
0x18: {  	s0 =	sld [smem:$0x3F9E];
	_ =	swait.ge [sflag:s4], $0x0  }
0x19: {  	s7 =	sld [smem:$0x3F9F]  }
0x1a: {  	s8 =	sadd.s32 $0xFFFFE003, lr  }
0x1b: {  	s9 =	sadd.s32 $0xFFFFFEF7, lr;
	s5 =	simm.s32 $0xFFFFFFFF;
	p2 =	slt.u32 s8, $0xFFFFF086  }
0x1c: {  	p1 =	slt.u32 s9, $0xF7A;
	s5 =	simm.s32 @!p2 $0x0  }
0x1d: {  	s5 =	simm.s32 @p1 $0x1;
	p0 =	seq.s32 s7, s2  }
0x1e: {  	s7 =	smul.u32 @!p0 $0xF7A, s2;
	p2 =	seq.s32 @!p0 s5, $0x0  }
0x1f: {  	s9 =	smul.u32 $0xF7A, s1;
	s8 =	simm.s32 @!p0 $0x1BF5;
	p2 =	por !p2, p0  }
0x20: {  	[sflag:s8] =	ssyncset.s32 @!p0 $0xFFFFF086;
	s6 =	sadd.s32 @!p0 s3, s7;
	s7 =	simm.s32 @!p0 $0x108  }
0x21: {  	s3 =	sadd.s32 s3, s9;
	s6 =	sadd.s32 @!p0 $0x88, s6;
	s7 =	simm.s32 @p2 $0x1082  }
0x22: {  	[simem:s7], [sflag:s8] =	dma.local @!p0 [hbm:s6], $0xF7A  }
0x23: {  	s9 =	sor.u32 $0xD0000000, s2;
	s6 =	simm.s32 $0x108;
	_ =	swait.ge @!p0 [sflag:s8], $0x0  }
0x24: {  	s3 =	sadd.s32 $0x88, s3;
	s6 =	simm.s32 @!p1 $0x1082;
	[sflag:s4] =	ssyncset.s32 $0xFFFFF086  }
0x25: {  	[simem:s6], [sflag:s4] =	dma.local [hbm:s3], $0xF7A  }
0x26: {  	[smem:$0x3F9F] =	sst s1;
	(tag) =	ssettag s2;
	_ =	strace s9  }
0x27: {  	s1 =	sld [smem:$0x3FAF]  }
0x28: {  	s2 =	sld [smem:$0x3FB0]  }
0x29: {  	s4 =	sld [smem:$0x3FB2]  }
0x2a: {  	p0 =	seq.s32 s5, $0x0;
	s5 =	sld [smem:$0x3FB3]  }
0x2b: {  	s6 =	sld [smem:$0x3FB4]  }
0x2c: {  	s7 =	sld [smem:$0x3FB5]  }
0x2d: {  	s3 =	simm.s32 $0x108;
	s8 =	sld [smem:$0x3FB6]  }
0x2e: {  	s3 =	simm.s32 @!p0 $0x1082;
	s9 =	sld [smem:$0x3FB7]  }
0x2f: {  	lr =	sadd.s32 s0, s3;
	s0 =	sld [smem:$0x3FAE]  }
0x30: {  	s3 =	sld [smem:$0x3FB1]  }
0x31: {  	[smem:$0x3FBA] =	sst s10  }
0x32: {  	s10 =	sld [smem:$0x3FB8];
	_ =	sdelay $0x3  }
0x33: {  	p0 =	seq.s32 s10, $0x1;
	s10 =	sld [smem:$0x3FBA];
	_ =	sdelay $0x3  }
0x34: {  	[smem:$0x3FBA] =	sst s10  }
0x35: {  	s10 =	sld [smem:$0x3FB9];
	_ =	sdelay $0x3  }
0x36: {  	p1 =	seq.s32 s10, $0x1;
	s10 =	sld [smem:$0x3FBA];
	_ =	sdelay $0x3  }
0x37: {  	[smem:$0x3FBA] =	sst s10  }
0x38: {  	s10 =	sld [smem:$0x3FBB]  }
0x39: {  	_ = 	snop;
	(pc) =	sbr.ind lr, $3  }
0x3a: {  	_ = 	snop  }
0x3b: {  	_ = 	snop  }
0x3c: {  	p2 =	seq.s32 s10, $0x1;
	s10 =	sld [smem:$0x3FBA]  }
0x3d: {  	_ =	shalt  }
0x3e: {  	_ =	shalt  }
0x3f: {  	_ =	shalt  }
0x40: {  	_ =	shalt  }
0x41: {  	_ =	shalt  }
0x42: {  	_ =	shalt  }
0x43: {  	_ =	shalt  }
0x44: {  	_ =	shalt  }
0x45: {  	_ =	shalt  }
0x46: {  	_ =	shalt  }
0x47: {  	_ =	shalt  }
0x48: {  	_ =	shalt  }
0x49: {  	_ =	shalt  }
0x4a: {  	_ =	shalt  }
0x4b: {  	_ =	shalt  }
0x4c: {  	_ =	shalt  }
0x4d: {  	_ =	shalt  }
0x4e: {  	_ =	shalt  }
0x4f: {  	_ =	shalt  }
0x50: {  	_ =	shalt  }
0x51: {  	_ =	shalt  }
0x52: {  	_ =	shalt  }
0x53: {  	_ =	shalt  }
0x54: {  	_ =	shalt  }
0x55: {  	_ =	shalt  }
0x56: {  	_ =	shalt  }
0x57: {  	_ =	shalt  }
0x58: {  	_ =	shalt  }
0x59: {  	_ =	shalt  }
0x5a: {  	_ =	shalt  }
0x5b: {  	_ =	shalt  }
0x5c: {  	_ =	shalt  }
0x5d: {  	_ =	shalt  }
0x5e: {  	_ =	shalt  }
0x5f: {  	_ =	shalt  }
0x60: {  	_ =	shalt  }
0x61: {  	_ =	shalt  }
0x62: {  	_ =	shalt  }
0x63: {  	_ =	shalt  }
0x64: {  	_ =	shalt  }
0x65: {  	_ =	shalt  }
0x66: {  	_ =	shalt  }
0x67: {  	_ =	shalt  }
0x68: {  	_ =	shalt  }
0x69: {  	_ =	shalt  }
0x6a: {  	_ =	shalt  }
0x6b: {  	_ =	shalt  }
0x6c: {  	_ =	shalt  }
0x6d: {  	_ =	shalt  }
0x6e: {  	_ =	shalt  }
0x6f: {  	_ =	shalt  }
0x70: {  	_ =	shalt  }
0x71: {  	_ =	shalt  }
0x72: {  	_ =	shalt  }
0x73: {  	_ =	shalt  }
0x74: {  	_ =	shalt  }
0x75: {  	_ =	shalt  }
0x76: {  	_ =	shalt  }
0x77: {  	_ =	shalt  }
0x78: {  	_ =	shalt  }
0x79: {  	_ =	shalt  }
0x7a: {  	_ =	shalt  }
0x7b: {  	_ =	shalt  }
0x7c: {  	_ =	shalt  }
0x7d: {  	_ =	shalt  }
0x7e: {  	_ =	shalt  }
0x7f: {  	_ =	shalt  }
0x80: {  	_ =	shalt  }
0x81: {  	_ =	shalt  }
0x82: {  	_ =	shalt  }
0x83: {  	_ =	shalt  }
0x84: {  	_ =	shalt  }
0x85: {  	_ =	shalt  }
0x86: {  	_ =	shalt  }
0x87: {  	_ =	shalt  }
.Lfunc_end0:
.L_simem_size_0:
called_computation_lowered:
.L_overlay_start_0:
0x88: {  	s2 =	sld [smem:$0x3FD9]  }
0x89: {  	s3 =	sld [smem:$0x3FFE];
	_ =	sdelay $0x1  }
0x8a: {  	s1 =	srdreg.scid  }
0x8b: {  	s0 =	sand.u32 $0x1, s1  }
0x8c: {  	s17 =	sshll.u32 s0, $0xA;
	s2 =	sadd.s32 s3, s2  }
0x8d: {  	s2 =	sadd.s32 s2, s17  }
0x8e: {  	[smem:$0x3FC6] =	sst s2  }
0x8f: {  	_ = 	snop  }
0x90: {  	s2 =	sld [smem:$0x3FC8]  }
0x91: {  	s18 =	sld [smem:$0x3FD0];
	(tm) =	ssettm $0x1  }
0x92: {  	s4 =	sld [smem:$0x3FFB];
	_ =	sdelay $0x3  }
0x93: {  	_ =	strace s4  }
0x94: {  	s4 =	sld [smem:$0x3FFC];
	_ =	sdelay $0x3  }
0x95: {  	_ =	strace s4  }
0x96: {  	s4 =	sld [smem:$0x3FFD];
	_ =	sdelay $0x3  }
0x97: {  	_ =	strace s4  }
0x98: {  	_ =	strace $0x8FFFFFFF  }
0x99: {  	s19 =	sld [smem:$0x3FDB];
	_ =	sdelay $0x1  }
0x9a: {  	s5 =	simm.s32 $_scs_section_size  }
0x9b: {  	s6 =	simm.s32 $_size__tile_overlayer_lowered;
	s7 =	simm.s32 $_tile_overlayer_lowered  }
0x9c: {  	s22 =	simm.s32 $0x1BFF;
	s21 =	sshll.u32 s7, $0x1;
	s4 =	sadd.s32 s5, s19  }
0x9d: {  	s8 =	simm.s32 $0x0;
	s20 =	sshll.u32 s6, $0x1;
	s6 =	sadd.s32 s21, s4  }
0x9e: {  	[timem:s8], [sflag:s22] =	dma.local [hbm:s6], s20  }
0x9f: {  	_ =	swait.ge [sflag:s22], s20  }
0xa0: {  	s5 =	ssub.s32 $0x0, s20;
	[sflag:s22] =	ssyncset.done $0x0  }
0xa1: {  	[sflag:s22] =	ssyncadd.s32 s5;
	_ =	sdelay $0x1  }
0xa2: {  	s23 =	simm.s32 $0x1B8B  }
0xa3: {  	_ =	swait.ge [sflag:s23], $0x1  }
0xa4: {  	[sflag:s23] =	ssyncset.done $0x0  }
0xa5: {  	s25 =	simm.s32 $0x1B8E;
	s24 =	sld [smem:$0x3FFE];
	[sflag:s23] =	ssyncadd.s32 $0xFFFFFFFF  }
0xa6: {  	s26 =	simm.s32 $execute0_lowered;
	[smem:$0x3FD2] =	sst s25  }
0xa7: {  	s6 =	sshll.u32 s26, $0x1;
	_ =	strace $0x80000046;
	[dreg:$0x1] =	wrdreg $0xFFFFFFFF  }
0xa8: {  	s28 =	simm.s32 $_size_execute0_lowered;
	s4 =	sadd.s32 s4, s6;
	[dreg:$0x0] =	wrdreg $0x0  }
0xa9: {  	s6 =	sshll.u32 s28, $0x1;
	[dreg:$0x2] =	wrdreg s4  }
0xaa: {  	[dreg:$0x3] =	wrdreg s6  }
0xab: {  	[dreg:$0x4] =	wrdreg $0xC0  }
0xac: {  	_ =	task [dreg:s8], $0x5FFFF  }
0xad: {  	[dreg:$0x1] =	wrdreg $0xFFFFFFFF  }
0xae: {  	[dreg:$0x0] =	wrdreg $0x60  }
0xaf: {  	[dreg:$0x2] =	wrdreg s2  }
0xb0: {  	[dreg:$0x3] =	wrdreg s18  }
0xb1: {  	[dreg:$0x4] =	wrdreg s24  }
0xb2: {  	[dreg:$0x5] =	wrdreg $0x9  }
0xb3: {  	_ =	task.clear_ibuf [dreg:s8], $0x6FFFF;
	_ =	strace $0x90000046  }
0xb4: {  	s29 =	simm.s32 $0x9;
	_ =	strace $0x80000048  }
0xb5: {  	_ =	swait.ge [sflag:s29], $0x1  }
0xb6: {  	[sflag:s29] =	ssyncadd.s32 $0xFFFFFFFF  }
0xb7: {  	_ =	strace $0x90000048  }
0xb8: {  	_ =	sfence  }
0xb9: {  	s30 =	sld [smem:$0x0];
	_ =	sdelay $0x2  }
0xba: {  	s31 =	sshll.u32 s1, $0xD;
	s1 =	sshrl.u32 s1, $0x2  }
0xbb: {  	s3 =	sand.u32 $0x4000, s31;
	s1 =	sadd.s32 s1, s30  }
0xbc: {  	s0 =	sor.u32 s3, s0;
	s1 =	sshll.u32 s1, $0x11  }
0xbd: {  	s0 =	sor.u32 s1, s0  }
0xbe: {  	s0 =	sadd.s32 $0x8F2B, s0  }
0xbf: {  	[sflag:s0] =	ssyncadd.remote.s32 $0x1  }
0xc0: {  	_ =	sfence.sel $0xFFFF  }
0xc1: {  	[dreg:$0x0] =	wrdreg $0xFFFFFFFF;
	(pc) =	sbr.abs _section_cstart, $3  }
0xc2: {  	[dreg:$0x1] =	wrdreg $0xFFFFFFFF  }
0xc3: {  	_ =	task.clear_ibuf [dreg:s8], $0x2FFFF;
	_ =	strace $0x9FFFFFFF  }
0xc4: {  	(tm) =	ssettm $0x7FFFFFFF  }
0xc5: {  	_ =	shalt  }
tec
execute0_lowered:
.L_overlay_start_1:
0x0: {  	(tag) =	ssettag $0x1  }
0x1: {  	v0 =	vimm.s32 $0xB80;
	vm15 =	vcmask $0x300  }
0x2: {  	vm14 =	vcmask $0x704;
	v0 =	vsel vm15, $0x0, v0  }
0x3: {  	vm13 =	vcmask $0xB08;
	v0 =	vsel vm14, $0x80, v0  }
0x4: {  	vm12 =	vcmask $0xF0C;
	v0 =	vsel vm13, $0x100, v0  }
0x5: {  	vm11 =	vcmask $0x1310;
	v0 =	vsel vm12, $0x180, v0  }
0x6: {  	vm10 =	vcmask $0x1714;
	v0 =	vsel vm11, $0x200, v0  }
0x7: {  	vm9 =	vcmask $0x1B18;
	v0 =	vsel vm10, $0x280, v0  }
0x8: {  	vm7 =	vcmask $0x1F1C;
	v0 =	vsel vm9, $0x300, v0  }
0x9: {  	vm8 =	vcmask $0x2320;
	v0 =	vsel vm7, $0x380, v0  }
0xa: {  	vm6 =	vcmask $0x2724;
	v0 =	vsel vm8, $0x800, v0  }
0xb: {  	vm4 =	vcmask $0x2B28;
	v1 =	vimm.s32 $0x1B80;
	v0 =	vsel vm6, $0x880, v0  }
0xc: {  	vm3 =	vcmask $0x2F2C;
	v1 =	vsel vm15, $0x1000, v1;
	v0 =	vsel vm4, $0x900, v0  }
0xd: {  	vm2 =	vcmask $0x3330;
	v1 =	vsel vm14, $0x1080, v1;
	v0 =	vsel vm3, $0x980, v0  }
0xe: {  	vm1 =	vcmask $0x3734;
	v1 =	vsel vm13, $0x1100, v1;
	v0 =	vsel vm2, $0xA00, v0  }
0xf: {  	vm0 =	vcmask $0x3B38;
	v3 =	vsel vm12, $0x1180, v1;
	v2 =	vsel vm1, $0xA80, v0  }
0x10: {  	v4 =	vimm.s32 $0x4F0E4D0C;
	v1 =	vsel vm0, $0xB00, v2;
	v2 =	vsel vm11, $0x1200, v3  }
0x11: {  	vm5 =	vcmask $0x1F10;
	v5 =	vimm.s32 $0x43024100;
	v2 =	vsel vm10, $0x1280, v2  }
0x12: {  	v6 =	vimm.s32 $0x47064504;
	v7 =	vimm.s32 $0x2B80;
	v2 =	vsel vm9, $0x1300, v2  }
0x13: {  	v11 =	vimm.s32 $0x7F3E7D3C;
	v3 =	vimm.s32 $0x4B0A4908;
	v2 =	vsel vm7, $0x1380, v2  }
0x14: {  	v4 =	vunpack.c.0.s8.s32 v4;
	v3 =	vunpack.c.0.s8.s32 v3;
	v2 =	vsel vm8, $0x1800, v2  }
0x15: {  	v5 =	vunpack.c.0.s8.s32 v5;
	v6 =	vunpack.c.0.s8.s32 v6;
	v2 =	vsel vm6, $0x1880, v2  }
0x16: {  	v3 =	vsel vm5, v4, v3;
	v4 =	vsel vm15, $0x2000, v7;
	v2 =	vsel vm4, $0x1900, v2  }
0x17: {  	v5 =	vsel vm5, v6, v5;
	v6 =	vsel vm3, $0x1980, v2;
	v2 =	vsel vm14, $0x2080, v4  }
0x18: {  	v7 =	vimm.s32 $0x5F1E5D1C;
	v4 =	vimm.s32 $0x5B1A5918;
	v2 =	vsel vm13, $0x2100, v2  }
0x19: {  	v7 =	vunpack.c.0.s8.s32 v7;
	v4 =	vunpack.c.0.s8.s32 v4;
	v8 =	vsel vm12, $0x2180, v2  }
0x1a: {  	v2 =	vcombine.low v5, v3;
	v3 =	vsel vm2, $0x1A00, v6;
	v6 =	vimm.s32 $0x53125110  }
0x1b: {  	v5 =	vsel vm11, $0x2200, v8;
	v4 =	vsel vm5, v7, v4;
	v7 =	vimm.s32 $0x57165514  }
0x1c: {  	v6 =	vunpack.c.0.s8.s32 v6;
	v5 =	vsel vm10, $0x2280, v5;
	v7 =	vunpack.c.0.s8.s32 v7  }
0x1d: {  	v11 =	vunpack.c.0.s8.s32 v11;
	v8 =	vimm.s32 $0x3B80;
	v5 =	vsel vm9, $0x2300, v5  }
0x1e: {  	v9 =	vsel vm1, $0x1A80, v3;
	v5 =	vsel vm7, $0x2380, v5;
	v6 =	vsel vm5, v7, v6  }
0x1f: {  	v3 =	vsel vm8, $0x2800, v5;
	v5 =	vsel vm15, $0x3000, v8;
	v8 =	vimm.s32 $0x6F2E6D2C  }
0x20: {  	v7 =	vsel vm6, $0x2880, v3;
	v3 =	vsel vm14, $0x3080, v5;
	v5 =	vimm.s32 $0x6B2A6928  }
0x21: {  	s8 =	rddreg [dreg:$0x0];
	v8 =	vunpack.c.0.s8.s32 v8;
	v3 =	vsel vm13, $0x3100, v3;
	v5 =	vunpack.c.0.s8.s32 v5  }
0x22: {  	s0 =	rddreg [dreg:$0x1];
	v10 =	vsel vm12, $0x3180, v3;
	v3 =	vcombine.low v6, v4;
	v4 =	vsel vm4, $0x2900, v7  }
0x23: {  	s9 =	rddreg [dreg:$0x2];
	s15 =	simm.s32 $0x7A1400;
	v6 =	vsel vm11, $0x3200, v10;
	v4 =	vsel vm3, $0x2980, v4;
	v7 =	vsel vm5, v8, v5  }
0x24: {  	s1 =	simm.s32 $0x0;
	s4 =	srdreg.scid;
	s2 =	stileid.u32;
	v8 =	vimm.s32 $0x67266524;
	v10 =	vimm.s32 $0x7B3A7938;
	v5 =	vsel vm10, $0x3280, v6  }
0x25: {  	s3 =	rddreg [dreg:$0x3];
	s14 =	simm.s32 $0x800;
	s16 =	simm.s32 $0x4000;
	v6 =	vimm.s32 $0x63226120;
	v8 =	vunpack.c.0.s8.s32 v8;
	v5 =	vsel vm9, $0x3300, v5  }
0x26: {  	s17 =	simm.s32 $0x3;
	s18 =	simm.s32 $0x1;
	s19 =	simm.s32 $0x8000;
	v10 =	vunpack.c.0.s8.s32 v10;
	v6 =	vunpack.c.0.s8.s32 v6;
	v5 =	vsel vm7, $0x3380, v5  }
0x27: {  	s20 =	simm.s32 $0x4;
	s21 =	simm.s32 $0x2;
	s22 =	simm.s32 $0xC000;
	v0 =	vlaneseq.u32;
	v12 =	vsel vm2, $0x2A00, v4;
	v5 =	vsel vm8, $0x3800, v5  }
0x28: {  	s23 =	simm.s32 $0x0;
	s5 =	sadd.s32 $0x800, s9;
	s9 =	sadd.s32 $0x7A1800, s9;
	v6 =	vsel vm5, v8, v6;
	v8 =	vsel vm5, v11, v10;
	v5 =	vsel vm6, $0x3880, v5  }
0x29: {  	[smem:$0x7FF] =	sst s1;
	s6 =	sand.u32 $0x1, s4;
	s31 =	sshll.u32 s2, $0x1;
	v10 =	vimm.s32 $0x77367534;
	v4 =	vsel vm4, $0x3900, v5;
	v5 =	vimm.s32 $0x73327130  }
.Ltmp0:
0x2a: {  	s12 =	sadd.s32 $0x180, s0;
	s13 =	sadd.s32 $0x100, s0;
	v10 =	vunpack.c.0.s8.s32 v10;
	v11 =	vsel vm3, $0x3980, v4;
	v13 =	vunpack.c.0.s8.s32 v5;
	(pc) =	sbr.rel .LBB2_1-.Ltmp0, $4  }
0x2b: {  	_ =	strace $0x80000047;
	s4 =	sor.u32 s6, s31;
	s10 =	ssub.s32 $0x2, s6;
	v4 =	vsel vm0, $0x1B00, v9;
	v5 =	vsel vm1, $0x2A80, v12;
	v9 =	vsel vm2, $0x3A00, v11  }
0x2c: {  	s7 =	sshll.u32 s4, $0x8;
	s11 =	sshrl.u32 s10, $0x1;
	p0 =	sne.s32 s4, $0x1F;
	v6 =	vcombine.low v6, v7;
	v5 =	vsel vm0, $0x2B00, v5;
	v9 =	vsel vm1, $0x3A80, v9  }
0x2d: {  	s6 =	sadd.s32 s8, s7;
	s8 =	sadd.s32 $0x4000, s8;
	s10 =	ssub.s32 s10, s11;
	v11 =	vor.u32 $0x30, v0;
	v10 =	vsel vm5, v10, v13;
	v7 =	vsel vm0, $0x3B00, v9  }
0x2e: {  	s11 =	sadd.s32 $0x80, s0;
	s7 =	sadd.s32 $0x2000, s6;
	s10 =	smax.u32 s10, $0x1;
	v8 =	vcombine.low v10, v8;
	v9 =	vor.u32 $0x10, v0;
	v10 =	vor.u32 $0x20, v0  }
.LBB2_15:
0x2f: {  	_ =	swait.ge [sflag:s17], $0x4000  }
0x30: {  	[sflag:s17] =	ssyncset.done $0x0  }
0x31: {  	[sflag:s17] =	ssyncadd.s32 $0xFFFFC000  }
0x32: {  	_ =	swait.ge [sflag:s20], $0x4000  }
0x33: {  	[sflag:s20] =	ssyncset.done $0x0  }
0x34: {  	s24 =	simm.s32 @!p0 $0x0;
	[sflag:s20] =	ssyncadd.s32 $0xFFFFC000  }
0x35: {  	[tilespmem:s24], [sflag:$0x5] =	stream.linear.gather @!p0 [hbm4b:s0+s24], $0x400, $0x38;
	[tilespmem:$0x10000] =	vst v63  }
0x36: {  	s25 =	simm.s32 @!p0 $0x800  }
0x37: {  	[tilespmem:s25], [sflag:$0x5] =	stream.linear.gather @!p0 [hbm4b:s11+s24], $0x400, $0x38;
	[tilespmem:$0x10000] =	vst v63  }
0x38: {  	s26 =	simm.s32 @!p0 $0x1000  }
0x39: {  	[tilespmem:s26], [sflag:$0x5] =	stream.linear.gather @!p0 [hbm4b:s13+s24], $0x400, $0x38;
	[tilespmem:$0x10000] =	vst v63  }
0x3a: {  	s28 =	simm.s32 @!p0 $0x1800;
	s29 =	simm.s32 @!p0 $0x5  }
0x3b: {  	[tilespmem:s28], [sflag:$0x5] =	stream.linear.gather @!p0 [hbm4b:s12+s24], $0x400, $0x38;
	[tilespmem:$0x10000] =	vst v63  }
0x3c: {  	_ =	swait.ge @!p0 [sflag:s29], $0x1000  }
0x3d: {  	[sflag:s29] =	ssyncset.done @!p0 $0x0  }
0x3e: {  	[sflag:s29] =	ssyncadd.s32 @!p0 $0xFFFFF000  }
0x3f: {  	[hbm4b:s9+s24] =	stream.linear.scatter @!p0 [tilespmem:s24], [sflag:$0x5], $0x400, $0x38;
	[tilespmem:$0x10000] =	vst v63  }
0x40: {  	s30 =	sadd.s32 @!p0 $0x80, s9;
	s23 =	sadd.s32 $0x1, s23  }
0x41: {  	[hbm4b:s30+s24] =	stream.linear.scatter @!p0 [tilespmem:s25], [sflag:$0x5], $0x400, $0x38;
	[tilespmem:$0x10000] =	vst v63  }
0x42: {  	p1 =	sne.s32 s23, s10;
	s25 =	sadd.s32 @!p0 $0x100, s9  }
0x43: {  	[hbm4b:s25+s24] =	stream.linear.scatter @!p0 [tilespmem:s26], [sflag:$0x5], $0x400, $0x38;
	[tilespmem:$0x10000] =	vst v63  }
.Ltmp1:
0x44: {  	s25 =	sadd.s32 @!p0 $0x180, s9;
	(pc) =	sbr.rel @!p1 .LBB2_16-.Ltmp1, $4  }
0x45: {  	[hbm4b:s25+s24] =	stream.linear.scatter @!p0 [tilespmem:s28], [sflag:$0x5], $0x400, $0x38;
	[tilespmem:$0x10000] =	vst v63  }
0x46: {  	_ =	swait.ge @!p0 [sflag:s29], $0x1000  }
0x47: {  	[sflag:s29] =	ssyncset.done @!p0 $0x0  }
0x48: {  	[sflag:s29] =	ssyncadd.s32 @!p0 $0xFFFFF000  }
.LBB2_1:
.Ltmp2:
0x49: {  	(pc) =	sbr.rel .LBB2_2-.Ltmp2, $4  }
0x4a: {  	_ = 	snop  }
0x4b: {  	[tilespmem:s1], [sflag:$0x1] =	stream.strided.gather [hbm4b:s6+s14], $0x4000, s15, s14, $0x38;
	[tilespmem:$0x10000] =	vst v63  }
0x4c: {  	s24 =	simm.s32 $0x0  }
0x4d: {  	[tilespmem:s16], [sflag:$0x2] =	stream.strided.gather [hbm4b:s7+s14], $0x4000, s15, s14, $0x38;
	[tilespmem:$0x10000] =	vst v63  }
.LBB2_14:
0x4e: {  	s24 =	sadd.s32 $0x1, s24  }
0x4f: {  	p1 =	sne.s32 s24, $0x3E  }
.Ltmp3:
0x50: {  	_ = 	snop;
	(pc) =	sbr.rel @!p1 .LBB2_15-.Ltmp3, $1  }
0x51: {  	_ =	sdelay $0x3  }
.LBB2_2:
0x52: {  	s25 =	sshll.u32 s24, $0x6  }
0x53: {  	p1 =	seq.s32 s24, $0x0;
	s25 =	sor.u32 s4, s25  }
0x54: {  	p2 =	sgt.u32 @!p1 s25, $0xF41  }
0x55: {  	p2 =	por p1, p2  }
.Ltmp4:
0x56: {  	_ = 	snop;
	(pc) =	sbr.rel @p2 .LBB2_4-.Ltmp4, $1  }
0x57: {  	_ =	sdelay $0x3  }
0x58: {  	_ =	swait.ge [sflag:s17], $0x4000  }
0x59: {  	[sflag:s17] =	ssyncset.done $0x0  }
0x5a: {  	[sflag:s17] =	ssyncadd.s32 $0xFFFFC000  }
.LBB2_5:
0x5b: {  	s26 =	simm.s32 $0x0  }
0x5c: {  	s28 =	sand.u32 $0xC, s26;
	s26 =	sand.u32 $0xF0, s26  }
0x5d: {  	s29 =	sor.u32 $0x1, s28;
	v12 =	vadd.s32 s28, v0;
	v13 =	vmov s26;
	s30 =	sor.u32 $0x2, s28  }
0x5e: {  	s28 =	sor.u32 $0x3, s28;
	v14 =	vadd.s32 s29, v0;
	v12 =	vand.u32 $0xF, v12;
	v15 =	vadd.s32 s30, v0  }
0x5f: {  	v18 =	vadd.s32 s28, v0;
	v13 =	vshll.u32 v13, $0x3;
	v16 =	vand.u32 $0xF, v14  }
0x60: {  	v14 =	vshll.u32 v14, $0x6;
	v15 =	vand.u32 $0xF, v15;
	v12 =	vor.u32 s26, v12  }
0x61: {  	v19 =	vand.u32 $0xF, v18;
	v21 =	vand.u32 $0x400, v13;
	v16 =	vor.u32 s26, v16  }
0x62: {  	v14 =	vand.u32 $0x40, v14;
	v15 =	vor.u32 s26, v15;
	v22 =	vand.u32 $0x7F, v12  }
0x63: {  	v19 =	vor.u32 s26, v19;
	v23 =	vor.u32 v1, v21;
	v24 =	vor.u32 v4, v21  }
0x64: {  	v25 =	vor.u32 v7, v21;
	v12 =	vshll.u32 v12, $0x6;
	v17 =	vand.u32 $0x7F, v16  }
0x65: {  	v20 =	vand.u32 $0x7F, v15;
	v13 =	vshll.u32 v16, $0x6;
	v26 =	vand.u32 $0x7F, v19  }
0x66: {  	v28 =	vand.u32 $0x3F80, v12;
	v16 =	vshll.u32 v18, $0x6;
	v32 =	vor.u32 v23, v22  }
0x67: {  	v18 =	vshll.u32 v19, $0x6;
	v35 =	vor.u32 v24, v22;
	v15 =	vshll.u32 v15, $0x6  }
0x68: {  	v19 =	vor.u32 v5, v21;
	v13 =	vand.u32 $0x3F80, v13;
	v27 =	vor.u32 v23, v26  }
0x69: {  	v12 =	vor.u32 v25, v26;
	v30 =	vor.u32 v2, v28;
	v33 =	vor.u32 v23, v17  }
0x6a: {  	v34 =	vor.u32 v23, v20;
	v18 =	vand.u32 $0x3F80, v18;
	v36 =	vor.u32 v24, v17  }
0x6b: {  	v37 =	vor.u32 v24, v20;
	v38 =	vand.u32 $0x3F80, v15;
	v15 =	vand.u32 $0x40, v16  }
0x6c: {  	s26 =	simm.s32 $0x4;
	v39 =	vor.u32 v19, v22;
	v41 =	vor.u32 v19, v17;
	v44 =	vor.u32 v19, v20  }
0x6d: {  	s28 =	sand.u32 $0xC, s26;
	s29 =	sand.u32 $0xF0, s26;
	v16 =	vor.u32 v25, v17;
	v46 =	vor.u32 v19, v26;
	v47 =	vor.u32 v6, v28  }
0x6e: {  	v17 =	vor.u32 v25, v20;
	v60 =	vadd.s32 s28, v0;
	v42 =	vmov s29  }
0x6f: {  	_ =	swait.ge [sflag:s18], $0x4000;
	v29 =	vor.u32 v14, v13;
	v14 =	vor.u32 v8, v28;
	v40 =	vor.u32 v15, v18  }
0x70: {  	[sflag:s18] =	ssyncset.done $0x0;
	v18 =	vor.u32 v25, v22;
	v23 =	vor.u32 v6, v38;
	v21 =	vor.u32 v8, v38  }
0x71: {  	s30 =	sor.u32 $0x1, s28;
	s31 =	sor.u32 $0x2, s28;
	s28 =	sor.u32 $0x3, s28;
	v22 =	vor.u32 v24, v26;
	v25 =	vor.u32 v3, v38;
	v28 =	vor.u32 v3, v28  }
0x72: {  	[sflag:s18] =	ssyncadd.s32 $0xFFFFC000;
	v38 =	vor.u32 v2, v38;
	v43 =	vadd.s32 s31, v0;
	v50 =	vadd.s32 s28, v0  }
0x73: {  	v61 =	vshll.u32 v42, $0x3;
	v31 =	vor.u32 v0, v29;
	v13 =	vor.u32 v11, v29;
	v24 =	vld.idx.msk [tilespmem:v32+s1+$0x0], $0xffff  }
0x74: {  	v45 =	vor.u32 v9, v40;
	v19 =	vor.u32 v10, v40;
	v15 =	vor.u32 v11, v40;
	v33 =	vld.idx.msk [tilespmem:v33+s1+$0x0], $0xffff  }
0x75: {  	v26 =	vor.u32 v9, v29;
	v59 =	vor.u32 v0, v40;
	v20 =	vor.u32 v10, v29;
	v34 =	vld.idx.msk [tilespmem:v34+s1+$0x0], $0xffff  }
0x76: {  	v29 =	vadd.s32 s30, v0;
	v40 =	vand.u32 $0xF, v60;
	v62 =	vand.u32 $0xF, v50;
	v27 =	vld.idx.msk [tilespmem:v27+s1+$0x0], $0xffff  }
0x77: {  	v43 =	vand.u32 $0xF, v43;
	v48 =	vand.u32 $0xF, v29;
	v63 =	vor.u32 s29, v62  }
0x78: {  	v29 =	vshll.u32 v29, $0x6;
	v48 =	vor.u32 s29, v48;
	v57 =	vand.u32 $0x7F, v63;
	[tilespmem:v30+s19+$0x0] =	vst.idx.msk $0xffff, v24  }
0x79: {  	v24 =	vand.u32 $0x40, v29;
	v29 =	vor.u32 s29, v43;
	v30 =	vand.u32 $0x7F, v48;
	[tilespmem:v31+s19+$0x0] =	vst.idx.msk $0xffff, v33  }
0x7a: {  	v31 =	vld.idx.msk [tilespmem:v35+s1+$0x0], $0xffff;
	v49 =	vand.u32 $0x7F, v29;
	v35 =	vor.u32 s29, v40;
	[tilespmem:v38+s19+$0x0] =	vst.idx.msk $0xffff, v34;
	v34 =	vand.u32 $0x400, v61  }
0x7b: {  	[tilespmem:v59+s19+$0x0] =	vst.idx.msk $0xffff, v27;
	v27 =	vshll.u32 v48, $0x6;
	v29 =	vshll.u32 v29, $0x6;
	v53 =	vand.u32 $0x7F, v35  }
0x7c: {  	v37 =	vld.idx.msk [tilespmem:v37+s1+$0x0], $0xffff;
	v60 =	vor.u32 v1, v34;
	v56 =	vor.u32 v4, v34;
	v61 =	vor.u32 v7, v34  }
0x7d: {  	v62 =	vld.idx.msk [tilespmem:v22+s1+$0x0], $0xffff;
	v22 =	vshll.u32 v35, $0x6;
	v27 =	vand.u32 $0x3F80, v27;
	v35 =	vor.u32 v60, v57  }
0x7e: {  	v51 =	vld.idx.msk [tilespmem:v36+s1+$0x0], $0xffff;
	v40 =	vand.u32 $0x3F80, v22;
	v33 =	vor.u32 v24, v27;
	v24 =	vor.u32 v61, v57  }
0x7f: {  	v54 =	vor.u32 v60, v53;
	v58 =	vor.u32 v60, v30;
	v42 =	vor.u32 v56, v53  }
0x80: {  	v38 =	vor.u32 v56, v30;
	v43 =	vor.u32 v2, v40;
	v36 =	vor.u32 v0, v33  }
0x81: {  	v52 =	vand.u32 $0x3F80, v29;
	v22 =	vor.u32 v11, v33;
	v29 =	vor.u32 v6, v40;
	[tilespmem:v28+s19+$0x0] =	vst.idx.msk $0xffff, v31  }
0x82: {  	v28 =	vshll.u32 v50, $0x6;
	v31 =	vshll.u32 v63, $0x6;
	v50 =	vor.u32 v60, v49;
	[tilespmem:v25+s19+$0x0] =	vst.idx.msk $0xffff, v37  }
0x83: {  	v63 =	vor.u32 v5, v34;
	v27 =	vld.idx.msk [tilespmem:v39+s1+$0x0], $0xffff;
	v25 =	vor.u32 v8, v40;
	[tilespmem:v26+s19+$0x0] =	vst.idx.msk $0xffff, v51  }
0x84: {  	v31 =	vand.u32 $0x3F80, v31;
	v37 =	vor.u32 v56, v49;
	[tilespmem:v45+s19+$0x0] =	vst.idx.msk $0xffff, v62;
	v28 =	vand.u32 $0x40, v28  }
0x85: {  	v34 =	vor.u32 v63, v53;
	v26 =	vor.u32 v63, v30;
	v51 =	vor.u32 v61, v49;
	v48 =	vld.idx.msk [tilespmem:v44+s1+$0x0], $0xffff  }
0x86: {  	v55 =	vor.u32 v28, v31;
	v31 =	vor.u32 v63, v49;
	v44 =	vor.u32 v61, v30;
	v54 =	vld.idx.msk [tilespmem:v54+s1+$0x0], $0xffff  }
0x87: {  	v45 =	vld.idx.msk [tilespmem:v41+s1+$0x0], $0xffff;
	v41 =	vor.u32 v6, v52;
	v30 =	vor.u32 v8, v52;
	v49 =	vor.u32 v56, v57  }
0x88: {  	v28 =	vor.u32 v9, v55;
	[tilespmem:v47+s19+$0x0] =	vst.idx.msk $0xffff, v27;
	v47 =	vor.u32 v61, v53;
	v53 =	vld.idx.msk [tilespmem:v58+s1+$0x0], $0xffff  }
0x89: {  	v46 =	vld.idx.msk [tilespmem:v46+s1+$0x0], $0xffff;
	v39 =	vor.u32 v10, v55;
	v32 =	vor.u32 v11, v55;
	v27 =	vor.u32 v63, v57  }
.LBB2_6:
0x8a: {  	s26 =	sadd.s32 $0x4, s26;
	v56 =	vor.u32 v9, v33;
	v57 =	vor.u32 v3, v52;
	v55 =	vor.u32 v0, v55;
	v58 =	vld.idx.msk [tilespmem:v18+s1+$0x0], $0xffff  }
0x8b: {  	v40 =	vor.u32 v3, v40;
	s28 =	sand.u32 $0xF0, s26;
	s29 =	sand.u32 $0xC, s26;
	p2 =	slt.u32 s26, $0xFC;
	[tilespmem:v43+s19+$0x0] =	vst.idx.msk $0xffff, v54;
	v43 =	vld.idx.msk [tilespmem:v50+s1+$0x0], $0xffff;
	v50 =	vor.u32 v2, v52  }
0x8c: {  	v33 =	vor.u32 v10, v33;
	v18 =	vmovc v47;
	v52 =	vadd.s32 s29, v0;
	v54 =	vmov s28;
	s30 =	sor.u32 $0x1, s29;
	s31 =	sor.u32 $0x2, s29;
	s29 =	sor.u32 $0x3, s29;
	v35 =	vld.idx.msk [tilespmem:v35+s1+$0x0], $0xffff;
	[tilespmem:v23+s19+$0x0] =	vst.idx.msk $0xffff, v48  }
0x8d: {  	v23 =	vand.u32 $0xF, v52;
	v47 =	vadd.s32 s30, v0;
	v48 =	vadd.s32 s31, v0;
	[tilespmem:v36+s19+$0x0] =	vst.idx.msk $0xffff, v53;
	v36 =	vld.idx.msk [tilespmem:v17+s1+$0x0], $0xffff;
	v17 =	vmovc v51  }
0x8e: {  	v51 =	vand.u32 $0xF, v47;
	v47 =	vshll.u32 v47, $0x6;
	v48 =	vand.u32 $0xF, v48;
	v42 =	vld.idx.msk [tilespmem:v42+s1+$0x0], $0xffff;
	[tilespmem:v20+s19+$0x0] =	vst.idx.msk $0xffff, v45;
	v20 =	vmovc v33  }
0x8f: {  	v33 =	vor.u32 s28, v51;
	v45 =	vand.u32 $0x40, v47;
	v47 =	vor.u32 s28, v48;
	v48 =	vld.idx.msk [tilespmem:v16+s1+$0x0], $0xffff;
	[tilespmem:v19+s19+$0x0] =	vst.idx.msk $0xffff, v46;
	v16 =	vmovc v44  }
0x90: {  	v46 =	vadd.s32 s29, v0;
	v44 =	vand.u32 $0x7F, v33;
	v51 =	vand.u32 $0x7F, v47;
	[tilespmem:v14+s19+$0x0] =	vst.idx.msk $0xffff, v58;
	v52 =	vld.idx.msk [tilespmem:v12+s1+$0x0], $0xffff;
	v12 =	vmovc v24  }
0x91: {  	v24 =	vor.u32 s28, v23;
	v58 =	vshll.u32 v54, $0x3;
	v23 =	vand.u32 $0xF, v46;
	v14 =	vmovc v25;
	v38 =	vld.idx.msk [tilespmem:v38+s1+$0x0], $0xffff;
	[tilespmem:v50+s19+$0x0] =	vst.idx.msk $0xffff, v43  }
0x92: {  	v19 =	vmovc v39;
	v53 =	vand.u32 $0x7F, v24;
	v54 =	vand.u32 $0x400, v58;
	v25 =	vor.u32 s28, v23;
	v37 =	vld.idx.msk [tilespmem:v37+s1+$0x0], $0xffff;
	[tilespmem:v55+s19+$0x0] =	vst.idx.msk $0xffff, v35  }
0x93: {  	v39 =	vor.u32 v1, v54;
	v58 =	vor.u32 v4, v54;
	v49 =	vld.idx.msk [tilespmem:v49+s1+$0x0], $0xffff;
	[tilespmem:v21+s19+$0x0] =	vst.idx.msk $0xffff, v36  }
0x94: {  	v59 =	vor.u32 v7, v54;
	v60 =	vand.u32 $0x7F, v25;
	v21 =	vshll.u32 v33, $0x6;
	v23 =	vmovc v41;
	[tilespmem:v40+s19+$0x0] =	vst.idx.msk $0xffff, v42  }
0x95: {  	v24 =	vshll.u32 v24, $0x6;
	v35 =	vor.u32 v39, v60;
	v21 =	vand.u32 $0x3F80, v21;
	v34 =	vld.idx.msk [tilespmem:v34+s1+$0x0], $0xffff;
	[tilespmem:v13+s19+$0x0] =	vst.idx.msk $0xffff, v48  }
0x96: {  	v40 =	vand.u32 $0x3F80, v24;
	v24 =	vor.u32 v59, v60;
	v33 =	vor.u32 v45, v21;
	[tilespmem:v15+s19+$0x0] =	vst.idx.msk $0xffff, v52  }
0x97: {  	v41 =	vshll.u32 v46, $0x6;
	v43 =	vor.u32 v2, v40;
	v13 =	vmovc v22;
	v36 =	vor.u32 v0, v33;
	v15 =	vmovc v32  }
0x98: {  	v45 =	vshll.u32 v25, $0x6;
	v32 =	vor.u32 v39, v53;
	v22 =	vor.u32 v11, v33;
	[tilespmem:v57+s19+$0x0] =	vst.idx.msk $0xffff, v37  }
0x99: {  	v50 =	vor.u32 v39, v51;
	v25 =	vor.u32 v8, v40;
	v57 =	vor.u32 v39, v44;
	v48 =	vld.idx.msk [tilespmem:v31+s1+$0x0], $0xffff  }
0x9a: {  	v42 =	vor.u32 v58, v53;
	v21 =	vmovc v30;
	v39 =	vand.u32 $0x3F80, v45;
	v31 =	vshll.u32 v47, $0x6;
	[tilespmem:v56+s19+$0x0] =	vst.idx.msk $0xffff, v38  }
0x9b: {  	v37 =	vor.u32 v58, v51;
	v38 =	vor.u32 v58, v44;
	v45 =	vld.idx.msk [tilespmem:v26+s1+$0x0], $0xffff;
	[tilespmem:v28+s19+$0x0] =	vst.idx.msk $0xffff, v49  }
0x9c: {  	v30 =	vor.u32 v5, v54;
	v52 =	vand.u32 $0x3F80, v31;
	v28 =	vand.u32 $0x40, v41;
	[tilespmem:v29+s19+$0x0] =	vst.idx.msk $0xffff, v34;
	v46 =	vld.idx.msk [tilespmem:v27+s1+$0x0], $0xffff  }
.Ltmp5:
0x9d: {  	v26 =	vor.u32 v30, v44;
	v34 =	vor.u32 v30, v53;
	v55 =	vor.u32 v28, v39;
	v54 =	vld.idx.msk [tilespmem:v32+s1+$0x0], $0xffff;
	(pc) =	sbr.rel @p2 .LBB2_6-.Ltmp5, $4  }
0x9e: {  	v47 =	vor.u32 v59, v53;
	v31 =	vor.u32 v30, v51;
	v28 =	vor.u32 v9, v55  }
0x9f: {  	v44 =	vor.u32 v59, v44;
	v27 =	vor.u32 v30, v60;
	v39 =	vor.u32 v10, v55;
	v53 =	vld.idx.msk [tilespmem:v57+s1+$0x0], $0xffff  }
0xa0: {  	v51 =	vor.u32 v59, v51;
	v29 =	vor.u32 v6, v40;
	v32 =	vor.u32 v11, v55  }
0xa1: {  	v41 =	vor.u32 v6, v52;
	v49 =	vor.u32 v58, v60;
	v30 =	vor.u32 v8, v52  }
0xa2: {  	_ =	sdelay $0x3  }
0xa3: {  	v50 =	vld.idx.msk [tilespmem:v50+s1+$0x0], $0xffff;
	v56 =	vor.u32 v2, v52  }
0xa4: {  	v55 =	vor.u32 v0, v55;
	v35 =	vld.idx.msk [tilespmem:v35+s1+$0x0], $0xffff  }
0xa5: {  	[tilespmem:v43+s19+$0x0] =	vst.idx.msk $0xffff, v54  }
0xa6: {  	[tilespmem:v23+s19+$0x0] =	vst.idx.msk $0xffff, v48  }
0xa7: {  	v63 =	vor.u32 v3, v40;
	v48 =	vld.idx.msk [tilespmem:v42+s1+$0x0], $0xffff;
	[tilespmem:v36+s19+$0x0] =	vst.idx.msk $0xffff, v53  }
0xa8: {  	v54 =	vor.u32 v9, v33;
	v38 =	vld.idx.msk [tilespmem:v38+s1+$0x0], $0xffff;
	[tilespmem:v56+s19+$0x0] =	vst.idx.msk $0xffff, v50  }
0xa9: {  	v52 =	vor.u32 v3, v52;
	[tilespmem:v55+s19+$0x0] =	vst.idx.msk $0xffff, v35;
	v53 =	vld.idx.msk [tilespmem:v37+s1+$0x0], $0xffff  }
0xaa: {  	[tilespmem:v20+s19+$0x0] =	vst.idx.msk $0xffff, v45;
	v55 =	vld.idx.msk [tilespmem:v49+s1+$0x0], $0xffff  }
0xab: {  	v18 =	vld.idx.msk [tilespmem:v18+s1+$0x0], $0xffff;
	[tilespmem:v19+s19+$0x0] =	vst.idx.msk $0xffff, v46  }
0xac: {  	v17 =	vld.idx.msk [tilespmem:v17+s1+$0x0], $0xffff;
	[tilespmem:v63+s19+$0x0] =	vst.idx.msk $0xffff, v48  }
0xad: {  	v56 =	vld.idx.msk [tilespmem:v34+s1+$0x0], $0xffff;
	[tilespmem:v54+s19+$0x0] =	vst.idx.msk $0xffff, v38  }
0xae: {  	v58 =	vor.u32 v10, v33;
	v26 =	vld.idx.msk [tilespmem:v26+s1+$0x0], $0xffff;
	[tilespmem:v52+s19+$0x0] =	vst.idx.msk $0xffff, v53  }
0xaf: {  	[tilespmem:v28+s19+$0x0] =	vst.idx.msk $0xffff, v55;
	v57 =	vld.idx.msk [tilespmem:v31+s1+$0x0], $0xffff  }
0xb0: {  	[tilespmem:v14+s19+$0x0] =	vst.idx.msk $0xffff, v18;
	v59 =	vld.idx.msk [tilespmem:v27+s1+$0x0], $0xffff  }
0xb1: {  	v16 =	vld.idx.msk [tilespmem:v16+s1+$0x0], $0xffff;
	[tilespmem:v21+s19+$0x0] =	vst.idx.msk $0xffff, v17  }
0xb2: {  	v12 =	vld.idx.msk [tilespmem:v12+s1+$0x0], $0xffff;
	[tilespmem:v29+s19+$0x0] =	vst.idx.msk $0xffff, v56  }
0xb3: {  	v60 =	vld.idx.msk [tilespmem:v47+s1+$0x0], $0xffff;
	[tilespmem:v58+s19+$0x0] =	vst.idx.msk $0xffff, v26  }
0xb4: {  	v62 =	vld.idx.msk [tilespmem:v44+s1+$0x0], $0xffff;
	[tilespmem:v41+s19+$0x0] =	vst.idx.msk $0xffff, v57  }
0xb5: {  	[tilespmem:v39+s19+$0x0] =	vst.idx.msk $0xffff, v59;
	v61 =	vld.idx.msk [tilespmem:v51+s1+$0x0], $0xffff  }
0xb6: {  	[tilespmem:v13+s19+$0x0] =	vst.idx.msk $0xffff, v16;
	v63 =	vld.idx.msk [tilespmem:v24+s1+$0x0], $0xffff  }
0xb7: {  	[tilespmem:v15+s19+$0x0] =	vst.idx.msk $0xffff, v12  }
0xb8: {  	[tilespmem:v25+s19+$0x0] =	vst.idx.msk $0xffff, v60  }
0xb9: {  	p2 =	sgt.u32 s25, $0xF01;
	[tilespmem:v22+s19+$0x0] =	vst.idx.msk $0xffff, v62  }
0xba: {  	s31 =	sshll.u32 s25, $0xB;
	s26 =	sshll.u32 @!p2 s25, $0x8;
	s28 =	simm.s32 @!p2 $0x800;
	[tilespmem:v30+s19+$0x0] =	vst.idx.msk $0xffff, v61  }
0xbb: {  	s29 =	simm.s32 @!p2 $0x7A1400;
	s30 =	simm.s32 @!p2 $0x0;
	s26 =	sadd.s32 @!p2 s26, s8;
	[tilespmem:v32+s19+$0x0] =	vst.idx.msk $0xffff, v63  }
0xbc: {  	[tilespmem:s30], [sflag:$0x1] =	stream.strided.gather @!p2 [hbm4b:s26+s28], $0x4000, s29, s28, $0x38;
	[tilespmem:$0x10000] =	vst v63  }
0xbd: {  	s26 =	sadd.s32 s5, s31  }
0xbe: {  	[hbm4b:s26+s1] =	stream.linear.scatter [tilespmem:s19], [sflag:$0x3], $0x4000, $0x38;
	[tilespmem:$0x10000] =	vst v63  }
.LBB2_8:
0xbf: {  	s25 =	sor.u32 $0x20, s25  }
0xc0: {  	p2 =	sgt.u32 @!p1 s25, $0xF41  }
0xc1: {  	p1 =	por p1, p2  }
.Ltmp6:
0xc2: {  	_ = 	snop;
	(pc) =	sbr.rel @p1 .LBB2_10-.Ltmp6, $1  }
0xc3: {  	_ =	sdelay $0x3  }
0xc4: {  	_ =	swait.ge [sflag:s20], $0x4000  }
0xc5: {  	[sflag:s20] =	ssyncset.done $0x0  }
0xc6: {  	[sflag:s20] =	ssyncadd.s32 $0xFFFFC000  }
.LBB2_11:
0xc7: {  	s26 =	simm.s32 $0x0  }
0xc8: {  	s28 =	sand.u32 $0xC, s26;
	s26 =	sand.u32 $0xF0, s26  }
0xc9: {  	s29 =	sor.u32 $0x1, s28;
	v12 =	vadd.s32 s28, v0;
	v13 =	vmov s26;
	s30 =	sor.u32 $0x2, s28  }
0xca: {  	s28 =	sor.u32 $0x3, s28;
	v14 =	vadd.s32 s29, v0;
	v12 =	vand.u32 $0xF, v12;
	v15 =	vadd.s32 s30, v0  }
0xcb: {  	v18 =	vadd.s32 s28, v0;
	v13 =	vshll.u32 v13, $0x3;
	v16 =	vand.u32 $0xF, v14  }
0xcc: {  	v14 =	vshll.u32 v14, $0x6;
	v15 =	vand.u32 $0xF, v15;
	v12 =	vor.u32 s26, v12  }
0xcd: {  	v19 =	vand.u32 $0xF, v18;
	v21 =	vand.u32 $0x400, v13;
	v16 =	vor.u32 s26, v16  }
0xce: {  	v14 =	vand.u32 $0x40, v14;
	v15 =	vor.u32 s26, v15;
	v22 =	vand.u32 $0x7F, v12  }
0xcf: {  	v19 =	vor.u32 s26, v19;
	v23 =	vor.u32 v1, v21;
	v24 =	vor.u32 v4, v21  }
0xd0: {  	v25 =	vor.u32 v7, v21;
	v12 =	vshll.u32 v12, $0x6;
	v17 =	vand.u32 $0x7F, v16  }
0xd1: {  	v20 =	vand.u32 $0x7F, v15;
	v13 =	vshll.u32 v16, $0x6;
	v26 =	vand.u32 $0x7F, v19  }
0xd2: {  	v28 =	vand.u32 $0x3F80, v12;
	v16 =	vshll.u32 v18, $0x6;
	v32 =	vor.u32 v23, v22  }
0xd3: {  	v18 =	vshll.u32 v19, $0x6;
	v35 =	vor.u32 v24, v22;
	v15 =	vshll.u32 v15, $0x6  }
0xd4: {  	v19 =	vor.u32 v5, v21;
	v13 =	vand.u32 $0x3F80, v13;
	v27 =	vor.u32 v23, v26  }
0xd5: {  	v12 =	vor.u32 v25, v26;
	v30 =	vor.u32 v2, v28;
	v33 =	vor.u32 v23, v17  }
0xd6: {  	v34 =	vor.u32 v23, v20;
	v18 =	vand.u32 $0x3F80, v18;
	v36 =	vor.u32 v24, v17  }
0xd7: {  	v37 =	vor.u32 v24, v20;
	v38 =	vand.u32 $0x3F80, v15;
	v15 =	vand.u32 $0x40, v16  }
0xd8: {  	s26 =	simm.s32 $0x4;
	v39 =	vor.u32 v19, v22;
	v41 =	vor.u32 v19, v17;
	v44 =	vor.u32 v19, v20  }
0xd9: {  	s28 =	sand.u32 $0xC, s26;
	s29 =	sand.u32 $0xF0, s26;
	v16 =	vor.u32 v25, v17;
	v46 =	vor.u32 v19, v26;
	v47 =	vor.u32 v6, v28  }
0xda: {  	v17 =	vor.u32 v25, v20;
	v60 =	vadd.s32 s28, v0;
	v42 =	vmov s29  }
0xdb: {  	_ =	swait.ge [sflag:s21], $0x4000;
	v29 =	vor.u32 v14, v13;
	v14 =	vor.u32 v8, v28;
	v40 =	vor.u32 v15, v18  }
0xdc: {  	[sflag:s21] =	ssyncset.done $0x0;
	v18 =	vor.u32 v25, v22;
	v23 =	vor.u32 v6, v38;
	v21 =	vor.u32 v8, v38  }
0xdd: {  	s30 =	sor.u32 $0x1, s28;
	s31 =	sor.u32 $0x2, s28;
	s28 =	sor.u32 $0x3, s28;
	v22 =	vor.u32 v24, v26;
	v25 =	vor.u32 v3, v38;
	v28 =	vor.u32 v3, v28  }
0xde: {  	[sflag:s21] =	ssyncadd.s32 $0xFFFFC000;
	v38 =	vor.u32 v2, v38;
	v43 =	vadd.s32 s31, v0;
	v50 =	vadd.s32 s28, v0  }
0xdf: {  	v61 =	vshll.u32 v42, $0x3;
	v31 =	vor.u32 v0, v29;
	v13 =	vor.u32 v11, v29;
	v24 =	vld.idx.msk [tilespmem:v32+s16+$0x0], $0xffff  }
0xe0: {  	v45 =	vor.u32 v9, v40;
	v19 =	vor.u32 v10, v40;
	v15 =	vor.u32 v11, v40;
	v33 =	vld.idx.msk [tilespmem:v33+s16+$0x0], $0xffff  }
0xe1: {  	v26 =	vor.u32 v9, v29;
	v59 =	vor.u32 v0, v40;
	v20 =	vor.u32 v10, v29;
	v34 =	vld.idx.msk [tilespmem:v34+s16+$0x0], $0xffff  }
0xe2: {  	v29 =	vadd.s32 s30, v0;
	v40 =	vand.u32 $0xF, v60;
	v62 =	vand.u32 $0xF, v50;
	v27 =	vld.idx.msk [tilespmem:v27+s16+$0x0], $0xffff  }
0xe3: {  	v43 =	vand.u32 $0xF, v43;
	v48 =	vand.u32 $0xF, v29;
	v63 =	vor.u32 s29, v62  }
0xe4: {  	v29 =	vshll.u32 v29, $0x6;
	v48 =	vor.u32 s29, v48;
	v57 =	vand.u32 $0x7F, v63;
	[tilespmem:v30+s22+$0x0] =	vst.idx.msk $0xffff, v24  }
0xe5: {  	v24 =	vand.u32 $0x40, v29;
	v29 =	vor.u32 s29, v43;
	v30 =	vand.u32 $0x7F, v48;
	[tilespmem:v31+s22+$0x0] =	vst.idx.msk $0xffff, v33  }
0xe6: {  	v31 =	vld.idx.msk [tilespmem:v35+s16+$0x0], $0xffff;
	v49 =	vand.u32 $0x7F, v29;
	v35 =	vor.u32 s29, v40;
	[tilespmem:v38+s22+$0x0] =	vst.idx.msk $0xffff, v34;
	v34 =	vand.u32 $0x400, v61  }
0xe7: {  	[tilespmem:v59+s22+$0x0] =	vst.idx.msk $0xffff, v27;
	v27 =	vshll.u32 v48, $0x6;
	v29 =	vshll.u32 v29, $0x6;
	v53 =	vand.u32 $0x7F, v35  }
0xe8: {  	v37 =	vld.idx.msk [tilespmem:v37+s16+$0x0], $0xffff;
	v60 =	vor.u32 v1, v34;
	v56 =	vor.u32 v4, v34;
	v61 =	vor.u32 v7, v34  }
0xe9: {  	v62 =	vld.idx.msk [tilespmem:v22+s16+$0x0], $0xffff;
	v22 =	vshll.u32 v35, $0x6;
	v27 =	vand.u32 $0x3F80, v27;
	v35 =	vor.u32 v60, v57  }
0xea: {  	v51 =	vld.idx.msk [tilespmem:v36+s16+$0x0], $0xffff;
	v40 =	vand.u32 $0x3F80, v22;
	v33 =	vor.u32 v24, v27;
	v24 =	vor.u32 v61, v57  }
0xeb: {  	v54 =	vor.u32 v60, v53;
	v58 =	vor.u32 v60, v30;
	v42 =	vor.u32 v56, v53  }
0xec: {  	v38 =	vor.u32 v56, v30;
	v43 =	vor.u32 v2, v40;
	v36 =	vor.u32 v0, v33  }
0xed: {  	v52 =	vand.u32 $0x3F80, v29;
	v22 =	vor.u32 v11, v33;
	v29 =	vor.u32 v6, v40;
	[tilespmem:v28+s22+$0x0] =	vst.idx.msk $0xffff, v31  }
0xee: {  	v28 =	vshll.u32 v50, $0x6;
	v31 =	vshll.u32 v63, $0x6;
	v50 =	vor.u32 v60, v49;
	[tilespmem:v25+s22+$0x0] =	vst.idx.msk $0xffff, v37  }
0xef: {  	v63 =	vor.u32 v5, v34;
	v27 =	vld.idx.msk [tilespmem:v39+s16+$0x0], $0xffff;
	v25 =	vor.u32 v8, v40;
	[tilespmem:v26+s22+$0x0] =	vst.idx.msk $0xffff, v51  }
0xf0: {  	v31 =	vand.u32 $0x3F80, v31;
	v37 =	vor.u32 v56, v49;
	[tilespmem:v45+s22+$0x0] =	vst.idx.msk $0xffff, v62;
	v28 =	vand.u32 $0x40, v28  }
0xf1: {  	v34 =	vor.u32 v63, v53;
	v26 =	vor.u32 v63, v30;
	v51 =	vor.u32 v61, v49;
	v48 =	vld.idx.msk [tilespmem:v44+s16+$0x0], $0xffff  }
0xf2: {  	v55 =	vor.u32 v28, v31;
	v31 =	vor.u32 v63, v49;
	v44 =	vor.u32 v61, v30;
	v54 =	vld.idx.msk [tilespmem:v54+s16+$0x0], $0xffff  }
0xf3: {  	v45 =	vld.idx.msk [tilespmem:v41+s16+$0x0], $0xffff;
	v41 =	vor.u32 v6, v52;
	v30 =	vor.u32 v8, v52;
	v49 =	vor.u32 v56, v57  }
0xf4: {  	v28 =	vor.u32 v9, v55;
	[tilespmem:v47+s22+$0x0] =	vst.idx.msk $0xffff, v27;
	v47 =	vor.u32 v61, v53;
	v53 =	vld.idx.msk [tilespmem:v58+s16+$0x0], $0xffff  }
0xf5: {  	v46 =	vld.idx.msk [tilespmem:v46+s16+$0x0], $0xffff;
	v39 =	vor.u32 v10, v55;
	v32 =	vor.u32 v11, v55;
	v27 =	vor.u32 v63, v57  }
.LBB2_12:
0xf6: {  	s26 =	sadd.s32 $0x4, s26;
	v56 =	vor.u32 v9, v33;
	v57 =	vor.u32 v3, v52;
	v55 =	vor.u32 v0, v55;
	v58 =	vld.idx.msk [tilespmem:v18+s16+$0x0], $0xffff  }
0xf7: {  	v40 =	vor.u32 v3, v40;
	s28 =	sand.u32 $0xF0, s26;
	s29 =	sand.u32 $0xC, s26;
	p1 =	slt.u32 s26, $0xFC;
	[tilespmem:v43+s22+$0x0] =	vst.idx.msk $0xffff, v54;
	v43 =	vld.idx.msk [tilespmem:v50+s16+$0x0], $0xffff;
	v50 =	vor.u32 v2, v52  }
0xf8: {  	v33 =	vor.u32 v10, v33;
	v18 =	vmovc v47;
	v52 =	vadd.s32 s29, v0;
	v54 =	vmov s28;
	s30 =	sor.u32 $0x1, s29;
	s31 =	sor.u32 $0x2, s29;
	s29 =	sor.u32 $0x3, s29;
	v35 =	vld.idx.msk [tilespmem:v35+s16+$0x0], $0xffff;
	[tilespmem:v23+s22+$0x0] =	vst.idx.msk $0xffff, v48  }
0xf9: {  	v23 =	vand.u32 $0xF, v52;
	v47 =	vadd.s32 s30, v0;
	v48 =	vadd.s32 s31, v0;
	[tilespmem:v36+s22+$0x0] =	vst.idx.msk $0xffff, v53;
	v36 =	vld.idx.msk [tilespmem:v17+s16+$0x0], $0xffff;
	v17 =	vmovc v51  }
0xfa: {  	v51 =	vand.u32 $0xF, v47;
	v47 =	vshll.u32 v47, $0x6;
	v48 =	vand.u32 $0xF, v48;
	v42 =	vld.idx.msk [tilespmem:v42+s16+$0x0], $0xffff;
	[tilespmem:v20+s22+$0x0] =	vst.idx.msk $0xffff, v45;
	v20 =	vmovc v33  }
0xfb: {  	v33 =	vor.u32 s28, v51;
	v45 =	vand.u32 $0x40, v47;
	v47 =	vor.u32 s28, v48;
	v48 =	vld.idx.msk [tilespmem:v16+s16+$0x0], $0xffff;
	[tilespmem:v19+s22+$0x0] =	vst.idx.msk $0xffff, v46;
	v16 =	vmovc v44  }
0xfc: {  	v46 =	vadd.s32 s29, v0;
	v44 =	vand.u32 $0x7F, v33;
	v51 =	vand.u32 $0x7F, v47;
	[tilespmem:v14+s22+$0x0] =	vst.idx.msk $0xffff, v58;
	v52 =	vld.idx.msk [tilespmem:v12+s16+$0x0], $0xffff;
	v12 =	vmovc v24  }
0xfd: {  	v24 =	vor.u32 s28, v23;
	v58 =	vshll.u32 v54, $0x3;
	v23 =	vand.u32 $0xF, v46;
	v14 =	vmovc v25;
	v38 =	vld.idx.msk [tilespmem:v38+s16+$0x0], $0xffff;
	[tilespmem:v50+s22+$0x0] =	vst.idx.msk $0xffff, v43  }
0xfe: {  	v19 =	vmovc v39;
	v53 =	vand.u32 $0x7F, v24;
	v54 =	vand.u32 $0x400, v58;
	v25 =	vor.u32 s28, v23;
	v37 =	vld.idx.msk [tilespmem:v37+s16+$0x0], $0xffff;
	[tilespmem:v55+s22+$0x0] =	vst.idx.msk $0xffff, v35  }
0xff: {  	v39 =	vor.u32 v1, v54;
	v58 =	vor.u32 v4, v54;
	v49 =	vld.idx.msk [tilespmem:v49+s16+$0x0], $0xffff;
	[tilespmem:v21+s22+$0x0] =	vst.idx.msk $0xffff, v36  }
0x100: {  	v59 =	vor.u32 v7, v54;
	v60 =	vand.u32 $0x7F, v25;
	v21 =	vshll.u32 v33, $0x6;
	v23 =	vmovc v41;
	[tilespmem:v40+s22+$0x0] =	vst.idx.msk $0xffff, v42  }
0x101: {  	v24 =	vshll.u32 v24, $0x6;
	v35 =	vor.u32 v39, v60;
	v21 =	vand.u32 $0x3F80, v21;
	v34 =	vld.idx.msk [tilespmem:v34+s16+$0x0], $0xffff;
	[tilespmem:v13+s22+$0x0] =	vst.idx.msk $0xffff, v48  }
0x102: {  	v40 =	vand.u32 $0x3F80, v24;
	v24 =	vor.u32 v59, v60;
	v33 =	vor.u32 v45, v21;
	[tilespmem:v15+s22+$0x0] =	vst.idx.msk $0xffff, v52  }
0x103: {  	v41 =	vshll.u32 v46, $0x6;
	v43 =	vor.u32 v2, v40;
	v13 =	vmovc v22;
	v36 =	vor.u32 v0, v33;
	v15 =	vmovc v32  }
0x104: {  	v45 =	vshll.u32 v25, $0x6;
	v32 =	vor.u32 v39, v53;
	v22 =	vor.u32 v11, v33;
	[tilespmem:v57+s22+$0x0] =	vst.idx.msk $0xffff, v37  }
0x105: {  	v50 =	vor.u32 v39, v51;
	v25 =	vor.u32 v8, v40;
	v57 =	vor.u32 v39, v44;
	v48 =	vld.idx.msk [tilespmem:v31+s16+$0x0], $0xffff  }
0x106: {  	v42 =	vor.u32 v58, v53;
	v21 =	vmovc v30;
	v39 =	vand.u32 $0x3F80, v45;
	v31 =	vshll.u32 v47, $0x6;
	[tilespmem:v56+s22+$0x0] =	vst.idx.msk $0xffff, v38  }
0x107: {  	v37 =	vor.u32 v58, v51;
	v38 =	vor.u32 v58, v44;
	v45 =	vld.idx.msk [tilespmem:v26+s16+$0x0], $0xffff;
	[tilespmem:v28+s22+$0x0] =	vst.idx.msk $0xffff, v49  }
0x108: {  	v30 =	vor.u32 v5, v54;
	v52 =	vand.u32 $0x3F80, v31;
	v28 =	vand.u32 $0x40, v41;
	[tilespmem:v29+s22+$0x0] =	vst.idx.msk $0xffff, v34;
	v46 =	vld.idx.msk [tilespmem:v27+s16+$0x0], $0xffff  }
.Ltmp7:
0x109: {  	v26 =	vor.u32 v30, v44;
	v34 =	vor.u32 v30, v53;
	v55 =	vor.u32 v28, v39;
	v54 =	vld.idx.msk [tilespmem:v32+s16+$0x0], $0xffff;
	(pc) =	sbr.rel @p1 .LBB2_12-.Ltmp7, $4  }
0x10a: {  	v47 =	vor.u32 v59, v53;
	v31 =	vor.u32 v30, v51;
	v28 =	vor.u32 v9, v55  }
0x10b: {  	v44 =	vor.u32 v59, v44;
	v27 =	vor.u32 v30, v60;
	v39 =	vor.u32 v10, v55;
	v53 =	vld.idx.msk [tilespmem:v57+s16+$0x0], $0xffff  }
0x10c: {  	v51 =	vor.u32 v59, v51;
	v29 =	vor.u32 v6, v40;
	v32 =	vor.u32 v11, v55  }
0x10d: {  	v41 =	vor.u32 v6, v52;
	v49 =	vor.u32 v58, v60;
	v30 =	vor.u32 v8, v52  }
0x10e: {  	_ =	sdelay $0x3  }
0x10f: {  	v50 =	vld.idx.msk [tilespmem:v50+s16+$0x0], $0xffff;
	v56 =	vor.u32 v2, v52  }
0x110: {  	v55 =	vor.u32 v0, v55;
	v35 =	vld.idx.msk [tilespmem:v35+s16+$0x0], $0xffff  }
0x111: {  	[tilespmem:v43+s22+$0x0] =	vst.idx.msk $0xffff, v54  }
0x112: {  	[tilespmem:v23+s22+$0x0] =	vst.idx.msk $0xffff, v48  }
0x113: {  	v63 =	vor.u32 v3, v40;
	v48 =	vld.idx.msk [tilespmem:v42+s16+$0x0], $0xffff;
	[tilespmem:v36+s22+$0x0] =	vst.idx.msk $0xffff, v53  }
0x114: {  	v54 =	vor.u32 v9, v33;
	v38 =	vld.idx.msk [tilespmem:v38+s16+$0x0], $0xffff;
	[tilespmem:v56+s22+$0x0] =	vst.idx.msk $0xffff, v50  }
0x115: {  	v52 =	vor.u32 v3, v52;
	[tilespmem:v55+s22+$0x0] =	vst.idx.msk $0xffff, v35;
	v53 =	vld.idx.msk [tilespmem:v37+s16+$0x0], $0xffff  }
0x116: {  	[tilespmem:v20+s22+$0x0] =	vst.idx.msk $0xffff, v45;
	v55 =	vld.idx.msk [tilespmem:v49+s16+$0x0], $0xffff  }
0x117: {  	v18 =	vld.idx.msk [tilespmem:v18+s16+$0x0], $0xffff;
	[tilespmem:v19+s22+$0x0] =	vst.idx.msk $0xffff, v46  }
0x118: {  	v17 =	vld.idx.msk [tilespmem:v17+s16+$0x0], $0xffff;
	[tilespmem:v63+s22+$0x0] =	vst.idx.msk $0xffff, v48  }
0x119: {  	v56 =	vld.idx.msk [tilespmem:v34+s16+$0x0], $0xffff;
	[tilespmem:v54+s22+$0x0] =	vst.idx.msk $0xffff, v38  }
0x11a: {  	v58 =	vor.u32 v10, v33;
	v26 =	vld.idx.msk [tilespmem:v26+s16+$0x0], $0xffff;
	[tilespmem:v52+s22+$0x0] =	vst.idx.msk $0xffff, v53  }
0x11b: {  	[tilespmem:v28+s22+$0x0] =	vst.idx.msk $0xffff, v55;
	v57 =	vld.idx.msk [tilespmem:v31+s16+$0x0], $0xffff  }
0x11c: {  	[tilespmem:v14+s22+$0x0] =	vst.idx.msk $0xffff, v18;
	v59 =	vld.idx.msk [tilespmem:v27+s16+$0x0], $0xffff  }
0x11d: {  	v16 =	vld.idx.msk [tilespmem:v16+s16+$0x0], $0xffff;
	[tilespmem:v21+s22+$0x0] =	vst.idx.msk $0xffff, v17  }
0x11e: {  	v12 =	vld.idx.msk [tilespmem:v12+s16+$0x0], $0xffff;
	[tilespmem:v29+s22+$0x0] =	vst.idx.msk $0xffff, v56  }
0x11f: {  	v60 =	vld.idx.msk [tilespmem:v47+s16+$0x0], $0xffff;
	[tilespmem:v58+s22+$0x0] =	vst.idx.msk $0xffff, v26  }
0x120: {  	v62 =	vld.idx.msk [tilespmem:v44+s16+$0x0], $0xffff;
	[tilespmem:v41+s22+$0x0] =	vst.idx.msk $0xffff, v57  }
0x121: {  	[tilespmem:v39+s22+$0x0] =	vst.idx.msk $0xffff, v59;
	v61 =	vld.idx.msk [tilespmem:v51+s16+$0x0], $0xffff  }
0x122: {  	[tilespmem:v13+s22+$0x0] =	vst.idx.msk $0xffff, v16;
	v63 =	vld.idx.msk [tilespmem:v24+s16+$0x0], $0xffff  }
0x123: {  	[tilespmem:v15+s22+$0x0] =	vst.idx.msk $0xffff, v12  }
0x124: {  	[tilespmem:v25+s22+$0x0] =	vst.idx.msk $0xffff, v60  }
0x125: {  	p1 =	sgt.u32 s25, $0xF01;
	s31 =	sshll.u32 s25, $0xB;
	[tilespmem:v22+s22+$0x0] =	vst.idx.msk $0xffff, v62  }
.Ltmp8:
0x126: {  	s26 =	sshll.u32 @!p1 s25, $0x8;
	s28 =	simm.s32 @!p1 $0x800;
	[tilespmem:v30+s22+$0x0] =	vst.idx.msk $0xffff, v61;
	(pc) =	sbr.rel .LBB2_14-.Ltmp8, $4  }
0x127: {  	s29 =	simm.s32 @!p1 $0x7A1400;
	s30 =	simm.s32 @!p1 $0x4000;
	s26 =	sadd.s32 @!p1 s26, s8;
	[tilespmem:v32+s22+$0x0] =	vst.idx.msk $0xffff, v63  }
0x128: {  	[tilespmem:s30], [sflag:$0x2] =	stream.strided.gather @!p1 [hbm4b:s26+s28], $0x4000, s29, s28, $0x38;
	[tilespmem:$0x10000] =	vst v63  }
0x129: {  	s25 =	sadd.s32 s5, s31  }
0x12a: {  	[hbm4b:s25+s1] =	stream.linear.scatter [tilespmem:s22], [sflag:$0x4], $0x4000, $0x38;
	[tilespmem:$0x10000] =	vst v63  }
.LBB2_4:
0x12b: {  	p2 =	sgt.u32 s25, $0xF41  }
.Ltmp9:
0x12c: {  	_ = 	snop;
	(pc) =	sbr.rel @p2 .LBB2_8-.Ltmp9, $4  }
.Ltmp10:
0x12d: {  	_ = 	snop;
	(pc) =	sbr.rel @!p2 .LBB2_5-.Ltmp10, $4  }
0x12e: {  	_ = 	snop  }
0x12f: {  	_ = 	snop  }
0x130: {  	_ = 	snop  }
0x131: {  	_ = 	snop  }
.LBB2_10:
0x132: {  	p1 =	sgt.u32 s25, $0xF41  }
.Ltmp11:
0x133: {  	_ = 	snop;
	(pc) =	sbr.rel @p1 .LBB2_14-.Ltmp11, $4  }
.Ltmp12:
0x134: {  	_ = 	snop;
	(pc) =	sbr.rel @!p1 .LBB2_11-.Ltmp12, $4  }
0x135: {  	_ = 	snop  }
0x136: {  	_ = 	snop  }
0x137: {  	_ = 	snop  }
0x138: {  	_ = 	snop  }
.LBB2_16:
0x139: {  	_ =	sfence.sel $0x180000  }
0x13a: {  	[bflag:$0x0] =	sbarrier.arrive $0xFFFF  }
0x13b: {  	p0 =	sne.s32 s2, $0x0;
	_ =	strace $0x90000047  }
0x13c: {  	s0 =	sadd.s32 @!p0 $0x100000, s3;
	[bflag:$0x2] =	sbarrier.arrive $0xFFFF  }
0x13d: {  	[sflag:s0] =	ssyncadd.tile.s32 @!p0 $0x1;
	_ =	shalt  }
.Lfunc_end2:
_tile_overlayer_lowered:
.L_overlay_start_2:
0x13e: {  	(tag) =	ssettag $0x2  }
0x13f: {  	s0 =	rddreg [dreg:$0x0];
	s2 =	stileid.u32  }
0x140: {  	s1 =	rddreg [dreg:$0x1];
	p0 =	sne.s32 s2, $0x0  }
0x141: {  	s3 =	rddreg [dreg:$0x2];
	[bflag:$0x3] =	sbarrier.arrive $0xFFFF;
	s2 =	simm.s32 @!p0 $0x1C05  }
0x142: {  	[timem:s3], [sflag:s2] =	dma.local @!p0 [hbm:s0], s1  }
0x143: {  	s0 =	simm.s32 @!p0 $0x5  }
0x144: {  	_ =	swait.ge @!p0 [sflag:s0], s1  }
0x145: {  	s1 =	ssub.s32 @!p0 $0x0, s1;
	[sflag:s0] =	ssyncset.done @!p0 $0x0  }
0x146: {  	[sflag:s0] =	ssyncadd.s32 @!p0 s1  }
0x147: {  	[bflag:$0x3] =	sbarrier.arrive $0xFFFF  }
0x148: {  	_ =	shalt  }

// kernel: kernel.7.cloned.1.call-start
scs
__scs_entry_jumppad:
0x0: {  	(pc) =	sbr.rel $0x88, $3  }
0x1: {  	(tag) =	ssettag $0x0;
	lr =	simm.s32 $0x1  }
0x2: {  	[smem:$0x3F9F] =	sst lr;
	_ =	strace $0xD0000000  }
0x3: {  	_ = 	snop  }
0x4: {  	_ = 	snop  }
0x5: {  	_ = 	snop  }
0x6: {  	_ = 	snop  }
0x7: {  	_ = 	snop  }
__scs_overlays_trampoline_lowered:
0x8: {  	[smem:$0x3FAE] =	sst s0  }
0x9: {  	[smem:$0x3FAF] =	sst s1  }
0xa: {  	[smem:$0x3FB0] =	sst s2  }
0xb: {  	[smem:$0x3FB1] =	sst s3  }
0xc: {  	[smem:$0x3FB2] =	sst s4  }
0xd: {  	[smem:$0x3FB3] =	sst s5  }
0xe: {  	[smem:$0x3FB4] =	sst s6  }
0xf: {  	[smem:$0x3FB5] =	sst s7  }
0x10: {  	[smem:$0x3FB6] =	sst s8  }
0x11: {  	[smem:$0x3FB7] =	sst s9;
	s0 =	simm.s32 @!p0 $0x0  }
0x12: {  	s1 =	sld [smem:$0x3F9D];
	s0 =	simm.s32 @p0 $0x1  }
0x13: {  	[smem:$0x3FB8] =	sst s0;
	s0 =	simm.s32 @!p1 $0x0  }
0x14: {  	s2 =	sld [smem:$0x3F9C];
	s0 =	simm.s32 @p1 $0x1  }
0x15: {  	[smem:$0x3FB9] =	sst s0;
	s0 =	simm.s32 @!p2 $0x0  }
0x16: {  	s3 =	sld [smem:$0x3FDB];
	s0 =	simm.s32 @p2 $0x1  }
0x17: {  	s4 =	simm.s32 $0x1BF5;
	[smem:$0x3FBB] =	sst s0  }
0x18: {  	s0 =	sld [smem:$0x3F9E];
	_ =	swait.ge [sflag:s4], $0x0  }
0x19: {  	s7 =	sld [smem:$0x3F9F]  }
0x1a: {  	s8 =	sadd.s32 $0xFFFFE003, lr  }
0x1b: {  	s9 =	sadd.s32 $0xFFFFFEF7, lr;
	s5 =	simm.s32 $0xFFFFFFFF;
	p2 =	slt.u32 s8, $0xFFFFF086  }
0x1c: {  	p1 =	slt.u32 s9, $0xF7A;
	s5 =	simm.s32 @!p2 $0x0  }
0x1d: {  	s5 =	simm.s32 @p1 $0x1;
	p0 =	seq.s32 s7, s2  }
0x1e: {  	s7 =	smul.u32 @!p0 $0xF7A, s2;
	p2 =	seq.s32 @!p0 s5, $0x0  }
0x1f: {  	s9 =	smul.u32 $0xF7A, s1;
	s8 =	simm.s32 @!p0 $0x1BF5;
	p2 =	por !p2, p0  }
0x20: {  	[sflag:s8] =	ssyncset.s32 @!p0 $0xFFFFF086;
	s6 =	sadd.s32 @!p0 s3, s7;
	s7 =	simm.s32 @!p0 $0x108  }
0x21: {  	s3 =	sadd.s32 s3, s9;
	s6 =	sadd.s32 @!p0 $0x88, s6;
	s7 =	simm.s32 @p2 $0x1082  }
0x22: {  	[simem:s7], [sflag:s8] =	dma.local @!p0 [hbm:s6], $0xF7A  }
0x23: {  	s9 =	sor.u32 $0xD0000000, s2;
	s6 =	simm.s32 $0x108;
	_ =	swait.ge @!p0 [sflag:s8], $0x0  }
0x24: {  	s3 =	sadd.s32 $0x88, s3;
	s6 =	simm.s32 @!p1 $0x1082;
	[sflag:s4] =	ssyncset.s32 $0xFFFFF086  }
0x25: {  	[simem:s6], [sflag:s4] =	dma.local [hbm:s3], $0xF7A  }
0x26: {  	[smem:$0x3F9F] =	sst s1;
	(tag) =	ssettag s2;
	_ =	strace s9  }
0x27: {  	s1 =	sld [smem:$0x3FAF]  }
0x28: {  	s2 =	sld [smem:$0x3FB0]  }
0x29: {  	s4 =	sld [smem:$0x3FB2]  }
0x2a: {  	p0 =	seq.s32 s5, $0x0;
	s5 =	sld [smem:$0x3FB3]  }
0x2b: {  	s6 =	sld [smem:$0x3FB4]  }
0x2c: {  	s7 =	sld [smem:$0x3FB5]  }
0x2d: {  	s3 =	simm.s32 $0x108;
	s8 =	sld [smem:$0x3FB6]  }
0x2e: {  	s3 =	simm.s32 @!p0 $0x1082;
	s9 =	sld [smem:$0x3FB7]  }
0x2f: {  	lr =	sadd.s32 s0, s3;
	s0 =	sld [smem:$0x3FAE]  }
0x30: {  	s3 =	sld [smem:$0x3FB1]  }
0x31: {  	[smem:$0x3FBA] =	sst s10  }
0x32: {  	s10 =	sld [smem:$0x3FB8];
	_ =	sdelay $0x3  }
0x33: {  	p0 =	seq.s32 s10, $0x1;
	s10 =	sld [smem:$0x3FBA];
	_ =	sdelay $0x3  }
0x34: {  	[smem:$0x3FBA] =	sst s10  }
0x35: {  	s10 =	sld [smem:$0x3FB9];
	_ =	sdelay $0x3  }
0x36: {  	p1 =	seq.s32 s10, $0x1;
	s10 =	sld [smem:$0x3FBA];
	_ =	sdelay $0x3  }
0x37: {  	[smem:$0x3FBA] =	sst s10  }
0x38: {  	s10 =	sld [smem:$0x3FBB]  }
0x39: {  	_ = 	snop;
	(pc) =	sbr.ind lr, $3  }
0x3a: {  	_ = 	snop  }
0x3b: {  	_ = 	snop  }
0x3c: {  	p2 =	seq.s32 s10, $0x1;
	s10 =	sld [smem:$0x3FBA]  }
0x3d: {  	_ =	shalt  }
0x3e: {  	_ =	shalt  }
0x3f: {  	_ =	shalt  }
0x40: {  	_ =	shalt  }
0x41: {  	_ =	shalt  }
0x42: {  	_ =	shalt  }
0x43: {  	_ =	shalt  }
0x44: {  	_ =	shalt  }
0x45: {  	_ =	shalt  }
0x46: {  	_ =	shalt  }
0x47: {  	_ =	shalt  }
0x48: {  	_ =	shalt  }
0x49: {  	_ =	shalt  }
0x4a: {  	_ =	shalt  }
0x4b: {  	_ =	shalt  }
0x4c: {  	_ =	shalt  }
0x4d: {  	_ =	shalt  }
0x4e: {  	_ =	shalt  }
0x4f: {  	_ =	shalt  }
0x50: {  	_ =	shalt  }
0x51: {  	_ =	shalt  }
0x52: {  	_ =	shalt  }
0x53: {  	_ =	shalt  }
0x54: {  	_ =	shalt  }
0x55: {  	_ =	shalt  }
0x56: {  	_ =	shalt  }
0x57: {  	_ =	shalt  }
0x58: {  	_ =	shalt  }
0x59: {  	_ =	shalt  }
0x5a: {  	_ =	shalt  }
0x5b: {  	_ =	shalt  }
0x5c: {  	_ =	shalt  }
0x5d: {  	_ =	shalt  }
0x5e: {  	_ =	shalt  }
0x5f: {  	_ =	shalt  }
0x60: {  	_ =	shalt  }
0x61: {  	_ =	shalt  }
0x62: {  	_ =	shalt  }
0x63: {  	_ =	shalt  }
0x64: {  	_ =	shalt  }
0x65: {  	_ =	shalt  }
0x66: {  	_ =	shalt  }
0x67: {  	_ =	shalt  }
0x68: {  	_ =	shalt  }
0x69: {  	_ =	shalt  }
0x6a: {  	_ =	shalt  }
0x6b: {  	_ =	shalt  }
0x6c: {  	_ =	shalt  }
0x6d: {  	_ =	shalt  }
0x6e: {  	_ =	shalt  }
0x6f: {  	_ =	shalt  }
0x70: {  	_ =	shalt  }
0x71: {  	_ =	shalt  }
0x72: {  	_ =	shalt  }
0x73: {  	_ =	shalt  }
0x74: {  	_ =	shalt  }
0x75: {  	_ =	shalt  }
0x76: {  	_ =	shalt  }
0x77: {  	_ =	shalt  }
0x78: {  	_ =	shalt  }
0x79: {  	_ =	shalt  }
0x7a: {  	_ =	shalt  }
0x7b: {  	_ =	shalt  }
0x7c: {  	_ =	shalt  }
0x7d: {  	_ =	shalt  }
0x7e: {  	_ =	shalt  }
0x7f: {  	_ =	shalt  }
0x80: {  	_ =	shalt  }
0x81: {  	_ =	shalt  }
0x82: {  	_ =	shalt  }
0x83: {  	_ =	shalt  }
0x84: {  	_ =	shalt  }
0x85: {  	_ =	shalt  }
0x86: {  	_ =	shalt  }
0x87: {  	_ =	shalt  }
.Lfunc_end0:
.L_simem_size_0:
called_computation.1_lowered:
.L_overlay_start_0:
0x88: {  	s2 =	sld [smem:$0x3FD9]  }
0x89: {  	s3 =	sld [smem:$0x3FFE];
	_ =	sdelay $0x1  }
0x8a: {  	s1 =	srdreg.scid  }
0x8b: {  	s0 =	sand.u32 $0x1, s1  }
0x8c: {  	s17 =	sshll.u32 s0, $0xA;
	s2 =	sadd.s32 s3, s2  }
0x8d: {  	s2 =	sadd.s32 s2, s17  }
0x8e: {  	[smem:$0x3FC6] =	sst s2  }
0x8f: {  	_ = 	snop  }
0x90: {  	s2 =	sld [smem:$0x3FC9]  }
0x91: {  	s18 =	sld [smem:$0x3FD0];
	(tm) =	ssettm $0x1  }
0x92: {  	s4 =	sld [smem:$0x3FFB];
	_ =	sdelay $0x3  }
0x93: {  	_ =	strace s4  }
0x94: {  	s4 =	sld [smem:$0x3FFC];
	_ =	sdelay $0x3  }
0x95: {  	_ =	strace s4  }
0x96: {  	s4 =	sld [smem:$0x3FFD];
	_ =	sdelay $0x3  }
0x97: {  	_ =	strace s4  }
0x98: {  	_ =	strace $0x8FFFFFFF  }
0x99: {  	s19 =	sld [smem:$0x3FDB];
	_ =	sdelay $0x1  }
0x9a: {  	s5 =	simm.s32 $_scs_section_size  }
0x9b: {  	s6 =	simm.s32 $_size__tile_overlayer_lowered;
	s7 =	simm.s32 $_tile_overlayer_lowered  }
0x9c: {  	s22 =	simm.s32 $0x1BFF;
	s21 =	sshll.u32 s7, $0x1;
	s4 =	sadd.s32 s5, s19  }
0x9d: {  	s8 =	simm.s32 $0x0;
	s20 =	sshll.u32 s6, $0x1;
	s6 =	sadd.s32 s21, s4  }
0x9e: {  	[timem:s8], [sflag:s22] =	dma.local [hbm:s6], s20  }
0x9f: {  	_ =	swait.ge [sflag:s22], s20  }
0xa0: {  	s5 =	ssub.s32 $0x0, s20;
	[sflag:s22] =	ssyncset.done $0x0  }
0xa1: {  	[sflag:s22] =	ssyncadd.s32 s5;
	_ =	sdelay $0x1  }
0xa2: {  	s23 =	simm.s32 $0x1B8B  }
0xa3: {  	_ =	swait.ge [sflag:s23], $0x1  }
0xa4: {  	[sflag:s23] =	ssyncset.done $0x0  }
0xa5: {  	s25 =	simm.s32 $0x1B8E;
	s24 =	sld [smem:$0x3FFE];
	[sflag:s23] =	ssyncadd.s32 $0xFFFFFFFF  }
0xa6: {  	s26 =	simm.s32 $execute0_lowered;
	[smem:$0x3FD2] =	sst s25  }
0xa7: {  	s6 =	sshll.u32 s26, $0x1;
	_ =	strace $0x80000049;
	[dreg:$0x1] =	wrdreg $0xFFFFFFFF  }
0xa8: {  	s28 =	simm.s32 $_size_execute0_lowered;
	s4 =	sadd.s32 s4, s6;
	[dreg:$0x0] =	wrdreg $0x0  }
0xa9: {  	s6 =	sshll.u32 s28, $0x1;
	[dreg:$0x2] =	wrdreg s4  }
0xaa: {  	[dreg:$0x3] =	wrdreg s6  }
0xab: {  	[dreg:$0x4] =	wrdreg $0xC0  }
0xac: {  	_ =	task [dreg:s8], $0x5FFFF  }
0xad: {  	[dreg:$0x1] =	wrdreg $0xFFFFFFFF  }
0xae: {  	[dreg:$0x0] =	wrdreg $0x60  }
0xaf: {  	[dreg:$0x2] =	wrdreg s2  }
0xb0: {  	[dreg:$0x3] =	wrdreg s24  }
0xb1: {  	[dreg:$0x4] =	wrdreg s18  }
0xb2: {  	[dreg:$0x5] =	wrdreg $0x9  }
0xb3: {  	_ =	task.clear_ibuf [dreg:s8], $0x6FFFF;
	_ =	strace $0x90000049  }
0xb4: {  	s29 =	simm.s32 $0x9;
	_ =	strace $0x8000004B  }
0xb5: {  	_ =	swait.ge [sflag:s29], $0x1  }
0xb6: {  	[sflag:s29] =	ssyncadd.s32 $0xFFFFFFFF  }
0xb7: {  	_ =	strace $0x9000004B  }
0xb8: {  	_ =	sfence  }
0xb9: {  	s30 =	sld [smem:$0x0];
	_ =	sdelay $0x2  }
0xba: {  	s31 =	sshll.u32 s1, $0xD;
	s1 =	sshrl.u32 s1, $0x2  }
0xbb: {  	s3 =	sand.u32 $0x4000, s31;
	s1 =	sadd.s32 s1, s30  }
0xbc: {  	s0 =	sor.u32 s3, s0;
	s1 =	sshll.u32 s1, $0x11  }
0xbd: {  	s0 =	sor.u32 s1, s0  }
0xbe: {  	s0 =	sadd.s32 $0x8F2B, s0  }
0xbf: {  	[sflag:s0] =	ssyncadd.remote.s32 $0x1  }
0xc0: {  	_ =	sfence.sel $0xFFFF  }
0xc1: {  	[dreg:$0x0] =	wrdreg $0xFFFFFFFF;
	(pc) =	sbr.abs _section_cstart, $3  }
0xc2: {  	[dreg:$0x1] =	wrdreg $0xFFFFFFFF  }
0xc3: {  	_ =	task.clear_ibuf [dreg:s8], $0x2FFFF;
	_ =	strace $0x9FFFFFFF  }
0xc4: {  	(tm) =	ssettm $0x7FFFFFFF  }
0xc5: {  	_ =	shalt  }
tec
execute0_lowered:
.L_overlay_start_1:
0x0: {  	(tag) =	ssettag $0x1  }
0x1: {  	s6 =	rddreg [dreg:$0x0]  }
0x2: {  	s5 =	rddreg [dreg:$0x1]  }
0x3: {  	s2 =	rddreg [dreg:$0x2];
	s4 =	srdreg.scid;
	s3 =	simm.s32 $0x0  }
0x4: {  	s0 =	stileid.u32;
	s10 =	simm.s32 $0x5;
	s11 =	simm.s32 $0x80  }
0x5: {  	s12 =	simm.s32 $0x6400;
	s13 =	simm.s32 $0xC800;
	s14 =	simm.s32 $0x6480  }
0x6: {  	s15 =	simm.s32 $0x10800;
	s16 =	simm.s32 $0x1;
	s17 =	simm.s32 $0x14800  }
0x7: {  	s18 =	simm.s32 $0x2;
	s19 =	simm.s32 $0x16800;
	s20 =	simm.s32 $0x3  }
0x8: {  	s21 =	simm.s32 $0x4;
	s22 =	simm.s32 $0x0;
	s4 =	sand.u32 $0x1, s4  }
.Ltmp0:
0x9: {  	s8 =	sshll.u32 s0, $0xB;
	[smem:$0x7FF] =	sst s3;
	(pc) =	sbr.rel .LBB2_1-.Ltmp0, $4  }
0xa: {  	s5 =	sadd.s32 $0x800, s5;
	s7 =	ssub.s32 $0x2, s4;
	s4 =	sshll.u32 s4, $0xA  }
0xb: {  	_ =	strace $0x8000004A;
	s9 =	sshrl.u32 s7, $0x1;
	s4 =	sor.u32 s4, s8  }
0xc: {  	v0 =	vlaneseq.u32;
	s7 =	ssub.s32 s7, s9;
	s8 =	sshrl.u32 s4, $0x3;
	s9 =	simm.s32 $0x8000  }
0xd: {  	v1 =	vor.u32 $0x800, v0;
	v2 =	vor.u32 $0x1000, v0;
	v3 =	vor.u32 $0x1800, v0;
	s6 =	sadd.s32 s6, s8;
	s7 =	smax.u32 s7, $0x1;
	s8 =	simm.s32 $0x400  }
.LBB2_10:
0xe: {  	s22 =	sadd.s32 $0x1, s22  }
0xf: {  	_ =	swait.ge [sflag:s20], $0x2000;
	p0 =	sne.s32 s22, s7  }
.Ltmp1:
0x10: {  	[sflag:s20] =	ssyncset.done $0x0;
	(pc) =	sbr.rel @!p0 .LBB2_11-.Ltmp1, $4  }
0x11: {  	[sflag:s20] =	ssyncadd.s32 $0xFFFFE000  }
0x12: {  	_ =	swait.ge [sflag:s21], $0x2000  }
0x13: {  	[sflag:s21] =	ssyncset.done $0x0  }
0x14: {  	[sflag:s21] =	ssyncadd.s32 $0xFFFFE000  }
.LBB2_1:
0x15: {  	[tilespmem:s3], [sflag:$0x5] =	stream.strided.gather [hbm4b:s6+s8], $0x6400, s9, s8, $0x38;
	[tilespmem:$0x18800] =	vst v63  }
0x16: {  	_ =	swait.ge [sflag:s10], $0x6400  }
0x17: {  	[sflag:s10] =	ssyncset.done $0x0  }
0x18: {  	s23 =	simm.s32 $0x20;
	[sflag:s10] =	ssyncadd.s32 $0xFFFF9C00  }
0x19: {  	v4 =	vld [tilespmem:s23+$0xFFFFFFE0]  }
0x1a: {  	v6 =	vld [tilespmem:s23+$0x0]  }
0x1b: {  	v5 =	vld [tilespmem:s23+$0x10]  }
0x1c: {  	v7 =	vld [tilespmem:s23+$0xFFFFFFF0];
	_ =	sdelay $0x1  }
0x1d: {  	s24 =	simm.s32 $0x60;
	s23 =	simm.s32 $0x6420;
	v8 =	vshra.s32 v4, $0x1  }
0x1e: {  	v4 =	vld [tilespmem:s24+$0xFFFFFFE0];
	v9 =	vshra.s32 v6, $0x1;
	[tilespmem:s23+$0xFFFFFFE0] =	vst v8  }
0x1f: {  	v6 =	vld [tilespmem:s24+$0x0];
	v8 =	vshra.s32 v5, $0x1;
	[tilespmem:s23+$0x0] =	vst v9  }
0x20: {  	s25 =	simm.s32 $0x4;
	v7 =	vshra.s32 v7, $0x1;
	v5 =	vld [tilespmem:s24+$0x10];
	[tilespmem:s23+$0x10] =	vst v8  }
.LBB2_2:
0x21: {  	s25 =	sadd.s32 $0x4, s25  }
0x22: {  	v8 =	vld [tilespmem:s24+$0xFFFFFFF0];
	[tilespmem:s23+$0xFFFFFFF0] =	vst v7;
	s23 =	sadd.s32 $0x40, s23;
	p0 =	slt.u32 s25, $0x63C  }
.Ltmp2:
0x23: {  	(pc) =	sbr.rel @p0 .LBB2_2-.Ltmp2, $4  }
0x24: {  	s24 =	sadd.s32 $0x40, s24;
	v7 =	vshra.s32 v4, $0x1  }
0x25: {  	v4 =	vld [tilespmem:s24+$0xFFFFFFE0];
	[tilespmem:s23+$0xFFFFFFE0] =	vst v7;
	v7 =	vshra.s32 v5, $0x1  }
0x26: {  	v5 =	vld [tilespmem:s24+$0x10];
	v9 =	vshra.s32 v6, $0x1;
	[tilespmem:s23+$0x10] =	vst v7  }
0x27: {  	v6 =	vld [tilespmem:s24+$0x0];
	v7 =	vshra.s32 v8, $0x1;
	[tilespmem:s23+$0x0] =	vst v9  }
0x28: {  	v8 =	vld [tilespmem:s24+$0xFFFFFFF0];
	_ =	sdelay $0x1  }
0x29: {  	[tilespmem:s23+$0xFFFFFFF0] =	vst v7;
	s31 =	sadd.s32 $0x40, s23;
	v4 =	vshra.s32 v4, $0x1  }
0x2a: {  	[tilespmem:s31+$0xFFFFFFE0] =	vst v4;
	v4 =	vshra.s32 v5, $0x1  }
0x2b: {  	v5 =	vshra.s32 v6, $0x1;
	[tilespmem:s31+$0x10] =	vst v4  }
0x2c: {  	v4 =	vshra.s32 v8, $0x1;
	[tilespmem:s31+$0x0] =	vst v5  }
0x2d: {  	[tilespmem:s31+$0xFFFFFFF0] =	vst v4  }
0x2e: {  	[tilespmem:s13], [sflag:$0x1] =	stream.indirect.gather [hbm4b:s5+s11], $0x80, s12, s11, $0xb8;
	[tilespmem:$0x18800] =	vst v63  }
0x2f: {  	s23 =	simm.s32 $0x0  }
0x30: {  	[tilespmem:s15], [sflag:$0x2] =	stream.indirect.gather [hbm4b:s5+s11], $0x80, s14, s11, $0xb8;
	[tilespmem:$0x18800] =	vst v63  }
.LBB2_4:
0x31: {  	s25 =	sshll.u32 s23, $0xA  }
0x32: {  	_ =	swait.ge [sflag:s16], $0x4000;
	s24 =	sshrl.u32 s25, $0x2  }
0x33: {  	p0 =	seq.s32 s23, $0x0;
	[sflag:s16] =	ssyncset.done $0x0;
	v4 =	vmov s24  }
0x34: {  	s26 =	simm.s32 @!p0 $0x3;
	[sflag:s16] =	ssyncadd.s32 $0xFFFFC000  }
0x35: {  	_ =	swait.ge @!p0 [sflag:s26], $0x2000  }
0x36: {  	s28 =	simm.s32 $0x0;
	[sflag:s26] =	ssyncset.done @!p0 $0x0  }
0x37: {  	s29 =	sand.u32 $0x70, s28;
	s0 =	sand.u32 $0xC, s28;
	[sflag:s26] =	ssyncadd.s32 @!p0 $0xFFFFE000  }
0x38: {  	v7 =	vor.u32 s29, v0;
	s28 =	sor.u32 $0x1, s0;
	v8 =	vadd.s32 s0, v0;
	v6 =	vld.idx.msk [tilespmem:v4+s29+$0x0 ss:$0x1], $0xffff  }
0x39: {  	s30 =	sor.u32 $0x3, s0;
	v31 =	vor.u32 s29, v2;
	v33 =	vor.u32 s29, v1;
	v9 =	vadd.s32 s28, v0  }
0x3a: {  	v10 =	vadd.s32 s30, v0;
	v21 =	vshll.u32 v8, $0x7;
	v12 =	vshll.u32 v7, $0x7  }
0x3b: {  	v8 =	vand.u32 $0xF, v8;
	v5 =	vshll.u32 v10, $0x7;
	v25 =	vshll.u32 v9, $0x7  }
0x3c: {  	s28 =	simm.s32 $0x4;
	v10 =	vand.u32 $0xF, v10;
	v9 =	vand.u32 $0xF, v9;
	v38 =	vor.u32 v21, v33;
	s26 =	sor.u32 $0x2, s0  }
0x3d: {  	s1 =	sand.u32 $0xC, s28;
	v16 =	vshll.u32 v10, $0x7;
	v11 =	vadd.s32 s26, v0;
	v6 =	vshll.u32 v6, $0x6  }
0x3e: {  	v37 =	vor.u32 v5, v33;
	s31 =	sor.u32 $0x1, s1;
	v13 =	vand.u32 $0xF, v11;
	v6 =	vand.u32 $0x40, v6  }
0x3f: {  	s0 =	sor.u32 $0x2, s1;
	v20 =	vor.u32 v7, v16;
	v42 =	vadd.s32 s31, v0;
	v15 =	vor.u32 v13, v6  }
0x40: {  	v43 =	vadd.s32 s0, v0;
	v17 =	vor.u32 v9, v6;
	v14 =	vor.u32 v12, v15  }
0x41: {  	v30 =	vshll.u32 v11, $0x7;
	v23 =	vor.u32 v10, v6;
	v19 =	vor.u32 v12, v17  }
0x42: {  	v11 =	vshll.u32 v8, $0x7;
	v18 =	vor.u32 v8, v6;
	v6 =	vor.u32 v12, v23  }
0x43: {  	s26 =	sand.u32 $0x70, s28;
	v9 =	vshll.u32 v9, $0x7;
	v13 =	vshll.u32 v13, $0x7;
	v22 =	vor.u32 v12, v18  }
0x44: {  	v8 =	vor.u32 $0x10, v12;
	v10 =	vor.u32 v7, v9;
	v45 =	vor.u32 v9, v31;
	v9 =	vld.idx.msk [tilespmem:v4+s26+$0x0 ss:$0x1], $0xffff  }
0x45: {  	v24 =	vor.u32 v7, v11;
	v27 =	vor.u32 v7, v13;
	v28 =	vor.u32 v15, v8;
	v7 =	vld.idx.msk [tilespmem:v14+s13+$0x0], $0xffff  }
0x46: {  	s30 =	sor.u32 $0x3, s1;
	v26 =	vor.u32 v23, v8;
	v29 =	vor.u32 v18, v8;
	v14 =	vor.u32 v17, v8;
	v8 =	vld.idx.msk [tilespmem:v19+s13+$0x0], $0xffff  }
0x47: {  	v44 =	vadd.s32 s30, v0;
	v49 =	vor.u32 v16, v31;
	v40 =	vor.u32 s26, v0;
	v34 =	vld.idx.msk [tilespmem:v6+s13+$0x0], $0xffff  }
0x48: {  	v56 =	vand.u32 $0xF, v44;
	v46 =	vor.u32 v30, v33;
	v48 =	vshll.u32 v40, $0x7;
	v22 =	vld.idx.msk [tilespmem:v22+s13+$0x0], $0xffff  }
0x49: {  	v33 =	vor.u32 v25, v33;
	v16 =	vshll.u32 v56, $0x7;
	v63 =	vor.u32 $0x10, v48  }
0x4a: {  	v19 =	vor.u32 $0x20, v12;
	v12 =	vor.u32 $0x30, v12;
	v9 =	vshll.u32 v9, $0x6  }
0x4b: {  	v32 =	vor.u32 v17, v19;
	v41 =	vmul.f32 $8.000000000e+00, v7;
	v7 =	vmul.f32 $8.000000000e+00, v8  }
0x4c: {  	v35 =	vor.u32 v23, v19;
	v36 =	vor.u32 v18, v19;
	v34 =	vmul.f32 $8.000000000e+00, v34  }
0x4d: {  	v39 =	vor.u32 v15, v19;
	v19 =	vadd.s32 s1, v0;
	v22 =	vmul.f32 $8.000000000e+00, v22;
	[tilespmem:v10+s17+$0x0] =	vst.idx.msk $0xffff, v7  }
0x4e: {  	v15 =	vor.u32 v15, v12;
	v6 =	vshll.u32 v19, $0x7;
	v7 =	vshll.u32 v42, $0x7;
	[tilespmem:v20+s17+$0x0] =	vst.idx.msk $0xffff, v34;
	v47 =	vld.idx.msk [tilespmem:v14+s13+$0x0], $0xffff  }
0x4f: {  	v10 =	vor.u32 v11, v31;
	v42 =	vand.u32 $0xF, v42;
	[tilespmem:v24+s17+$0x0] =	vst.idx.msk $0xffff, v22;
	v22 =	vand.u32 $0xF, v19;
	v11 =	vld.idx.msk [tilespmem:v26+s13+$0x0], $0xffff  }
0x50: {  	v20 =	vor.u32 v18, v12;
	v18 =	vor.u32 v17, v12;
	v19 =	vor.u32 v13, v31  }
0x51: {  	[tilespmem:v27+s17+$0x0] =	vst.idx.msk $0xffff, v41;
	v31 =	vand.u32 $0x40, v9;
	v9 =	vand.u32 $0xF, v43;
	v27 =	vor.u32 v40, v16;
	v24 =	vld.idx.msk [tilespmem:v29+s13+$0x0], $0xffff  }
0x52: {  	v14 =	vor.u32 s29, v3;
	v26 =	vor.u32 v23, v12;
	v13 =	vor.u32 v9, v31  }
0x53: {  	v28 =	vld.idx.msk [tilespmem:v28+s13+$0x0], $0xffff;
	v23 =	vshll.u32 v42, $0x7;
	v60 =	vor.u32 v48, v13;
	v17 =	vmul.f32 $8.000000000e+00, v47  }
0x54: {  	v12 =	vor.u32 v42, v31;
	v29 =	vor.u32 v40, v23;
	v57 =	vmul.f32 $8.000000000e+00, v11  }
0x55: {  	v8 =	vshll.u32 v44, $0x7;
	v62 =	vor.u32 v48, v12;
	v21 =	vor.u32 v21, v14;
	[tilespmem:v33+s17+$0x0] =	vst.idx.msk $0xffff, v17  }
0x56: {  	v41 =	vor.u32 s26, v1;
	v58 =	vmul.f32 $8.000000000e+00, v24;
	v24 =	vor.u32 v56, v31;
	[tilespmem:v37+s17+$0x0] =	vst.idx.msk $0xffff, v57;
	v32 =	vld.idx.msk [tilespmem:v32+s13+$0x0], $0xffff  }
0x57: {  	v25 =	vor.u32 v25, v14;
	v11 =	vshll.u32 v9, $0x7;
	v50 =	vor.u32 v48, v24;
	v61 =	vld.idx.msk [tilespmem:v35+s13+$0x0], $0xffff  }
0x58: {  	v9 =	vshll.u32 v43, $0x7;
	v42 =	vld.idx.msk [tilespmem:v60+s13+$0x0], $0xffff;
	v17 =	vor.u32 v22, v31;
	[tilespmem:v38+s17+$0x0] =	vst.idx.msk $0xffff, v58;
	v31 =	vmul.f32 $8.000000000e+00, v28  }
0x59: {  	v43 =	vor.u32 $0x20, v48;
	v37 =	vor.u32 v40, v11;
	v59 =	vor.u32 v48, v17;
	v51 =	vld.idx.msk [tilespmem:v36+s13+$0x0], $0xffff  }
0x5a: {  	v28 =	vshll.u32 v22, $0x7;
	v22 =	vor.u32 v30, v14;
	v38 =	vor.u32 v24, v63;
	[tilespmem:v46+s17+$0x0] =	vst.idx.msk $0xffff, v31  }
0x5b: {  	v30 =	vor.u32 $0x30, v48;
	v33 =	vor.u32 v24, v43;
	v39 =	vld.idx.msk [tilespmem:v39+s13+$0x0], $0xffff;
	v31 =	vmul.f32 $8.000000000e+00, v32  }
0x5c: {  	v44 =	vld.idx.msk [tilespmem:v62+s13+$0x0], $0xffff;
	v34 =	vor.u32 v40, v28;
	v35 =	vor.u32 v13, v63;
	v52 =	vmul.f32 $8.000000000e+00, v61  }
0x5d: {  	v40 =	vor.u32 v12, v63;
	v36 =	vor.u32 v17, v63;
	v47 =	vld.idx.msk [tilespmem:v50+s13+$0x0], $0xffff;
	[tilespmem:v45+s17+$0x0] =	vst.idx.msk $0xffff, v31  }
0x5e: {  	s29 =	sshll.u32 s23, $0x1;
	v32 =	vor.u32 v12, v43;
	v46 =	vmul.f32 $8.000000000e+00, v51;
	v45 =	vld.idx.msk [tilespmem:v59+s13+$0x0], $0xffff;
	v31 =	vor.u32 s26, v2;
	[tilespmem:v49+s17+$0x0] =	vst.idx.msk $0xffff, v52  }
.LBB2_5:
0x5f: {  	s28 =	sadd.s32 $0x4, s28;
	v48 =	vor.u32 v17, v43;
	v49 =	vor.u32 v8, v41;
	v26 =	vld.idx.msk [tilespmem:v26+s13+$0x0], $0xffff;
	v50 =	vor.u32 v5, v14  }
0x60: {  	v51 =	vor.u32 v6, v41;
	v43 =	vor.u32 v13, v43;
	s0 =	sand.u32 $0x70, s28;
	s30 =	sand.u32 $0xC, s28;
	p1 =	slt.u32 s28, $0x7C;
	[tilespmem:v10+s17+$0x0] =	vst.idx.msk $0xffff, v46;
	v10 =	vmul.f32 $8.000000000e+00, v39  }
0x61: {  	v5 =	vmovc v8;
	v14 =	vmul.f32 $8.000000000e+00, v42;
	v39 =	vor.u32 s0, v0;
	v46 =	vadd.s32 s30, v0;
	s31 =	sor.u32 $0x1, s30;
	s1 =	sor.u32 $0x2, s30;
	v20 =	vld.idx.msk [tilespmem:v20+s13+$0x0], $0xffff  }
0x62: {  	v8 =	vmul.f32 $8.000000000e+00, v44;
	v42 =	vadd.s32 s31, v0;
	v52 =	vadd.s32 s1, v0;
	s1 =	sor.u32 $0x3, s30;
	v18 =	vld.idx.msk [tilespmem:v18+s13+$0x0], $0xffff;
	[tilespmem:v19+s17+$0x0] =	vst.idx.msk $0xffff, v10  }
0x63: {  	v44 =	vmul.f32 $8.000000000e+00, v45;
	v45 =	vor.u32 v23, v31;
	v19 =	vadd.s32 s1, v0;
	[tilespmem:v37+s17+$0x0] =	vst.idx.msk $0xffff, v14;
	v15 =	vld.idx.msk [tilespmem:v15+s13+$0x0], $0xffff  }
0x64: {  	v53 =	vor.u32 v9, v41;
	v37 =	vshll.u32 v46, $0x7;
	v23 =	vld.idx.msk [tilespmem:v4+s0+$0x0 ss:$0x1], $0xffff;
	[tilespmem:v29+s17+$0x0] =	vst.idx.msk $0xffff, v8;
	v29 =	vmul.f32 $8.000000000e+00, v47  }
0x65: {  	v41 =	vor.u32 v7, v41;
	v8 =	vshll.u32 v19, $0x7;
	v26 =	vmul.f32 $8.000000000e+00, v26;
	v40 =	vld.idx.msk [tilespmem:v40+s13+$0x0], $0xffff  }
0x66: {  	v10 =	vor.u32 v28, v31;
	v14 =	vor.u32 s26, v3;
	s26 =	smov.u32 s0;
	v47 =	vshll.u32 v42, $0x7;
	v28 =	vld.idx.msk [tilespmem:v35+s13+$0x0], $0xffff;
	[tilespmem:v27+s17+$0x0] =	vst.idx.msk $0xffff, v29  }
0x67: {  	v54 =	vshll.u32 v39, $0x7;
	v35 =	vand.u32 $0xF, v19;
	v19 =	vmul.f32 $8.000000000e+00, v20;
	v29 =	vld.idx.msk [tilespmem:v38+s13+$0x0], $0xffff;
	[tilespmem:v50+s17+$0x0] =	vst.idx.msk $0xffff, v26  }
0x68: {  	v38 =	vand.u32 $0xF, v42;
	v50 =	vor.u32 v16, v31;
	v16 =	vmul.f32 $8.000000000e+00, v18;
	[tilespmem:v34+s17+$0x0] =	vst.idx.msk $0xffff, v44  }
0x69: {  	v26 =	vor.u32 v24, v30;
	v34 =	vand.u32 $0xF, v46;
	v36 =	vld.idx.msk [tilespmem:v36+s13+$0x0], $0xffff;
	[tilespmem:v21+s17+$0x0] =	vst.idx.msk $0xffff, v19;
	v21 =	vmul.f32 $8.000000000e+00, v15  }
0x6a: {  	v20 =	vor.u32 v17, v30;
	v18 =	vor.u32 v12, v30;
	v23 =	vshll.u32 v23, $0x6;
	[tilespmem:v25+s17+$0x0] =	vst.idx.msk $0xffff, v16  }
0x6b: {  	v19 =	vor.u32 v11, v31;
	v15 =	vor.u32 v13, v30;
	v12 =	vmul.f32 $8.000000000e+00, v40;
	[tilespmem:v22+s17+$0x0] =	vst.idx.msk $0xffff, v21  }
0x6c: {  	v13 =	vand.u32 $0xF, v52;
	v16 =	vshll.u32 v35, $0x7;
	v21 =	vand.u32 $0x40, v23  }
0x6d: {  	v23 =	vshll.u32 v38, $0x7;
	v27 =	vor.u32 v39, v16;
	v22 =	vmul.f32 $8.000000000e+00, v29;
	[tilespmem:v41+s17+$0x0] =	vst.idx.msk $0xffff, v12  }
0x6e: {  	v11 =	vshll.u32 v13, $0x7;
	v29 =	vor.u32 v39, v23;
	v12 =	vor.u32 v38, v21;
	v25 =	vld.idx.msk [tilespmem:v32+s13+$0x0], $0xffff  }
0x6f: {  	v17 =	vor.u32 v34, v21;
	v13 =	vor.u32 v13, v21;
	v30 =	vmul.f32 $8.000000000e+00, v36;
	[tilespmem:v49+s17+$0x0] =	vst.idx.msk $0xffff, v22  }
0x70: {  	v31 =	vor.u32 v54, v17;
	v32 =	vor.u32 v54, v13;
	v36 =	vshll.u32 v52, $0x7;
	v33 =	vld.idx.msk [tilespmem:v33+s13+$0x0], $0xffff  }
0x71: {  	v24 =	vor.u32 v35, v21;
	v41 =	vor.u32 v54, v12;
	v22 =	vmul.f32 $8.000000000e+00, v28;
	[tilespmem:v51+s17+$0x0] =	vst.idx.msk $0xffff, v30  }
0x72: {  	v46 =	vor.u32 v54, v24;
	v21 =	vor.u32 v6, v14;
	v6 =	vmovc v37;
	v28 =	vshll.u32 v34, $0x7;
	v48 =	vld.idx.msk [tilespmem:v48+s13+$0x0], $0xffff  }
0x73: {  	v37 =	vor.u32 v39, v11;
	v34 =	vor.u32 v39, v28;
	v30 =	vor.u32 $0x10, v54;
	[tilespmem:v53+s17+$0x0] =	vst.idx.msk $0xffff, v22  }
.Ltmp3:
0x74: {  	v35 =	vor.u32 v13, v30;
	v49 =	vmul.f32 $8.000000000e+00, v25;
	v22 =	vor.u32 v9, v14;
	v9 =	vmovc v36;
	v39 =	vld.idx.msk [tilespmem:v43+s13+$0x0], $0xffff;
	(pc) =	sbr.rel @p1 .LBB2_5-.Ltmp3, $4  }
0x75: {  	v40 =	vor.u32 v12, v30;
	v38 =	vor.u32 v24, v30;
	v25 =	vor.u32 v7, v14;
	v42 =	vld.idx.msk [tilespmem:v32+s13+$0x0], $0xffff  }
0x76: {  	v36 =	vor.u32 v17, v30;
	v43 =	vor.u32 $0x20, v54;
	v44 =	vld.idx.msk [tilespmem:v41+s13+$0x0], $0xffff;
	[tilespmem:v45+s17+$0x0] =	vst.idx.msk $0xffff, v49;
	v49 =	vmul.f32 $8.000000000e+00, v33  }
0x77: {  	v30 =	vor.u32 $0x30, v54;
	v7 =	vmovc v47;
	v32 =	vor.u32 v12, v43;
	v45 =	vld.idx.msk [tilespmem:v31+s13+$0x0], $0xffff;
	v31 =	vor.u32 s26, v2  }
0x78: {  	v41 =	vor.u32 s26, v1;
	v33 =	vor.u32 v24, v43;
	v47 =	vld.idx.msk [tilespmem:v46+s13+$0x0], $0xffff;
	v46 =	vmul.f32 $8.000000000e+00, v48;
	[tilespmem:v50+s17+$0x0] =	vst.idx.msk $0xffff, v49  }
0x79: {  	_ =	sdelay $0x3  }
0x7a: {  	v4 =	vmul.f32 $8.000000000e+00, v47  }
0x7b: {  	v45 =	vmul.f32 $8.000000000e+00, v45  }
0x7c: {  	v44 =	vmul.f32 $8.000000000e+00, v44;
	[tilespmem:v27+s17+$0x0] =	vst.idx.msk $0xffff, v4  }
0x7d: {  	[tilespmem:v34+s17+$0x0] =	vst.idx.msk $0xffff, v45;
	v4 =	vmul.f32 $8.000000000e+00, v42;
	v27 =	vld.idx.msk [tilespmem:v38+s13+$0x0], $0xffff  }
0x7e: {  	[tilespmem:v29+s17+$0x0] =	vst.idx.msk $0xffff, v44;
	v29 =	vld.idx.msk [tilespmem:v36+s13+$0x0], $0xffff  }
0x7f: {  	v52 =	vor.u32 v8, v41;
	[tilespmem:v37+s17+$0x0] =	vst.idx.msk $0xffff, v4;
	v4 =	vld.idx.msk [tilespmem:v40+s13+$0x0], $0xffff  }
0x80: {  	v53 =	vor.u32 v6, v41;
	v35 =	vld.idx.msk [tilespmem:v35+s13+$0x0], $0xffff  }
0x81: {  	v54 =	vor.u32 v17, v43;
	v55 =	vor.u32 v7, v41  }
0x82: {  	v56 =	vor.u32 v9, v41;
	v27 =	vmul.f32 $8.000000000e+00, v27  }
0x83: {  	v57 =	vor.u32 v13, v43;
	v29 =	vmul.f32 $8.000000000e+00, v29  }
0x84: {  	v26 =	vld.idx.msk [tilespmem:v26+s13+$0x0], $0xffff;
	v4 =	vmul.f32 $8.000000000e+00, v4;
	[tilespmem:v52+s17+$0x0] =	vst.idx.msk $0xffff, v27  }
0x85: {  	[tilespmem:v53+s17+$0x0] =	vst.idx.msk $0xffff, v29;
	v29 =	vmul.f32 $8.000000000e+00, v35;
	v27 =	vld.idx.msk [tilespmem:v33+s13+$0x0], $0xffff  }
0x86: {  	[tilespmem:v55+s17+$0x0] =	vst.idx.msk $0xffff, v4;
	v4 =	vld.idx.msk [tilespmem:v54+s13+$0x0], $0xffff  }
0x87: {  	v16 =	vor.u32 v16, v31;
	v32 =	vld.idx.msk [tilespmem:v32+s13+$0x0], $0xffff;
	[tilespmem:v56+s17+$0x0] =	vst.idx.msk $0xffff, v29  }
0x88: {  	v5 =	vor.u32 v5, v14;
	v14 =	vor.u32 v28, v31;
	v24 =	vor.u32 v24, v30;
	v28 =	vld.idx.msk [tilespmem:v57+s13+$0x0], $0xffff  }
0x89: {  	v23 =	vor.u32 v23, v31;
	v17 =	vor.u32 v17, v30;
	[tilespmem:v10+s17+$0x0] =	vst.idx.msk $0xffff, v46;
	v10 =	vmul.f32 $8.000000000e+00, v39  }
0x8a: {  	v12 =	vor.u32 v12, v30;
	v11 =	vor.u32 v11, v31;
	v20 =	vld.idx.msk [tilespmem:v20+s13+$0x0], $0xffff;
	v27 =	vmul.f32 $8.000000000e+00, v27  }
0x8b: {  	v18 =	vld.idx.msk [tilespmem:v18+s13+$0x0], $0xffff;
	[tilespmem:v19+s17+$0x0] =	vst.idx.msk $0xffff, v10;
	v10 =	vor.u32 v13, v30;
	v4 =	vmul.f32 $8.000000000e+00, v4  }
0x8c: {  	v13 =	vld.idx.msk [tilespmem:v15+s13+$0x0], $0xffff;
	v15 =	vmul.f32 $8.000000000e+00, v32;
	[tilespmem:v16+s17+$0x0] =	vst.idx.msk $0xffff, v27  }
0x8d: {  	[tilespmem:v14+s17+$0x0] =	vst.idx.msk $0xffff, v4;
	v4 =	vmul.f32 $8.000000000e+00, v28;
	v16 =	vld.idx.msk [tilespmem:v24+s13+$0x0], $0xffff  }
0x8e: {  	v19 =	vor.u32 s26, v3;
	v14 =	vmul.f32 $8.000000000e+00, v26;
	[tilespmem:v23+s17+$0x0] =	vst.idx.msk $0xffff, v15;
	v15 =	vld.idx.msk [tilespmem:v17+s13+$0x0], $0xffff  }
0x8f: {  	v8 =	vor.u32 v8, v19;
	v17 =	vmul.f32 $8.000000000e+00, v20;
	v12 =	vld.idx.msk [tilespmem:v12+s13+$0x0], $0xffff;
	[tilespmem:v11+s17+$0x0] =	vst.idx.msk $0xffff, v4  }
0x90: {  	[tilespmem:v5+s17+$0x0] =	vst.idx.msk $0xffff, v14;
	v4 =	vmul.f32 $8.000000000e+00, v18;
	v5 =	vor.u32 v6, v19;
	v6 =	vld.idx.msk [tilespmem:v10+s13+$0x0], $0xffff  }
0x91: {  	v7 =	vor.u32 v7, v19;
	[tilespmem:v21+s17+$0x0] =	vst.idx.msk $0xffff, v17;
	v10 =	vmul.f32 $8.000000000e+00, v13  }
0x92: {  	[tilespmem:v25+s17+$0x0] =	vst.idx.msk $0xffff, v4;
	v4 =	vor.u32 v9, v19;
	v9 =	vmul.f32 $8.000000000e+00, v16  }
0x93: {  	[tilespmem:v22+s17+$0x0] =	vst.idx.msk $0xffff, v10;
	v10 =	vmul.f32 $8.000000000e+00, v15  }
0x94: {  	s0 =	sshll.u32 s23, $0x13;
	[tilespmem:v8+s17+$0x0] =	vst.idx.msk $0xffff, v9;
	v8 =	vmul.f32 $8.000000000e+00, v12  }
0x95: {  	s0 =	sor.u32 s4, s0;
	[tilespmem:v5+s17+$0x0] =	vst.idx.msk $0xffff, v10;
	v5 =	vmul.f32 $8.000000000e+00, v6  }
0x96: {  	s0 =	sshrl.u32 s0, $0x3;
	[tilespmem:v7+s17+$0x0] =	vst.idx.msk $0xffff, v8  }
0x97: {  	p1 =	seq.s32 s23, $0x63;
	s0 =	sadd.s32 s2, s0;
	[tilespmem:v4+s17+$0x0] =	vst.idx.msk $0xffff, v5  }
0x98: {  	[hbm4b:s0+s8] =	stream.strided.scatter [tilespmem:s17], [sflag:$0x3], $0x2000, s9, s8, $0x38;
	[tilespmem:$0x18800] =	vst v63  }
0x99: {  	s0 =	sshrl.u32 @!p1 s25, $0x2  }
0x9a: {  	s1 =	simm.s32 @!p1 $0x80;
	s25 =	simm.s32 @!p1 $0xC800;
	s0 =	sadd.s32 @!p1 $0x6500, s0  }
0x9b: {  	[tilespmem:s25], [sflag:$0x1] =	stream.indirect.gather @!p1 [hbm4b:s5+s1], $0x80, s0, s1, $0xb8;
	[tilespmem:$0x18800] =	vst v63  }
0x9c: {  	s25 =	sor.u32 $0x1, s29  }
0x9d: {  	s30 =	sshll.u32 s25, $0x7  }
0x9e: {  	_ =	swait.ge [sflag:s18], $0x4000;
	s0 =	sand.u32 $0x3FFFFF80, s30  }
0x9f: {  	[sflag:s18] =	ssyncset.done $0x0;
	v4 =	vmov s0  }
0xa0: {  	[sflag:s18] =	ssyncadd.s32 $0xFFFFC000;
	s0 =	simm.s32 @!p0 $0x4  }
0xa1: {  	_ =	swait.ge @!p0 [sflag:s0], $0x2000  }
0xa2: {  	s31 =	simm.s32 $0x0;
	[sflag:s0] =	ssyncset.done @!p0 $0x0  }
0xa3: {  	s26 =	sand.u32 $0xC, s31;
	s29 =	sand.u32 $0x70, s31;
	[sflag:s0] =	ssyncadd.s32 @!p0 $0xFFFFE000  }
0xa4: {  	v8 =	vadd.s32 s26, v0;
	v6 =	vld.idx.msk [tilespmem:v4+s29+$0x0 ss:$0x1], $0xffff  }
0xa5: {  	v21 =	vshll.u32 v8, $0x7;
	v8 =	vand.u32 $0xF, v8;
	s1 =	sor.u32 $0x1, s26  }
0xa6: {  	v7 =	vor.u32 s29, v0;
	v9 =	vadd.s32 s1, v0;
	v31 =	vor.u32 s29, v2  }
0xa7: {  	v59 =	vor.u32 s29, v1;
	s30 =	sor.u32 $0x3, s26;
	v25 =	vshll.u32 v9, $0x7;
	v12 =	vshll.u32 v7, $0x7  }
0xa8: {  	v9 =	vand.u32 $0xF, v9;
	v38 =	vor.u32 v21, v59;
	v10 =	vadd.s32 s30, v0;
	s0 =	sor.u32 $0x2, s26  }
0xa9: {  	v5 =	vshll.u32 v10, $0x7;
	v11 =	vadd.s32 s0, v0;
	v6 =	vshll.u32 v6, $0x6  }
0xaa: {  	v10 =	vand.u32 $0xF, v10;
	v13 =	vand.u32 $0xF, v11;
	v6 =	vand.u32 $0x40, v6  }
0xab: {  	v33 =	vor.u32 v25, v59;
	v16 =	vshll.u32 v10, $0x7;
	v15 =	vor.u32 v13, v6  }
0xac: {  	v20 =	vor.u32 v7, v16;
	v17 =	vor.u32 v9, v6;
	v14 =	vor.u32 v12, v15  }
0xad: {  	v30 =	vshll.u32 v11, $0x7;
	v18 =	vor.u32 v8, v6;
	v19 =	vor.u32 v12, v17  }
0xae: {  	s28 =	simm.s32 $0x4;
	v11 =	vshll.u32 v8, $0x7;
	v23 =	vor.u32 v10, v6;
	v22 =	vor.u32 v12, v18  }
0xaf: {  	s26 =	sand.u32 $0x70, s28;
	v9 =	vshll.u32 v9, $0x7;
	v13 =	vshll.u32 v13, $0x7;
	v6 =	vor.u32 v12, v23  }
0xb0: {  	v8 =	vor.u32 $0x10, v12;
	v10 =	vor.u32 v7, v9;
	v45 =	vor.u32 v9, v31;
	v9 =	vld.idx.msk [tilespmem:v4+s26+$0x0 ss:$0x1], $0xffff  }
0xb1: {  	v24 =	vor.u32 v7, v11;
	v27 =	vor.u32 v7, v13;
	v28 =	vor.u32 v15, v8;
	v7 =	vld.idx.msk [tilespmem:v14+s15+$0x0], $0xffff  }
0xb2: {  	s0 =	sand.u32 $0xC, s28;
	v26 =	vor.u32 v23, v8;
	v29 =	vor.u32 v18, v8;
	v14 =	vor.u32 v17, v8;
	v8 =	vld.idx.msk [tilespmem:v19+s15+$0x0], $0xffff  }
0xb3: {  	v61 =	vor.u32 v5, v59;
	v49 =	vor.u32 v16, v31;
	v40 =	vor.u32 s26, v0;
	s31 =	sor.u32 $0x1, s0;
	v22 =	vld.idx.msk [tilespmem:v22+s15+$0x0], $0xffff  }
0xb4: {  	v41 =	vor.u32 s26, v1;
	s30 =	sor.u32 $0x2, s0;
	v48 =	vshll.u32 v40, $0x7;
	v63 =	vadd.s32 s31, v0;
	v60 =	vld.idx.msk [tilespmem:v6+s15+$0x0], $0xffff  }
0xb5: {  	v52 =	vadd.s32 s30, v0;
	v54 =	vor.u32 v30, v59;
	v43 =	vor.u32 $0x20, v48  }
0xb6: {  	v42 =	vand.u32 $0xF, v63;
	v19 =	vor.u32 $0x20, v12;
	v9 =	vshll.u32 v9, $0x6  }
0xb7: {  	v58 =	vor.u32 v17, v19;
	v62 =	vmul.f32 $8.000000000e+00, v7;
	v7 =	vmul.f32 $8.000000000e+00, v8  }
0xb8: {  	v35 =	vor.u32 v23, v19;
	v36 =	vor.u32 v18, v19;
	v22 =	vmul.f32 $8.000000000e+00, v22  }
0xb9: {  	v39 =	vor.u32 v15, v19;
	v19 =	vadd.s32 s0, v0;
	v34 =	vmul.f32 $8.000000000e+00, v60;
	[tilespmem:v10+s19+$0x0] =	vst.idx.msk $0xffff, v7  }
0xba: {  	v6 =	vshll.u32 v19, $0x7;
	v10 =	vor.u32 v11, v31;
	[tilespmem:v24+s19+$0x0] =	vst.idx.msk $0xffff, v22;
	v22 =	vand.u32 $0xF, v19  }
0xbb: {  	s0 =	sor.u32 $0x3, s0;
	[tilespmem:v20+s19+$0x0] =	vst.idx.msk $0xffff, v34;
	v19 =	vor.u32 v13, v31;
	v31 =	vand.u32 $0x40, v9;
	v9 =	vand.u32 $0xF, v52;
	v55 =	vld.idx.msk [tilespmem:v14+s15+$0x0], $0xffff  }
0xbc: {  	v12 =	vor.u32 $0x30, v12;
	v53 =	vadd.s32 s0, v0;
	v11 =	vld.idx.msk [tilespmem:v26+s15+$0x0], $0xffff;
	v13 =	vor.u32 v9, v31  }
0xbd: {  	v15 =	vor.u32 v15, v12;
	v56 =	vand.u32 $0xF, v53;
	v60 =	vor.u32 v48, v13  }
0xbe: {  	v16 =	vshll.u32 v56, $0x7;
	v8 =	vshll.u32 v53, $0x7;
	v20 =	vor.u32 v18, v12;
	v24 =	vld.idx.msk [tilespmem:v29+s15+$0x0], $0xffff  }
0xbf: {  	v7 =	vshll.u32 v63, $0x7;
	v18 =	vor.u32 v17, v12;
	[tilespmem:v27+s19+$0x0] =	vst.idx.msk $0xffff, v62;
	v27 =	vor.u32 v40, v16  }
0xc0: {  	v14 =	vor.u32 s29, v3;
	v26 =	vor.u32 v23, v12;
	v28 =	vld.idx.msk [tilespmem:v28+s15+$0x0], $0xffff;
	v17 =	vmul.f32 $8.000000000e+00, v55  }
0xc1: {  	v23 =	vshll.u32 v42, $0x7;
	v12 =	vor.u32 v42, v31;
	v57 =	vmul.f32 $8.000000000e+00, v11  }
0xc2: {  	v29 =	vor.u32 v40, v23;
	v62 =	vor.u32 v48, v12;
	v42 =	vld.idx.msk [tilespmem:v60+s15+$0x0], $0xffff;
	[tilespmem:v33+s19+$0x0] =	vst.idx.msk $0xffff, v17  }
0xc3: {  	v63 =	vor.u32 $0x10, v48;
	v21 =	vor.u32 v21, v14;
	[tilespmem:v61+s19+$0x0] =	vst.idx.msk $0xffff, v57;
	v32 =	vld.idx.msk [tilespmem:v58+s15+$0x0], $0xffff;
	v58 =	vmul.f32 $8.000000000e+00, v24  }
0xc4: {  	v25 =	vor.u32 v25, v14;
	v11 =	vshll.u32 v9, $0x7;
	v61 =	vld.idx.msk [tilespmem:v35+s15+$0x0], $0xffff;
	v24 =	vor.u32 v56, v31  }
0xc5: {  	v17 =	vor.u32 v22, v31;
	v31 =	vmul.f32 $8.000000000e+00, v28;
	v50 =	vor.u32 v48, v24;
	[tilespmem:v38+s19+$0x0] =	vst.idx.msk $0xffff, v58  }
0xc6: {  	v9 =	vshll.u32 v52, $0x7;
	v37 =	vor.u32 v40, v11;
	v59 =	vor.u32 v48, v17;
	v51 =	vld.idx.msk [tilespmem:v36+s15+$0x0], $0xffff  }
0xc7: {  	v28 =	vshll.u32 v22, $0x7;
	v35 =	vor.u32 v13, v63;
	v22 =	vor.u32 v30, v14;
	[tilespmem:v54+s19+$0x0] =	vst.idx.msk $0xffff, v31  }
0xc8: {  	v30 =	vor.u32 $0x30, v48;
	v34 =	vor.u32 v40, v28;
	v39 =	vld.idx.msk [tilespmem:v39+s15+$0x0], $0xffff;
	v31 =	vmul.f32 $8.000000000e+00, v32  }
0xc9: {  	v44 =	vld.idx.msk [tilespmem:v62+s15+$0x0], $0xffff;
	v40 =	vor.u32 v12, v63;
	v33 =	vor.u32 v24, v43;
	v52 =	vmul.f32 $8.000000000e+00, v61  }
0xca: {  	v38 =	vor.u32 v24, v63;
	v36 =	vor.u32 v17, v63;
	v47 =	vld.idx.msk [tilespmem:v50+s15+$0x0], $0xffff;
	[tilespmem:v45+s19+$0x0] =	vst.idx.msk $0xffff, v31  }
0xcb: {  	v32 =	vor.u32 v12, v43;
	v45 =	vld.idx.msk [tilespmem:v59+s15+$0x0], $0xffff;
	v31 =	vor.u32 s26, v2;
	[tilespmem:v49+s19+$0x0] =	vst.idx.msk $0xffff, v52;
	v46 =	vmul.f32 $8.000000000e+00, v51  }
.LBB2_7:
0xcc: {  	s28 =	sadd.s32 $0x4, s28;
	v48 =	vor.u32 v17, v43;
	v49 =	vor.u32 v8, v41;
	v26 =	vld.idx.msk [tilespmem:v26+s15+$0x0], $0xffff;
	v50 =	vor.u32 v5, v14  }
0xcd: {  	v51 =	vor.u32 v6, v41;
	v43 =	vor.u32 v13, v43;
	s0 =	sand.u32 $0x70, s28;
	s1 =	sand.u32 $0xC, s28;
	p0 =	slt.u32 s28, $0x7C;
	[tilespmem:v10+s19+$0x0] =	vst.idx.msk $0xffff, v46;
	v10 =	vmul.f32 $8.000000000e+00, v39  }
0xce: {  	v5 =	vmovc v8;
	v14 =	vmul.f32 $8.000000000e+00, v42;
	v39 =	vor.u32 s0, v0;
	v46 =	vadd.s32 s1, v0;
	s29 =	sor.u32 $0x1, s1;
	s30 =	sor.u32 $0x2, s1;
	v20 =	vld.idx.msk [tilespmem:v20+s15+$0x0], $0xffff  }
0xcf: {  	s1 =	sor.u32 $0x3, s1;
	v8 =	vmul.f32 $8.000000000e+00, v44;
	v42 =	vadd.s32 s29, v0;
	v52 =	vadd.s32 s30, v0;
	v18 =	vld.idx.msk [tilespmem:v18+s15+$0x0], $0xffff;
	[tilespmem:v19+s19+$0x0] =	vst.idx.msk $0xffff, v10  }
0xd0: {  	v19 =	vadd.s32 s1, v0;
	v44 =	vmul.f32 $8.000000000e+00, v45;
	v45 =	vor.u32 v23, v31;
	[tilespmem:v37+s19+$0x0] =	vst.idx.msk $0xffff, v14;
	v15 =	vld.idx.msk [tilespmem:v15+s15+$0x0], $0xffff  }
0xd1: {  	v53 =	vor.u32 v9, v41;
	v37 =	vshll.u32 v46, $0x7;
	v23 =	vld.idx.msk [tilespmem:v4+s0+$0x0 ss:$0x1], $0xffff;
	[tilespmem:v29+s19+$0x0] =	vst.idx.msk $0xffff, v8;
	v29 =	vmul.f32 $8.000000000e+00, v47  }
0xd2: {  	v41 =	vor.u32 v7, v41;
	v8 =	vshll.u32 v19, $0x7;
	v26 =	vmul.f32 $8.000000000e+00, v26;
	v40 =	vld.idx.msk [tilespmem:v40+s15+$0x0], $0xffff  }
0xd3: {  	v10 =	vor.u32 v28, v31;
	v14 =	vor.u32 s26, v3;
	s26 =	smov.u32 s0;
	v47 =	vshll.u32 v42, $0x7;
	v28 =	vld.idx.msk [tilespmem:v35+s15+$0x0], $0xffff;
	[tilespmem:v27+s19+$0x0] =	vst.idx.msk $0xffff, v29  }
0xd4: {  	v54 =	vshll.u32 v39, $0x7;
	v35 =	vand.u32 $0xF, v19;
	v19 =	vmul.f32 $8.000000000e+00, v20;
	v29 =	vld.idx.msk [tilespmem:v38+s15+$0x0], $0xffff;
	[tilespmem:v50+s19+$0x0] =	vst.idx.msk $0xffff, v26  }
0xd5: {  	v38 =	vand.u32 $0xF, v42;
	v50 =	vor.u32 v16, v31;
	v16 =	vmul.f32 $8.000000000e+00, v18;
	[tilespmem:v34+s19+$0x0] =	vst.idx.msk $0xffff, v44  }
0xd6: {  	v26 =	vor.u32 v24, v30;
	v34 =	vand.u32 $0xF, v46;
	v36 =	vld.idx.msk [tilespmem:v36+s15+$0x0], $0xffff;
	[tilespmem:v21+s19+$0x0] =	vst.idx.msk $0xffff, v19;
	v21 =	vmul.f32 $8.000000000e+00, v15  }
0xd7: {  	v20 =	vor.u32 v17, v30;
	v18 =	vor.u32 v12, v30;
	v23 =	vshll.u32 v23, $0x6;
	[tilespmem:v25+s19+$0x0] =	vst.idx.msk $0xffff, v16  }
0xd8: {  	v19 =	vor.u32 v11, v31;
	v15 =	vor.u32 v13, v30;
	v12 =	vmul.f32 $8.000000000e+00, v40;
	[tilespmem:v22+s19+$0x0] =	vst.idx.msk $0xffff, v21  }
0xd9: {  	v13 =	vand.u32 $0xF, v52;
	v16 =	vshll.u32 v35, $0x7;
	v21 =	vand.u32 $0x40, v23  }
0xda: {  	v23 =	vshll.u32 v38, $0x7;
	v27 =	vor.u32 v39, v16;
	v22 =	vmul.f32 $8.000000000e+00, v29;
	[tilespmem:v41+s19+$0x0] =	vst.idx.msk $0xffff, v12  }
0xdb: {  	v11 =	vshll.u32 v13, $0x7;
	v29 =	vor.u32 v39, v23;
	v12 =	vor.u32 v38, v21;
	v25 =	vld.idx.msk [tilespmem:v32+s15+$0x0], $0xffff  }
0xdc: {  	v17 =	vor.u32 v34, v21;
	v13 =	vor.u32 v13, v21;
	v30 =	vmul.f32 $8.000000000e+00, v36;
	[tilespmem:v49+s19+$0x0] =	vst.idx.msk $0xffff, v22  }
0xdd: {  	v31 =	vor.u32 v54, v17;
	v32 =	vor.u32 v54, v13;
	v36 =	vshll.u32 v52, $0x7;
	v33 =	vld.idx.msk [tilespmem:v33+s15+$0x0], $0xffff  }
0xde: {  	v24 =	vor.u32 v35, v21;
	v41 =	vor.u32 v54, v12;
	v22 =	vmul.f32 $8.000000000e+00, v28;
	[tilespmem:v51+s19+$0x0] =	vst.idx.msk $0xffff, v30  }
0xdf: {  	v46 =	vor.u32 v54, v24;
	v21 =	vor.u32 v6, v14;
	v6 =	vmovc v37;
	v28 =	vshll.u32 v34, $0x7;
	v48 =	vld.idx.msk [tilespmem:v48+s15+$0x0], $0xffff  }
0xe0: {  	v37 =	vor.u32 v39, v11;
	v34 =	vor.u32 v39, v28;
	v30 =	vor.u32 $0x10, v54;
	[tilespmem:v53+s19+$0x0] =	vst.idx.msk $0xffff, v22  }
.Ltmp4:
0xe1: {  	v35 =	vor.u32 v13, v30;
	v49 =	vmul.f32 $8.000000000e+00, v25;
	v22 =	vor.u32 v9, v14;
	v9 =	vmovc v36;
	v39 =	vld.idx.msk [tilespmem:v43+s15+$0x0], $0xffff;
	(pc) =	sbr.rel @p0 .LBB2_7-.Ltmp4, $4  }
0xe2: {  	v40 =	vor.u32 v12, v30;
	v38 =	vor.u32 v24, v30;
	v25 =	vor.u32 v7, v14;
	v42 =	vld.idx.msk [tilespmem:v32+s15+$0x0], $0xffff  }
0xe3: {  	v36 =	vor.u32 v17, v30;
	v43 =	vor.u32 $0x20, v54;
	v44 =	vld.idx.msk [tilespmem:v41+s15+$0x0], $0xffff;
	[tilespmem:v45+s19+$0x0] =	vst.idx.msk $0xffff, v49;
	v49 =	vmul.f32 $8.000000000e+00, v33  }
0xe4: {  	v30 =	vor.u32 $0x30, v54;
	v7 =	vmovc v47;
	v32 =	vor.u32 v12, v43;
	v45 =	vld.idx.msk [tilespmem:v31+s15+$0x0], $0xffff;
	v31 =	vor.u32 s26, v2  }
0xe5: {  	v41 =	vor.u32 s26, v1;
	v33 =	vor.u32 v24, v43;
	v47 =	vld.idx.msk [tilespmem:v46+s15+$0x0], $0xffff;
	v46 =	vmul.f32 $8.000000000e+00, v48;
	[tilespmem:v50+s19+$0x0] =	vst.idx.msk $0xffff, v49  }
0xe6: {  	_ =	sdelay $0x3  }
0xe7: {  	v4 =	vmul.f32 $8.000000000e+00, v47  }
0xe8: {  	v45 =	vmul.f32 $8.000000000e+00, v45  }
0xe9: {  	v44 =	vmul.f32 $8.000000000e+00, v44;
	[tilespmem:v27+s19+$0x0] =	vst.idx.msk $0xffff, v4  }
0xea: {  	[tilespmem:v34+s19+$0x0] =	vst.idx.msk $0xffff, v45;
	v4 =	vmul.f32 $8.000000000e+00, v42;
	v27 =	vld.idx.msk [tilespmem:v38+s15+$0x0], $0xffff  }
0xeb: {  	[tilespmem:v29+s19+$0x0] =	vst.idx.msk $0xffff, v44;
	v57 =	vld.idx.msk [tilespmem:v36+s15+$0x0], $0xffff  }
0xec: {  	v58 =	vor.u32 v8, v41;
	[tilespmem:v37+s19+$0x0] =	vst.idx.msk $0xffff, v4;
	v4 =	vld.idx.msk [tilespmem:v40+s15+$0x0], $0xffff  }
0xed: {  	v59 =	vor.u32 v6, v41;
	v35 =	vld.idx.msk [tilespmem:v35+s15+$0x0], $0xffff  }
0xee: {  	v60 =	vor.u32 v17, v43;
	v61 =	vor.u32 v7, v41  }
0xef: {  	v62 =	vor.u32 v9, v41;
	v27 =	vmul.f32 $8.000000000e+00, v27  }
0xf0: {  	v63 =	vor.u32 v13, v43;
	v29 =	vmul.f32 $8.000000000e+00, v57  }
0xf1: {  	v26 =	vld.idx.msk [tilespmem:v26+s15+$0x0], $0xffff;
	v4 =	vmul.f32 $8.000000000e+00, v4;
	[tilespmem:v58+s19+$0x0] =	vst.idx.msk $0xffff, v27  }
0xf2: {  	[tilespmem:v59+s19+$0x0] =	vst.idx.msk $0xffff, v29;
	v44 =	vmul.f32 $8.000000000e+00, v35;
	v27 =	vld.idx.msk [tilespmem:v33+s15+$0x0], $0xffff  }
0xf3: {  	[tilespmem:v61+s19+$0x0] =	vst.idx.msk $0xffff, v4;
	v4 =	vld.idx.msk [tilespmem:v60+s15+$0x0], $0xffff  }
0xf4: {  	v16 =	vor.u32 v16, v31;
	v32 =	vld.idx.msk [tilespmem:v32+s15+$0x0], $0xffff;
	[tilespmem:v62+s19+$0x0] =	vst.idx.msk $0xffff, v44  }
0xf5: {  	v5 =	vor.u32 v5, v14;
	v24 =	vor.u32 v24, v30;
	v45 =	vor.u32 v28, v31;
	v47 =	vld.idx.msk [tilespmem:v63+s15+$0x0], $0xffff  }
0xf6: {  	v48 =	vmul.f32 $8.000000000e+00, v39;
	v23 =	vor.u32 v23, v31;
	v49 =	vor.u32 v17, v30;
	[tilespmem:v10+s19+$0x0] =	vst.idx.msk $0xffff, v46  }
0xf7: {  	v12 =	vor.u32 v12, v30;
	v11 =	vor.u32 v11, v31;
	v20 =	vld.idx.msk [tilespmem:v20+s15+$0x0], $0xffff;
	v27 =	vmul.f32 $8.000000000e+00, v27  }
0xf8: {  	v18 =	vld.idx.msk [tilespmem:v18+s15+$0x0], $0xffff;
	v50 =	vor.u32 v13, v30;
	[tilespmem:v19+s19+$0x0] =	vst.idx.msk $0xffff, v48;
	v4 =	vmul.f32 $8.000000000e+00, v4  }
0xf9: {  	v51 =	vld.idx.msk [tilespmem:v15+s15+$0x0], $0xffff;
	v52 =	vmul.f32 $8.000000000e+00, v32;
	[tilespmem:v16+s19+$0x0] =	vst.idx.msk $0xffff, v27  }
0xfa: {  	[tilespmem:v45+s19+$0x0] =	vst.idx.msk $0xffff, v4;
	v4 =	vmul.f32 $8.000000000e+00, v47;
	v16 =	vld.idx.msk [tilespmem:v24+s15+$0x0], $0xffff  }
0xfb: {  	v54 =	vor.u32 s26, v3;
	v53 =	vmul.f32 $8.000000000e+00, v26;
	[tilespmem:v23+s19+$0x0] =	vst.idx.msk $0xffff, v52;
	v55 =	vld.idx.msk [tilespmem:v49+s15+$0x0], $0xffff  }
0xfc: {  	v56 =	vmul.f32 $8.000000000e+00, v20;
	v57 =	vor.u32 v8, v54;
	v12 =	vld.idx.msk [tilespmem:v12+s15+$0x0], $0xffff;
	[tilespmem:v11+s19+$0x0] =	vst.idx.msk $0xffff, v4  }
0xfd: {  	[tilespmem:v5+s19+$0x0] =	vst.idx.msk $0xffff, v53;
	v5 =	vor.u32 v6, v54;
	v4 =	vmul.f32 $8.000000000e+00, v18;
	v58 =	vld.idx.msk [tilespmem:v50+s15+$0x0], $0xffff  }
0xfe: {  	[tilespmem:v21+s19+$0x0] =	vst.idx.msk $0xffff, v56;
	v59 =	vmul.f32 $8.000000000e+00, v51;
	v60 =	vor.u32 v7, v54  }
0xff: {  	[tilespmem:v25+s19+$0x0] =	vst.idx.msk $0xffff, v4;
	v4 =	vor.u32 v9, v54;
	v61 =	vmul.f32 $8.000000000e+00, v16  }
0x100: {  	[tilespmem:v22+s19+$0x0] =	vst.idx.msk $0xffff, v59;
	v62 =	vmul.f32 $8.000000000e+00, v55  }
.Ltmp5:
0x101: {  	s0 =	sshll.u32 s25, $0x12;
	v63 =	vmul.f32 $8.000000000e+00, v12;
	[tilespmem:v57+s19+$0x0] =	vst.idx.msk $0xffff, v61;
	(pc) =	sbr.rel @p1 .LBB2_10-.Ltmp5, $4  }
0x102: {  	s0 =	sor.u32 s4, s0;
	[tilespmem:v5+s19+$0x0] =	vst.idx.msk $0xffff, v62;
	v5 =	vmul.f32 $8.000000000e+00, v58  }
0x103: {  	s0 =	sshrl.u32 s0, $0x3;
	[tilespmem:v60+s19+$0x0] =	vst.idx.msk $0xffff, v63  }
0x104: {  	s0 =	sadd.s32 s2, s0;
	[tilespmem:v4+s19+$0x0] =	vst.idx.msk $0xffff, v5  }
0x105: {  	[hbm4b:s0+s8] =	stream.strided.scatter [tilespmem:s19], [sflag:$0x4], $0x2000, s9, s8, $0x38;
	[tilespmem:$0x18800] =	vst v63  }
.Ltmp6:
0x106: {  	(pc) =	sbr.rel .LBB2_4-.Ltmp6, $3  }
0x107: {  	_ =	sdelay $0x1  }
0x108: {  	s0 =	sadd.s32 $0x6580, s24;
	s23 =	sadd.s32 $0x1, s23  }
0x109: {  	[tilespmem:s15], [sflag:$0x2] =	stream.indirect.gather [hbm4b:s5+s11], $0x80, s0, s11, $0xb8;
	[tilespmem:$0x18800] =	vst v63  }
.LBB2_11:
0x10a: {  	_ =	sfence.sel $0x180000  }
0x10b: {  	[bflag:$0x0] =	sbarrier.arrive $0xFFFF  }
0x10c: {  	_ =	strace $0x9000004A  }
0x10d: {  	s0 =	stileid.u32;
	[bflag:$0x2] =	sbarrier.arrive $0xFFFF  }
0x10e: {  	p0 =	sne.s32 s0, $0x0;
	s0 =	rddreg [dreg:$0x3]  }
0x10f: {  	s0 =	sadd.s32 @!p0 $0x100000, s0  }
0x110: {  	[sflag:s0] =	ssyncadd.tile.s32 @!p0 $0x1;
	_ =	shalt  }
.Lfunc_end2:
_tile_overlayer_lowered:
.L_overlay_start_2:
0x111: {  	(tag) =	ssettag $0x2  }
0x112: {  	s0 =	rddreg [dreg:$0x0];
	s2 =	stileid.u32  }
0x113: {  	s1 =	rddreg [dreg:$0x1];
	p0 =	sne.s32 s2, $0x0  }
0x114: {  	s3 =	rddreg [dreg:$0x2];
	[bflag:$0x3] =	sbarrier.arrive $0xFFFF;
	s2 =	simm.s32 @!p0 $0x1C05  }
0x115: {  	[timem:s3], [sflag:s2] =	dma.local @!p0 [hbm:s0], s1  }
0x116: {  	s0 =	simm.s32 @!p0 $0x5  }
0x117: {  	_ =	swait.ge @!p0 [sflag:s0], s1  }
0x118: {  	s1 =	ssub.s32 @!p0 $0x0, s1;
	[sflag:s0] =	ssyncset.done @!p0 $0x0  }
0x119: {  	[sflag:s0] =	ssyncadd.s32 @!p0 s1  }
0x11a: {  	[bflag:$0x3] =	sbarrier.arrive $0xFFFF  }
0x11b: {  	_ =	shalt  }

</sc_bundles>
